<compile_context>
chip_gen: v7x
topology: tpu7x:2x2x1
jax: 0.10.2.dev20260603
libtpu: 0.0.44.dev20260713+nightly
codegen_flags: <defaults>
</compile_context>

<pallas_src>
import functools

import jax
import jax.numpy as jnp
from jax import lax
from jax.experimental import pallas as pl
from jax.experimental.pallas import tpu as pltpu
from jax.experimental.pallas import tpu_sc as plsc

N = 10000
E = 640000
G = 64
D_IN = 12
H = 32
P = 3

NW = 32
NP = N + 16
CHUNK = 16000
CHUNK3 = 8000


_SC_PARAMS = pltpu.CompilerParams(needs_layout_passes=False)


def _wid():
    return lax.axis_index("s") * 2 + lax.axis_index("c")


def _mesh():
    return plsc.VectorSubcoreMesh(core_axis_name="c", subcore_axis_name="s")




def _zero(ref, n):
    @plsc.parallel_loop(0, n, unroll=4)
    def _(i):
        ref[pl.ds(i * 16, 16)] = jnp.zeros((16,), jnp.float32)


def _deg_body(pk_hbm, out_hbm, pk_v, acc_v, sem):
    w = _wid()
    shard = E // NW
    cp = pltpu.async_copy(pk_hbm.at[pl.ds(w * shard, shard)], pk_v, sem)
    _zero(acc_v, NP // 16)
    cp.wait()
    ones = jnp.ones((16,), jnp.float32)

    @plsc.parallel_loop(0, shard // 16, unroll=8)
    def _(j):
        word = pk_v[pl.ds(j * 16, 16)]
        cidx = lax.shift_right_logical(word, 16)
        plsc.addupdate_scatter(acc_v, [cidx], ones)

    pltpu.sync_copy(acc_v, out_hbm.at[w])


def _deg_partials(packed):
    return pl.kernel(
        _deg_body,
        out_type=jax.ShapeDtypeStruct((NW, NP), jnp.float32),
        mesh=_mesh(),
        compiler_params=_SC_PARAMS,
        scratch_types=[
            pltpu.VMEM((E // NW,), jnp.int32),
            pltpu.VMEM((NP,), jnp.float32),
            pltpu.SemaphoreType.DMA,
        ],
    )(packed)


def _chunk_loop(pk_hbm, base, nch, chunk, pk0, pk1, sem0, sem1, inner):

    def start(k, buf, sem):
        pltpu.async_copy(pk_hbm.at[pl.ds(base + k * chunk, chunk)], buf, sem)

    def wait(k, buf, sem):
        pltpu.make_async_copy(pk_hbm.at[pl.ds(base + k * chunk, chunk)],
                              buf, sem).wait()

    def pair(i, c):
        k = 2 * i

        @pl.when(k + 1 < nch)
        def _():
            start(k + 1, pk1, sem1)

        wait(k, pk0, sem0)
        inner(pk0)

        @pl.when(k + 2 < nch)
        def _():
            start(k + 2, pk0, sem0)

        @pl.when(k + 1 < nch)
        def _():
            wait(k + 1, pk1, sem1)
            inner(pk1)

        return c

    lax.fori_loop(0, (nch + 1) // 2, pair, 0)


def _p3_body(gt_hbm, pk_hbm, out_hbm,
             gp_v, a0, a1, pk0, pk1, sem0, sem1):
    w = _wid()
    is_pair = w < 16
    s = w % 16
    shard = E // 16
    nch = shard // CHUNK3
    base = s * shard
    pltpu.async_copy(pk_hbm.at[pl.ds(base, CHUNK3)], pk0, sem0)

    @pl.when(is_pair)
    def _():
        pltpu.sync_copy(gt_hbm.at[0], gp_v)
        _zero(a0, NP // 16)
        _zero(a1, NP // 16)

        def inner(buf):
            @plsc.parallel_loop(0, CHUNK3 // 16, unroll=8)
            def _(j):
                word = buf[pl.ds(j * 16, 16)]
                r = word & 0xFFFF
                cidx = lax.shift_right_logical(word, 16)
                gw = plsc.load_gather(gp_v, [r])
                lo = plsc.bitcast(gw << 16, jnp.float32)
                hi = plsc.bitcast(gw & (-65536), jnp.float32)
                plsc.addupdate_scatter(a0, [cidx], lo)
                plsc.addupdate_scatter(a1, [cidx], hi)

        _chunk_loop(pk_hbm, base, nch, CHUNK3, pk0, pk1, sem0, sem1, inner)
        pltpu.sync_copy(a0, out_hbm.at[3 * s])
        pltpu.sync_copy(a1, out_hbm.at[3 * s + 1])

    @pl.when(jnp.logical_not(is_pair))
    def _():
        pltpu.sync_copy(gt_hbm.at[1], gp_v)
        _zero(a0, NP // 16)

        def inner(buf):
            @plsc.parallel_loop(0, CHUNK3 // 16, unroll=8)
            def _(j):
                word = buf[pl.ds(j * 16, 16)]
                r = word & 0xFFFF
                cidx = lax.shift_right_logical(word, 16)
                vals = plsc.bitcast(plsc.load_gather(gp_v, [r]), jnp.float32)
                plsc.addupdate_scatter(a0, [cidx], vals)

        _chunk_loop(pk_hbm, base, nch, CHUNK3, pk0, pk1, sem0, sem1, inner)
        pltpu.sync_copy(a0, out_hbm.at[3 * s + 2])


def _edge_agg_p3(gt3, packed):
    return pl.kernel(
        _p3_body,
        out_type=jax.ShapeDtypeStruct((16 * P, NP), jnp.float32),
        mesh=_mesh(),
        compiler_params=_SC_PARAMS,
        scratch_types=[
            pltpu.VMEM((NP,), jnp.int32),
            pltpu.VMEM((NP,), jnp.float32),
            pltpu.VMEM((NP,), jnp.float32),
            pltpu.VMEM((CHUNK3,), jnp.int32),
            pltpu.VMEM((CHUNK3,), jnp.int32),
            pltpu.SemaphoreType.DMA,
            pltpu.SemaphoreType.DMA,
        ],
    )(gt3, packed)


def _pair_body(gp_hbm, pk_hbm, out_hbm, gp_v, a0, a1, pk0, pk1, sem0, sem1):
    w = _wid()
    p = w % (H // 2)
    s = w // (H // 2)

    shard = E // 2
    base = s * shard
    nch = shard // CHUNK
    pltpu.async_copy(pk_hbm.at[pl.ds(base, CHUNK)], pk0, sem0)

    pltpu.sync_copy(gp_hbm.at[p], gp_v)
    _zero(a0, NP // 16)
    _zero(a1, NP // 16)

    def inner(buf):
        @plsc.parallel_loop(0, CHUNK // 16, unroll=8)
        def _(j):
            word = buf[pl.ds(j * 16, 16)]
            r = word & 0xFFFF
            cidx = lax.shift_right_logical(word, 16)
            gw = plsc.load_gather(gp_v, [r])
            lo = plsc.bitcast(gw << 16, jnp.float32)
            hi = plsc.bitcast(gw & (-65536), jnp.float32)
            plsc.addupdate_scatter(a0, [cidx], lo)
            plsc.addupdate_scatter(a1, [cidx], hi)

    _chunk_loop(pk_hbm, base, nch, CHUNK, pk0, pk1, sem0, sem1, inner)
    pltpu.sync_copy(a0, out_hbm.at[s, 2 * p])
    pltpu.sync_copy(a1, out_hbm.at[s, 2 * p + 1])


def _edge_agg_pairs(gp, packed):
    return pl.kernel(
        _pair_body,
        out_type=jax.ShapeDtypeStruct((2, H, NP), jnp.float32),
        mesh=_mesh(),
        compiler_params=_SC_PARAMS,
        scratch_types=[
            pltpu.VMEM((NP,), jnp.int32),
            pltpu.VMEM((NP,), jnp.float32),
            pltpu.VMEM((NP,), jnp.float32),
            pltpu.VMEM((CHUNK,), jnp.int32),
            pltpu.VMEM((CHUNK,), jnp.int32),
            pltpu.SemaphoreType.DMA,
            pltpu.SemaphoreType.DMA,
        ],
    )(gp, packed)




def _pack_pairs(g):
    gu = lax.bitcast_convert_type(g.astype(jnp.bfloat16), jnp.uint16)
    gu = gu.astype(jnp.uint32).reshape(g.shape[0] // 2, 2, g.shape[1])
    packed = (gu[:, 1, :] << 16) | gu[:, 0, :]
    return lax.bitcast_convert_type(packed, jnp.int32)


def _unpack_pairs(gp):
    lo = lax.bitcast_convert_type(gp << 16, jnp.float32)
    hi = lax.bitcast_convert_type(gp & jnp.int32(-65536), jnp.float32)
    st = jnp.concatenate([lo[:, None, :], hi[:, None, :]], axis=1)
    return st.reshape(2 * gp.shape[0], gp.shape[1])


def _tc1_body(parts_ref, x_ref, w1_ref, dinv_ref, g1_ref):
    deg = 1.0 + jnp.sum(parts_ref[...], axis=0, keepdims=True)
    dinv = lax.rsqrt(deg)
    dinv_ref[...] = dinv
    xw = lax.dot_general(w1_ref[...], x_ref[...],
                         (((0,), (1,)), ((), ())),
                         preferred_element_type=jnp.float32)
    xw = jnp.concatenate([xw, jnp.zeros((H, NP - N), jnp.float32)], axis=1)
    g1_ref[...] = _pack_pairs(xw * dinv)


def _tc1(parts, x, w1):
    return pl.pallas_call(
        _tc1_body,
        out_shape=(
            jax.ShapeDtypeStruct((1, NP), jnp.float32),
            jax.ShapeDtypeStruct((H // 2, NP), jnp.int32),
        ),
    )(parts, x, w1)


def _tc_mid_body(pack_out, parts_ref, gp_ref, dinv_ref, b_ref, wm_ref, bm_ref,
                 wn_ref, *out_refs):
    dinv = dinv_ref[...]
    agg = parts_ref[0] + parts_ref[1] + _unpack_pairs(gp_ref[...])
    h = jnp.maximum(agg * dinv + b_ref[...], 0.0)
    hm = lax.dot_general(wm_ref[...], h, (((0,), (0,)), ((), ())),
                         preferred_element_type=jnp.float32) + bm_ref[...]
    hm = jnp.maximum(hm, 0.0)
    gn = lax.dot_general(wn_ref[...], hm, (((0,), (0,)), ((), ())),
                         preferred_element_type=jnp.float32)
    gn = gn * dinv
    if pack_out:
        out_refs[0][...] = _pack_pairs(gn)
    else:
        lo = lax.bitcast_convert_type(gn[0:1].astype(jnp.bfloat16),
                                      jnp.uint16).astype(jnp.uint32)
        hi = lax.bitcast_convert_type(gn[1:2].astype(jnp.bfloat16),
                                      jnp.uint16).astype(jnp.uint32)
        pair_row = lax.bitcast_convert_type((hi << 16) | lo, jnp.int32)
        f2_row = lax.bitcast_convert_type(gn[2:3], jnp.int32)
        zero_rows = jnp.zeros((6, gn.shape[1]), jnp.int32)
        out_refs[0][...] = jnp.concatenate([pair_row, f2_row, zero_rows], 0)


def _tc_mid(agg2, gp, dinv, b_col, wm, bm_col, wn, nf_out, pack_out):
    if pack_out:
        oshape = jax.ShapeDtypeStruct((nf_out // 2, NP), jnp.int32)
    else:
        oshape = jax.ShapeDtypeStruct((8, NP), jnp.int32)
    return pl.pallas_call(
        functools.partial(_tc_mid_body, pack_out),
        out_shape=oshape,
    )(agg2, gp, dinv, b_col, wm, bm_col, wn)


def _tc3_body(parts_ref, gt3_ref, dinv_ref, b3_ref, batch_ref, out_ref):
    gp3 = gt3_ref[0:1]
    lo3 = lax.bitcast_convert_type(gp3 << 16, jnp.float32)
    hi3 = lax.bitcast_convert_type(gp3 & jnp.int32(-65536), jnp.float32)
    f2 = lax.bitcast_convert_type(gt3_ref[1:2], jnp.float32)
    a0, a1, a2 = lo3, hi3, f2
    for s in range(16):
        a0 = a0 + parts_ref[3 * s:3 * s + 1]
        a1 = a1 + parts_ref[3 * s + 1:3 * s + 2]
        a2 = a2 + parts_ref[3 * s + 2:3 * s + 3]
    agg = jnp.concatenate([a0, a1, a2], axis=0)
    h3 = agg * dinv_ref[...] + b3_ref[...]
    gids = lax.broadcasted_iota(jnp.int32, (G, NP), 0)
    oh = (gids == batch_ref[...]).astype(jnp.float32)
    pooled = lax.dot_general(oh, h3, (((1,), (1,)), ((), ())),
                             preferred_element_type=jnp.float32)
    m = jnp.max(pooled, axis=1, keepdims=True)
    ex = jnp.exp(pooled - m)
    lse = jnp.log(jnp.sum(ex, axis=1, keepdims=True))
    out_ref[...] = pooled - m - lse


def _tc3(parts3, gt3, dinv, b3_col, batch2d):
    return pl.pallas_call(
        _tc3_body,
        out_shape=jax.ShapeDtypeStruct((G, P), jnp.float32),
    )(parts3, gt3, dinv, b3_col, batch2d)




def kernel(x, edge_index, batch, W1, b1, Wm1, bm1, W2, b2, Wm2, bm2, W3, b3):
    ei = edge_index.astype(jnp.int32)
    packed = ei[1] * 65536 + ei[0]

    batch2d = jnp.pad(batch.astype(jnp.int32), (0, NP - N),
                      constant_values=G).reshape(1, NP)
    b1c = b1.reshape(H, 1)
    bm1c = bm1.reshape(H, 1)
    b2c = b2.reshape(H, 1)
    bm2c = bm2.reshape(H, 1)
    b3c = b3.reshape(P, 1)

    deg_parts = _deg_partials(packed)
    dinv, gp1 = _tc1(deg_parts, x, W1)

    agg1 = _edge_agg_pairs(gp1, packed)
    gp2 = _tc_mid(agg1, gp1, dinv, b1c, Wm1, bm1c, W2, H, True)

    agg2 = _edge_agg_pairs(gp2, packed)
    gt3 = _tc_mid(agg2, gp2, dinv, b2c, Wm2, bm2c, W3, P, False)

    parts3 = _edge_agg_p3(gt3, packed)
    return _tc3(parts3, gt3, dinv, b3c, batch2d)

# --- scband reference (transcript-rebuilt; emitter-appended) ---
"""Pipeline reference for scband-net-53678501266229 (READ-ONLY COPY).

The authoritative reference and input builder live on the scoring server;
editing this copy changes nothing except your own understanding.
"""

import jax, jax.numpy as jnp
import numpy as np

N = 10000
E = 640000
G = 64
D_IN = 12
H = 32
P = 3


def gcn_conv(x, edge_index, W, b, num_nodes):
    # PyG GCNConv: add self-loops, symmetric degree normalization, scatter-add aggregation
    xw = x @ W
    self_loops = jnp.arange(num_nodes, dtype=edge_index.dtype)
    row = jnp.concatenate([edge_index[0], self_loops])
    col = jnp.concatenate([edge_index[1], self_loops])
    deg = jax.ops.segment_sum(jnp.ones(row.shape[0], dtype=xw.dtype), col, num_segments=num_nodes)
    dinv = jnp.where(deg > 0, deg ** -0.5, 0.0)
    norm = dinv[row] * dinv[col]
    msgs = norm[:, None] * jnp.take(xw, row, axis=0)
    out = jax.ops.segment_sum(msgs, col, num_segments=num_nodes)
    return out + b


def setup_inputs(seed: int = 0) -> dict:
    key = jax.random.key(seed)
    ks = jax.random.split(key, 16)
    x = jax.random.normal(ks[0], (N, D_IN), dtype=jnp.float32)
    edge_index = jax.random.randint(ks[1], (2, E), 0, N, dtype=jnp.int64)
    batch = jnp.sort(jax.random.randint(ks[2], (N,), 0, G, dtype=jnp.int64))
    def lin(k, fan_in, fan_out):
        bound = 1.0 / np.sqrt(fan_in)
        kw, kb = jax.random.split(k)
        W = jax.random.uniform(kw, (fan_in, fan_out), minval=-bound, maxval=bound, dtype=jnp.float32)
        b = jax.random.uniform(kb, (fan_out,), minval=-bound, maxval=bound, dtype=jnp.float32)
        return W, b
    W1, b1 = lin(ks[3], D_IN, H)
    Wm1, bm1 = lin(ks[4], H, H)
    W2, b2 = lin(ks[5], H, H)
    Wm2, bm2 = lin(ks[6], H, H)
    W3, b3 = lin(ks[7], H, P)
    return {"x": x, "edge_index": edge_index, "batch": batch,
            "W1": W1, "b1": b1, "Wm1": Wm1, "bm1": bm1,
            "W2": W2, "b2": b2, "Wm2": Wm2, "bm2": bm2,
            "W3": W3, "b3": b3}


def reference(x, edge_index, batch, W1, b1, Wm1, bm1, W2, b2, Wm2, bm2, W3, b3):
    h = jax.nn.relu(gcn_conv(x, edge_index, W1, b1, N))
    h = jax.nn.relu(h @ Wm1 + bm1)  # mlp1: Linear + ReLU
    h = jax.nn.relu(gcn_conv(h, edge_index, W2, b2, N))
    h = jax.nn.relu(h @ Wm2 + bm2)  # mlp2: Linear + ReLU
    h = gcn_conv(h, edge_index, W3, b3, N)
    pooled = jax.ops.segment_sum(h, batch, num_segments=G)  # global_add_pool
    return jax.nn.log_softmax(pooled, axis=1)

if __name__ == "__main__":
    import jax
    _d = setup_inputs()
    print(jax.jit(kernel)(*tuple(_d.values())))

</pallas_src>

<mosaic_0001>
#map = affine_map<(d0, d1) -> (0)>
#map1 = affine_map<(d0, d1) -> (0, 0)>
module attributes {stable_mosaic.version = 14 : i64} {
  func.func @_deg_body(%arg0: i32, %arg1: i32, %arg2: memref<640000xi32, #tpu.memory_space<hbm>>, %arg3: memref<32x10016xf32, #tpu.memory_space<hbm>>, %arg4: memref<20000xi32, #tpu.memory_space<vmem>>, %arg5: memref<10016xf32, #tpu.memory_space<vmem>>, %arg6: memref<!tpu.dma_semaphore, #tpu.memory_space<semaphore_mem>>) attributes {dimension_semantics = [#tpu.dimension_semantics<core_parallel>, #tpu.dimension_semantics<subcore_parallel>], iteration_bounds = array<i64: 2, 16>, scalar_prefetch = 0 : i64, scratch_operands = 3 : i64, tpu.core_type = #tpu.core_type<sc_vector_subcore>, window_params = [{transform_indices = #map}, {transform_indices = #map1}]} {
    %mul3A = arith.constant 2 : i32
    %mul3A_0 = arith.muli %arg1, %mul3A : i32
    %add3A = arith.addi %mul3A_0, %arg0 : i32
    %mul3A_1 = arith.constant 20000 : i32
    %mul3A_2 = arith.muli %add3A, %mul3A_1 : i32
    %dma_start3A = tpu.memref_slice %arg2[%mul3A_2] : memref<640000xi32, #tpu.memory_space<hbm>> -> memref<20000xi32, #tpu.memory_space<hbm>>
    %dma_start3A_3 = tpu.memref_slice %arg2[%mul3A_2] : memref<640000xi32, #tpu.memory_space<hbm>> -> memref<20000xi32, #tpu.memory_space<hbm>>
    tpu.enqueue_dma source(%dma_start3A_3 : memref<20000xi32, #tpu.memory_space<hbm>>) target(%arg4 : memref<20000xi32, #tpu.memory_space<vmem>>) target_semaphore(%arg6 : memref<!tpu.dma_semaphore, #tpu.memory_space<semaphore_mem>>)
    %parallel_loop3A = arith.constant 0 : i32
    %parallel_loop3A_4 = arith.constant 626 : i32
    %parallel_loop3A_5 = arith.constant 1 : i32
    scf.for %parallel_loop3A_11 = %parallel_loop3A to %parallel_loop3A_4 step %parallel_loop3A_5  : i32 {
      %parallel_loop3A_12 = arith.constant 0.000000e+00 : f32
      %parallel_loop3A_13 = vector.broadcast %parallel_loop3A_12 : f32 to vector<16xf32>
      %parallel_loop3A_14 = arith.constant 16 : i32
      %parallel_loop3A_15 = arith.muli %parallel_loop3A_11, %parallel_loop3A_14 : i32
      %parallel_loop3A_16 = arith.index_cast %parallel_loop3A_15 : i32 to index
      %parallel_loop3A_17 = tpu.vector_load %arg5[%parallel_loop3A_16] {strides = array<i32>} : memref<10016xf32, #tpu.memory_space<vmem>>, vector<16xf32>,
      tpu.vector_store %arg5[%parallel_loop3A_16], %parallel_loop3A_13 {strides = array<i32>} : memref<10016xf32, #tpu.memory_space<vmem>>, vector<16xf32>,
    } {sc.loop_unroll_factor = 4 : i64, sc.parallel_access}
    %dma_wait3A = tpu.memref_slice %arg2[%mul3A_2] : memref<640000xi32, #tpu.memory_space<hbm>> -> memref<20000xi32, #tpu.memory_space<hbm>>
    %dma_wait3A_6 = tpu.memref_slice %arg2[%mul3A_2] : memref<640000xi32, #tpu.memory_space<hbm>> -> memref<20000xi32, #tpu.memory_space<hbm>>
    tpu.wait_dma2 semaphore(%arg6 : memref<!tpu.dma_semaphore, #tpu.memory_space<semaphore_mem>>) src(%dma_wait3A_6 : memref<20000xi32, #tpu.memory_space<hbm>>) dst(%arg4 : memref<20000xi32, #tpu.memory_space<vmem>>)
    %broadcast_in_dim3A = arith.constant 1.000000e+00 : f32
    %broadcast_in_dim3A_7 = vector.broadcast %broadcast_in_dim3A : f32 to vector<16xf32>
    %parallel_loop3A_8 = arith.constant 0 : i32
    %parallel_loop3A_9 = arith.constant 1250 : i32
    %parallel_loop3A_10 = arith.constant 1 : i32
    scf.for %parallel_loop3A_11 = %parallel_loop3A_8 to %parallel_loop3A_9 step %parallel_loop3A_10  : i32 {
      %parallel_loop3A_12 = arith.constant 16 : i32
      %parallel_loop3A_13 = arith.muli %parallel_loop3A_11, %parallel_loop3A_12 : i32
      %parallel_loop3A_14 = arith.index_cast %parallel_loop3A_13 : i32 to index
      %parallel_loop3A_15 = tpu.vector_load %arg4[%parallel_loop3A_14] {strides = array<i32>} : memref<20000xi32, #tpu.memory_space<vmem>>, vector<16xi32>,
      %parallel_loop3A_16 = arith.constant 16 : i32
      %parallel_loop3A_17 = vector.broadcast %parallel_loop3A_16 : i32 to vector<16xi32>
      %parallel_loop3A_18 = arith.shrui %parallel_loop3A_15, %parallel_loop3A_17 : vector<16xi32>
      tpu.vector_store_idx %arg5[%parallel_loop3A_18], %broadcast_in_dim3A_7 {add = true} : memref<10016xf32, #tpu.memory_space<vmem>>[vector<16xi32>], vector<16xf32>,
    } {sc.loop_unroll_factor = 8 : i64, sc.parallel_access}
    "tpu.region"() ({
      %run_scoped3A = tpu.sem_alloc : memref<!tpu.dma_semaphore, #tpu.memory_space<semaphore_mem>>
      %dma_start3A_11 = arith.constant 0 : i32
      %dma_start3A_12 = tpu.memref_slice %arg3[%add3A, %dma_start3A_11] : memref<32x10016xf32, #tpu.memory_space<hbm>> -> memref<1x10016xf32, #tpu.memory_space<hbm>>
      %dma_start3A_13 = tpu.memref_squeeze %dma_start3A_12 : memref<1x10016xf32, #tpu.memory_space<hbm>> -> memref<10016xf32, #tpu.memory_space<hbm>>
      %dma_start3A_14 = arith.constant 0 : i32
      %dma_start3A_15 = tpu.memref_slice %arg3[%add3A, %dma_start3A_14] : memref<32x10016xf32, #tpu.memory_space<hbm>> -> memref<1x10016xf32, #tpu.memory_space<hbm>>
      %dma_start3A_16 = tpu.memref_squeeze %dma_start3A_15 : memref<1x10016xf32, #tpu.memory_space<hbm>> -> memref<10016xf32, #tpu.memory_space<hbm>>
      tpu.enqueue_dma source(%arg5 : memref<10016xf32, #tpu.memory_space<vmem>>) target(%dma_start3A_16 : memref<10016xf32, #tpu.memory_space<hbm>>) target_semaphore(%run_scoped3A : memref<!tpu.dma_semaphore, #tpu.memory_space<semaphore_mem>>)
      %dma_wait3A_17 = arith.constant 0 : i32
      %dma_wait3A_18 = tpu.memref_slice %arg3[%add3A, %dma_wait3A_17] : memref<32x10016xf32, #tpu.memory_space<hbm>> -> memref<1x10016xf32, #tpu.memory_space<hbm>>
      %dma_wait3A_19 = tpu.memref_squeeze %dma_wait3A_18 : memref<1x10016xf32, #tpu.memory_space<hbm>> -> memref<10016xf32, #tpu.memory_space<hbm>>
      %dma_wait3A_20 = arith.constant 0 : i32
      %dma_wait3A_21 = tpu.memref_slice %arg3[%add3A, %dma_wait3A_20] : memref<32x10016xf32, #tpu.memory_space<hbm>> -> memref<1x10016xf32, #tpu.memory_space<hbm>>
      %dma_wait3A_22 = tpu.memref_squeeze %dma_wait3A_21 : memref<1x10016xf32, #tpu.memory_space<hbm>> -> memref<10016xf32, #tpu.memory_space<hbm>>
      tpu.wait_dma2 semaphore(%run_scoped3A : memref<!tpu.dma_semaphore, #tpu.memory_space<semaphore_mem>>) src(%arg5 : memref<10016xf32, #tpu.memory_space<vmem>>) dst(%dma_wait3A_22 : memref<10016xf32, #tpu.memory_space<hbm>>)
      tpu.yield
    }) : () -> ()
    return
  }
}

#map = affine_map<(d0, d1) -> (0, 0)>
#map1 = affine_map<(d0, d1) -> (0)>
#map2 = affine_map<(d0, d1) -> (0, 0, 0)>
module attributes {stable_mosaic.version = 14 : i64} {
  func.func @_pair_body(%arg0: i32, %arg1: i32, %arg2: memref<16x10016xi32, #tpu.memory_space<hbm>>, %arg3: memref<640000xi32, #tpu.memory_space<hbm>>, %arg4: memref<2x32x10016xf32, #tpu.memory_space<hbm>>, %arg5: memref<10016xi32, #tpu.memory_space<vmem>>, %arg6: memref<10016xf32, #tpu.memory_space<vmem>>, %arg7: memref<10016xf32, #tpu.memory_space<vmem>>, %arg8: memref<16000xi32, #tpu.memory_space<vmem>>, %arg9: memref<16000xi32, #tpu.memory_space<vmem>>, %arg10: memref<!tpu.dma_semaphore, #tpu.memory_space<semaphore_mem>>, %arg11: memref<!tpu.dma_semaphore, #tpu.memory_space<semaphore_mem>>) attributes {dimension_semantics = [#tpu.dimension_semantics<core_parallel>, #tpu.dimension_semantics<subcore_parallel>], iteration_bounds = array<i64: 2, 16>, scalar_prefetch = 0 : i64, scratch_operands = 7 : i64, tpu.core_type = #tpu.core_type<sc_vector_subcore>, window_params = [{transform_indices = #map}, {transform_indices = #map1}, {transform_indices = #map2}]} {
    %mul3A = arith.constant 2 : i32
    %mul3A_0 = arith.muli %arg1, %mul3A : i32
    %add3A = arith.addi %mul3A_0, %arg0 : i32
    %jit3A = arith.constant 16 : i32
    %eq3A = arith.constant 0 : i32
    %eq3A_1 = arith.cmpi eq, %jit3A, %eq3A : i32
    %jit3A_2 = arith.constant 1 : i32
    %select_n3A = arith.select %eq3A_1, %jit3A_2, %jit3A : i32
    %rem3A = arith.remsi %add3A, %select_n3A : i32
    %ne3A = arith.constant 0 : i32
    %ne3A_3 = arith.cmpi ne, %rem3A, %ne3A : i32
    %lt3A = arith.constant 0 : i32
    %lt3A_4 = arith.cmpi slt, %rem3A, %lt3A : i32
    %lt3A_5 = arith.constant 0 : i32
    %lt3A_6 = arith.cmpi slt, %select_n3A, %lt3A_5 : i32
    %ne3A_7 = arith.xori %lt3A_4, %lt3A_6 : i1
    %and3A = arith.andi %ne3A_7, %ne3A_3 : i1
    %add3A_8 = arith.addi %rem3A, %select_n3A : i32
    %select_n3A_9 = arith.select %and3A, %add3A_8, %rem3A : i32
    %jit3A_10 = arith.constant 16 : i32
    %div3A = arith.divsi %add3A, %jit3A_10 : i32
    %sign3A = arith.constant 0 : i32
    %sign3A_11 = arith.cmpi sgt, %add3A, %sign3A : i32
    %sign3A_12 = arith.extui %sign3A_11 : i1 to i32
    %sign3A_13 = arith.constant 0 : i32
    %sign3A_14 = arith.cmpi slt, %add3A, %sign3A_13 : i32
    %sign3A_15 = arith.extui %sign3A_14 : i1 to i32
    %sign3A_16 = arith.subi %sign3A_12, %sign3A_15 : i32
    %sign3A_17 = arith.constant 0 : i32
    %sign3A_18 = arith.cmpi sgt, %jit3A_10, %sign3A_17 : i32
    %sign3A_19 = arith.extui %sign3A_18 : i1 to i32
    %sign3A_20 = arith.constant 0 : i32
    %sign3A_21 = arith.cmpi slt, %jit3A_10, %sign3A_20 : i32
    %sign3A_22 = arith.extui %sign3A_21 : i1 to i32
    %sign3A_23 = arith.subi %sign3A_19, %sign3A_22 : i32
    %ne3A_24 = arith.cmpi ne, %sign3A_16, %sign3A_23 : i32
    %rem3A_25 = arith.remsi %add3A, %jit3A_10 : i32
    %ne3A_26 = arith.constant 0 : i32
    %ne3A_27 = arith.cmpi ne, %rem3A_25, %ne3A_26 : i32
    %and3A_28 = arith.andi %ne3A_24, %ne3A_27 : i1
    %sub3A = arith.constant 1 : i32
    %sub3A_29 = arith.subi %div3A, %sub3A : i32
    %select_n3A_30 = arith.select %and3A_28, %sub3A_29, %div3A : i32
    %mul3A_31 = arith.constant 320000 : i32
    %mul3A_32 = arith.muli %select_n3A_30, %mul3A_31 : i32
    %dma_start3A = tpu.memref_slice %arg3[%mul3A_32] : memref<640000xi32, #tpu.memory_space<hbm>> -> memref<16000xi32, #tpu.memory_space<hbm>>
    %dma_start3A_33 = tpu.memref_slice %arg3[%mul3A_32] : memref<640000xi32, #tpu.memory_space<hbm>> -> memref<16000xi32, #tpu.memory_space<hbm>>
    tpu.enqueue_dma source(%dma_start3A_33 : memref<16000xi32, #tpu.memory_space<hbm>>) target(%arg8 : memref<16000xi32, #tpu.memory_space<vmem>>) target_semaphore(%arg10 : memref<!tpu.dma_semaphore, #tpu.memory_space<semaphore_mem>>)
    "tpu.region"() ({
      %run_scoped3A = tpu.sem_alloc : memref<!tpu.dma_semaphore, #tpu.memory_space<semaphore_mem>>
      %dma_start3A_50 = arith.constant 0 : i32
      %dma_start3A_51 = tpu.memref_slice %arg2[%select_n3A_9, %dma_start3A_50] : memref<16x10016xi32, #tpu.memory_space<hbm>> -> memref<1x10016xi32, #tpu.memory_space<hbm>>
      %dma_start3A_52 = tpu.memref_squeeze %dma_start3A_51 : memref<1x10016xi32, #tpu.memory_space<hbm>> -> memref<10016xi32, #tpu.memory_space<hbm>>
      %dma_start3A_53 = arith.constant 0 : i32
      %dma_start3A_54 = tpu.memref_slice %arg2[%select_n3A_9, %dma_start3A_53] : memref<16x10016xi32, #tpu.memory_space<hbm>> -> memref<1x10016xi32, #tpu.memory_space<hbm>>
      %dma_start3A_55 = tpu.memref_squeeze %dma_start3A_54 : memref<1x10016xi32, #tpu.memory_space<hbm>> -> memref<10016xi32, #tpu.memory_space<hbm>>
      tpu.enqueue_dma source(%dma_start3A_55 : memref<10016xi32, #tpu.memory_space<hbm>>) target(%arg5 : memref<10016xi32, #tpu.memory_space<vmem>>) target_semaphore(%run_scoped3A : memref<!tpu.dma_semaphore, #tpu.memory_space<semaphore_mem>>)
      %dma_wait3A = arith.constant 0 : i32
      %dma_wait3A_56 = tpu.memref_slice %arg2[%select_n3A_9, %dma_wait3A] : memref<16x10016xi32, #tpu.memory_space<hbm>> -> memref<1x10016xi32, #tpu.memory_space<hbm>>
      %dma_wait3A_57 = tpu.memref_squeeze %dma_wait3A_56 : memref<1x10016xi32, #tpu.memory_space<hbm>> -> memref<10016xi32, #tpu.memory_space<hbm>>
      %dma_wait3A_58 = arith.constant 0 : i32
      %dma_wait3A_59 = tpu.memref_slice %arg2[%select_n3A_9, %dma_wait3A_58] : memref<16x10016xi32, #tpu.memory_space<hbm>> -> memref<1x10016xi32, #tpu.memory_space<hbm>>
      %dma_wait3A_60 = tpu.memref_squeeze %dma_wait3A_59 : memref<1x10016xi32, #tpu.memory_space<hbm>> -> memref<10016xi32, #tpu.memory_space<hbm>>
      tpu.wait_dma2 semaphore(%run_scoped3A : memref<!tpu.dma_semaphore, #tpu.memory_space<semaphore_mem>>) src(%dma_wait3A_60 : memref<10016xi32, #tpu.memory_space<hbm>>) dst(%arg5 : memref<10016xi32, #tpu.memory_space<vmem>>)
      tpu.yield
    }) : () -> ()
    %parallel_loop3A = arith.constant 0 : i32
    %parallel_loop3A_34 = arith.constant 626 : i32
    %parallel_loop3A_35 = arith.constant 1 : i32
    scf.for %parallel_loop3A_50 = %parallel_loop3A to %parallel_loop3A_34 step %parallel_loop3A_35  : i32 {
      %parallel_loop3A_51 = arith.constant 0.000000e+00 : f32
      %parallel_loop3A_52 = vector.broadcast %parallel_loop3A_51 : f32 to vector<16xf32>
      %parallel_loop3A_53 = arith.constant 16 : i32
      %parallel_loop3A_54 = arith.muli %parallel_loop3A_50, %parallel_loop3A_53 : i32
      %parallel_loop3A_55 = arith.index_cast %parallel_loop3A_54 : i32 to index
      %parallel_loop3A_56 = tpu.vector_load %arg6[%parallel_loop3A_55] {strides = array<i32>} : memref<10016xf32, #tpu.memory_space<vmem>>, vector<16xf32>,
      tpu.vector_store %arg6[%parallel_loop3A_55], %parallel_loop3A_52 {strides = array<i32>} : memref<10016xf32, #tpu.memory_space<vmem>>, vector<16xf32>,
    } {sc.loop_unroll_factor = 4 : i64, sc.parallel_access}
    %parallel_loop3A_36 = arith.constant 0 : i32
    %parallel_loop3A_37 = arith.constant 626 : i32
    %parallel_loop3A_38 = arith.constant 1 : i32
    scf.for %parallel_loop3A_50 = %parallel_loop3A_36 to %parallel_loop3A_37 step %parallel_loop3A_38  : i32 {
      %parallel_loop3A_51 = arith.constant 0.000000e+00 : f32
      %parallel_loop3A_52 = vector.broadcast %parallel_loop3A_51 : f32 to vector<16xf32>
      %parallel_loop3A_53 = arith.constant 16 : i32
      %parallel_loop3A_54 = arith.muli %parallel_loop3A_50, %parallel_loop3A_53 : i32
      %parallel_loop3A_55 = arith.index_cast %parallel_loop3A_54 : i32 to index
      %parallel_loop3A_56 = tpu.vector_load %arg7[%parallel_loop3A_55] {strides = array<i32>} : memref<10016xf32, #tpu.memory_space<vmem>>, vector<16xf32>,
      tpu.vector_store %arg7[%parallel_loop3A_55], %parallel_loop3A_52 {strides = array<i32>} : memref<10016xf32, #tpu.memory_space<vmem>>, vector<16xf32>,
    } {sc.loop_unroll_factor = 4 : i64, sc.parallel_access}
    %scan3A = arith.constant 0 : i32
    %scan3A_39 = arith.constant 0 : i32
    %scan3A_40 = arith.constant 10 : i32
    %scan3A_41 = arith.addi %scan3A_39, %scan3A_40 : i32
    %scan3A_42 = arith.constant 1 : i32
    scf.for %scan3A_50 = %scan3A_39 to %scan3A_41 step %scan3A_42  : i32 {
      %mul3A_51 = arith.constant 2 : i32
      %mul3A_52 = arith.muli %mul3A_51, %scan3A_50 : i32
      %add3A_53 = arith.constant 1 : i32
      %add3A_54 = arith.addi %mul3A_52, %add3A_53 : i32
      %lt3A_55 = arith.constant 20 : i32
      %lt3A_56 = arith.cmpi slt, %add3A_54, %lt3A_55 : i32
      %convert_element_type3A = arith.extui %lt3A_56 : i1 to i32
      %cond3A = arith.constant 0 : i32
      %cond3A_57 = arith.cmpi ne, %convert_element_type3A, %cond3A : i32
      scf.if %cond3A_57 {
        %add3A_79 = arith.constant 1 : i32
        %add3A_80 = arith.addi %mul3A_52, %add3A_79 : i32
        %mul3A_81 = arith.constant 16000 : i32
        %mul3A_82 = arith.muli %add3A_80, %mul3A_81 : i32
        %add3A_83 = arith.addi %mul3A_32, %mul3A_82 : i32
        %dma_start3A_84 = tpu.memref_slice %arg3[%add3A_83] : memref<640000xi32, #tpu.memory_space<hbm>> -> memref<16000xi32, #tpu.memory_space<hbm>>
        %dma_start3A_85 = tpu.memref_slice %arg3[%add3A_83] : memref<640000xi32, #tpu.memory_space<hbm>> -> memref<16000xi32, #tpu.memory_space<hbm>>
        tpu.enqueue_dma source(%dma_start3A_85 : memref<16000xi32, #tpu.memory_space<hbm>>) target(%arg9 : memref<16000xi32, #tpu.memory_space<vmem>>) target_semaphore(%arg11 : memref<!tpu.dma_semaphore, #tpu.memory_space<semaphore_mem>>)
      } else {
      }
      %mul3A_58 = arith.constant 16000 : i32
      %mul3A_59 = arith.muli %mul3A_52, %mul3A_58 : i32
      %add3A_60 = arith.addi %mul3A_32, %mul3A_59 : i32
      %dma_wait3A = tpu.memref_slice %arg3[%add3A_60] : memref<640000xi32, #tpu.memory_space<hbm>> -> memref<16000xi32, #tpu.memory_space<hbm>>
      %dma_wait3A_61 = tpu.memref_slice %arg3[%add3A_60] : memref<640000xi32, #tpu.memory_space<hbm>> -> memref<16000xi32, #tpu.memory_space<hbm>>
      tpu.wait_dma2 semaphore(%arg10 : memref<!tpu.dma_semaphore, #tpu.memory_space<semaphore_mem>>) src(%dma_wait3A_61 : memref<16000xi32, #tpu.memory_space<hbm>>) dst(%arg8 : memref<16000xi32, #tpu.memory_space<vmem>>)
      %parallel_loop3A_62 = arith.constant 0 : i32
      %parallel_loop3A_63 = arith.constant 1000 : i32
      %parallel_loop3A_64 = arith.constant 1 : i32
      scf.for %parallel_loop3A_79 = %parallel_loop3A_62 to %parallel_loop3A_63 step %parallel_loop3A_64  : i32 {
        %parallel_loop3A_80 = arith.constant 16 : i32
        %parallel_loop3A_81 = arith.muli %parallel_loop3A_79, %parallel_loop3A_80 : i32
        %parallel_loop3A_82 = arith.index_cast %parallel_loop3A_81 : i32 to index
        %parallel_loop3A_83 = tpu.vector_load %arg8[%parallel_loop3A_82] {strides = array<i32>} : memref<16000xi32, #tpu.memory_space<vmem>>, vector<16xi32>,
        %parallel_loop3A_84 = arith.constant 65535 : i32
        %parallel_loop3A_85 = vector.broadcast %parallel_loop3A_84 : i32 to vector<16xi32>
        %parallel_loop3A_86 = arith.andi %parallel_loop3A_83, %parallel_loop3A_85 : vector<16xi32>
        %parallel_loop3A_87 = arith.constant 16 : i32
        %parallel_loop3A_88 = vector.broadcast %parallel_loop3A_87 : i32 to vector<16xi32>
        %parallel_loop3A_89 = arith.shrui %parallel_loop3A_83, %parallel_loop3A_88 : vector<16xi32>
        %parallel_loop3A_90 = tpu.vector_load_idx %arg5[%parallel_loop3A_86] : memref<10016xi32, #tpu.memory_space<vmem>>[vector<16xi32>], vector<16xi32>,
        %parallel_loop3A_91 = arith.constant 16 : i32
        %parallel_loop3A_92 = vector.broadcast %parallel_loop3A_91 : i32 to vector<16xi32>
        %parallel_loop3A_93 = arith.shli %parallel_loop3A_90, %parallel_loop3A_92 : vector<16xi32>
        %parallel_loop3A_94 = vector.bitcast %parallel_loop3A_93 : vector<16xi32> to vector<16xf32>
        %parallel_loop3A_95 = arith.constant -65536 : i32
        %parallel_loop3A_96 = vector.broadcast %parallel_loop3A_95 : i32 to vector<16xi32>
        %parallel_loop3A_97 = arith.andi %parallel_loop3A_90, %parallel_loop3A_96 : vector<16xi32>
        %parallel_loop3A_98 = vector.bitcast %parallel_loop3A_97 : vector<16xi32> to vector<16xf32>
        tpu.vector_store_idx %arg6[%parallel_loop3A_89], %parallel_loop3A_94 {add = true} : memref<10016xf32, #tpu.memory_space<vmem>>[vector<16xi32>], vector<16xf32>,
        tpu.vector_store_idx %arg7[%parallel_loop3A_89], %parallel_loop3A_98 {add = true} : memref<10016xf32, #tpu.memory_space<vmem>>[vector<16xi32>], vector<16xf32>,
      } {sc.loop_unroll_factor = 8 : i64, sc.parallel_access}
      %add3A_65 = arith.constant 2 : i32
      %add3A_66 = arith.addi %mul3A_52, %add3A_65 : i32
      %lt3A_67 = arith.constant 20 : i32
      %lt3A_68 = arith.cmpi slt, %add3A_66, %lt3A_67 : i32
      %convert_element_type3A_69 = arith.extui %lt3A_68 : i1 to i32
      %cond3A_70 = arith.constant 0 : i32
      %cond3A_71 = arith.cmpi ne, %convert_element_type3A_69, %cond3A_70 : i32
      scf.if %cond3A_71 {
        %add3A_79 = arith.constant 2 : i32
        %add3A_80 = arith.addi %mul3A_52, %add3A_79 : i32
        %mul3A_81 = arith.constant 16000 : i32
        %mul3A_82 = arith.muli %add3A_80, %mul3A_81 : i32
        %add3A_83 = arith.addi %mul3A_32, %mul3A_82 : i32
        %dma_start3A_84 = tpu.memref_slice %arg3[%add3A_83] : memref<640000xi32, #tpu.memory_space<hbm>> -> memref<16000xi32, #tpu.memory_space<hbm>>
        %dma_start3A_85 = tpu.memref_slice %arg3[%add3A_83] : memref<640000xi32, #tpu.memory_space<hbm>> -> memref<16000xi32, #tpu.memory_space<hbm>>
        tpu.enqueue_dma source(%dma_start3A_85 : memref<16000xi32, #tpu.memory_space<hbm>>) target(%arg8 : memref<16000xi32, #tpu.memory_space<vmem>>) target_semaphore(%arg10 : memref<!tpu.dma_semaphore, #tpu.memory_space<semaphore_mem>>)
      } else {
      }
      %add3A_72 = arith.constant 1 : i32
      %add3A_73 = arith.addi %mul3A_52, %add3A_72 : i32
      %lt3A_74 = arith.constant 20 : i32
      %lt3A_75 = arith.cmpi slt, %add3A_73, %lt3A_74 : i32
      %convert_element_type3A_76 = arith.extui %lt3A_75 : i1 to i32
      %cond3A_77 = arith.constant 0 : i32
      %cond3A_78 = arith.cmpi ne, %convert_element_type3A_76, %cond3A_77 : i32
      scf.if %cond3A_78 {
        %add3A_79 = arith.constant 1 : i32
        %add3A_80 = arith.addi %mul3A_52, %add3A_79 : i32
        %mul3A_81 = arith.constant 16000 : i32
        %mul3A_82 = arith.muli %add3A_80, %mul3A_81 : i32
        %add3A_83 = arith.addi %mul3A_32, %mul3A_82 : i32
        %dma_wait3A_84 = tpu.memref_slice %arg3[%add3A_83] : memref<640000xi32, #tpu.memory_space<hbm>> -> memref<16000xi32, #tpu.memory_space<hbm>>
        %dma_wait3A_85 = tpu.memref_slice %arg3[%add3A_83] : memref<640000xi32, #tpu.memory_space<hbm>> -> memref<16000xi32, #tpu.memory_space<hbm>>
        tpu.wait_dma2 semaphore(%arg11 : memref<!tpu.dma_semaphore, #tpu.memory_space<semaphore_mem>>) src(%dma_wait3A_85 : memref<16000xi32, #tpu.memory_space<hbm>>) dst(%arg9 : memref<16000xi32, #tpu.memory_space<vmem>>)
        %parallel_loop3A_86 = arith.constant 0 : i32
        %parallel_loop3A_87 = arith.constant 1000 : i32
        %parallel_loop3A_88 = arith.constant 1 : i32
        scf.for %parallel_loop3A_89 = %parallel_loop3A_86 to %parallel_loop3A_87 step %parallel_loop3A_88  : i32 {
          %parallel_loop3A_90 = arith.constant 16 : i32
          %parallel_loop3A_91 = arith.muli %parallel_loop3A_89, %parallel_loop3A_90 : i32
          %parallel_loop3A_92 = arith.index_cast %parallel_loop3A_91 : i32 to index
          %parallel_loop3A_93 = tpu.vector_load %arg9[%parallel_loop3A_92] {strides = array<i32>} : memref<16000xi32, #tpu.memory_space<vmem>>, vector<16xi32>,
          %parallel_loop3A_94 = arith.constant 65535 : i32
          %parallel_loop3A_95 = vector.broadcast %parallel_loop3A_94 : i32 to vector<16xi32>
          %parallel_loop3A_96 = arith.andi %parallel_loop3A_93, %parallel_loop3A_95 : vector<16xi32>
          %parallel_loop3A_97 = arith.constant 16 : i32
          %parallel_loop3A_98 = vector.broadcast %parallel_loop3A_97 : i32 to vector<16xi32>
          %parallel_loop3A_99 = arith.shrui %parallel_loop3A_93, %parallel_loop3A_98 : vector<16xi32>
          %parallel_loop3A_100 = tpu.vector_load_idx %arg5[%parallel_loop3A_96] : memref<10016xi32, #tpu.memory_space<vmem>>[vector<16xi32>], vector<16xi32>,
          %parallel_loop3A_101 = arith.constant 16 : i32
          %parallel_loop3A_102 = vector.broadcast %parallel_loop3A_101 : i32 to vector<16xi32>
          %parallel_loop3A_103 = arith.shli %parallel_loop3A_100, %parallel_loop3A_102 : vector<16xi32>
          %parallel_loop3A_104 = vector.bitcast %parallel_loop3A_103 : vector<16xi32> to vector<16xf32>
          %parallel_loop3A_105 = arith.constant -65536 : i32
          %parallel_loop3A_106 = vector.broadcast %parallel_loop3A_105 : i32 to vector<16xi32>
          %parallel_loop3A_107 = arith.andi %parallel_loop3A_100, %parallel_loop3A_106 : vector<16xi32>
          %parallel_loop3A_108 = vector.bitcast %parallel_loop3A_107 : vector<16xi32> to vector<16xf32>
          tpu.vector_store_idx %arg6[%parallel_loop3A_99], %parallel_loop3A_104 {add = true} : memref<10016xf32, #tpu.memory_space<vmem>>[vector<16xi32>], vector<16xf32>,
          tpu.vector_store_idx %arg7[%parallel_loop3A_99], %parallel_loop3A_108 {add = true} : memref<10016xf32, #tpu.memory_space<vmem>>[vector<16xi32>], vector<16xf32>,
        } {sc.loop_unroll_factor = 8 : i64, sc.parallel_access}
      } else {
      }
    }
    %scan3A_43 = arith.constant 10 : i32
    %mul3A_44 = arith.constant 2 : i32
    %mul3A_45 = arith.muli %mul3A_44, %select_n3A_9 : i32
    "tpu.region"() ({
      %run_scoped3A = tpu.sem_alloc : memref<!tpu.dma_semaphore, #tpu.memory_space<semaphore_mem>>
      %dma_start3A_50 = arith.constant 0 : i32
      %dma_start3A_51 = tpu.memref_slice %arg4[%select_n3A_30, %mul3A_45, %dma_start3A_50] : memref<2x32x10016xf32, #tpu.memory_space<hbm>> -> memref<1x1x10016xf32, #tpu.memory_space<hbm>>
      %dma_start3A_52 = tpu.memref_squeeze %dma_start3A_51 : memref<1x1x10016xf32, #tpu.memory_space<hbm>> -> memref<10016xf32, #tpu.memory_space<hbm>>
      %dma_start3A_53 = arith.constant 0 : i32
      %dma_start3A_54 = tpu.memref_slice %arg4[%select_n3A_30, %mul3A_45, %dma_start3A_53] : memref<2x32x10016xf32, #tpu.memory_space<hbm>> -> memref<1x1x10016xf32, #tpu.memory_space<hbm>>
      %dma_start3A_55 = tpu.memref_squeeze %dma_start3A_54 : memref<1x1x10016xf32, #tpu.memory_space<hbm>> -> memref<10016xf32, #tpu.memory_space<hbm>>
      tpu.enqueue_dma source(%arg6 : memref<10016xf32, #tpu.memory_space<vmem>>) target(%dma_start3A_55 : memref<10016xf32, #tpu.memory_space<hbm>>) target_semaphore(%run_scoped3A : memref<!tpu.dma_semaphore, #tpu.memory_space<semaphore_mem>>)
      %dma_wait3A = arith.constant 0 : i32
      %dma_wait3A_56 = tpu.memref_slice %arg4[%select_n3A_30, %mul3A_45, %dma_wait3A] : memref<2x32x10016xf32, #tpu.memory_space<hbm>> -> memref<1x1x10016xf32, #tpu.memory_space<hbm>>
      %dma_wait3A_57 = tpu.memref_squeeze %dma_wait3A_56 : memref<1x1x10016xf32, #tpu.memory_space<hbm>> -> memref<10016xf32, #tpu.memory_space<hbm>>
      %dma_wait3A_58 = arith.constant 0 : i32
      %dma_wait3A_59 = tpu.memref_slice %arg4[%select_n3A_30, %mul3A_45, %dma_wait3A_58] : memref<2x32x10016xf32, #tpu.memory_space<hbm>> -> memref<1x1x10016xf32, #tpu.memory_space<hbm>>
      %dma_wait3A_60 = tpu.memref_squeeze %dma_wait3A_59 : memref<1x1x10016xf32, #tpu.memory_space<hbm>> -> memref<10016xf32, #tpu.memory_space<hbm>>
      tpu.wait_dma2 semaphore(%run_scoped3A : memref<!tpu.dma_semaphore, #tpu.memory_space<semaphore_mem>>) src(%arg6 : memref<10016xf32, #tpu.memory_space<vmem>>) dst(%dma_wait3A_60 : memref<10016xf32, #tpu.memory_space<hbm>>)
      tpu.yield
    }) : () -> ()
    %mul3A_46 = arith.constant 2 : i32
    %mul3A_47 = arith.muli %mul3A_46, %select_n3A_9 : i32
    %add3A_48 = arith.constant 1 : i32
    %add3A_49 = arith.addi %mul3A_47, %add3A_48 : i32
    "tpu.region"() ({
      %run_scoped3A = tpu.sem_alloc : memref<!tpu.dma_semaphore, #tpu.memory_space<semaphore_mem>>
      %dma_start3A_50 = arith.constant 0 : i32
      %dma_start3A_51 = tpu.memref_slice %arg4[%select_n3A_30, %add3A_49, %dma_start3A_50] : memref<2x32x10016xf32, #tpu.memory_space<hbm>> -> memref<1x1x10016xf32, #tpu.memory_space<hbm>>
      %dma_start3A_52 = tpu.memref_squeeze %dma_start3A_51 : memref<1x1x10016xf32, #tpu.memory_space<hbm>> -> memref<10016xf32, #tpu.memory_space<hbm>>
      %dma_start3A_53 = arith.constant 0 : i32
      %dma_start3A_54 = tpu.memref_slice %arg4[%select_n3A_30, %add3A_49, %dma_start3A_53] : memref<2x32x10016xf32, #tpu.memory_space<hbm>> -> memref<1x1x10016xf32, #tpu.memory_space<hbm>>
      %dma_start3A_55 = tpu.memref_squeeze %dma_start3A_54 : memref<1x1x10016xf32, #tpu.memory_space<hbm>> -> memref<10016xf32, #tpu.memory_space<hbm>>
      tpu.enqueue_dma source(%arg7 : memref<10016xf32, #tpu.memory_space<vmem>>) target(%dma_start3A_55 : memref<10016xf32, #tpu.memory_space<hbm>>) target_semaphore(%run_scoped3A : memref<!tpu.dma_semaphore, #tpu.memory_space<semaphore_mem>>)
      %dma_wait3A = arith.constant 0 : i32
      %dma_wait3A_56 = tpu.memref_slice %arg4[%select_n3A_30, %add3A_49, %dma_wait3A] : memref<2x32x10016xf32, #tpu.memory_space<hbm>> -> memref<1x1x10016xf32, #tpu.memory_space<hbm>>
      %dma_wait3A_57 = tpu.memref_squeeze %dma_wait3A_56 : memref<1x1x10016xf32, #tpu.memory_space<hbm>> -> memref<10016xf32, #tpu.memory_space<hbm>>
      %dma_wait3A_58 = arith.constant 0 : i32
      %dma_wait3A_59 = tpu.memref_slice %arg4[%select_n3A_30, %add3A_49, %dma_wait3A_58] : memref<2x32x10016xf32, #tpu.memory_space<hbm>> -> memref<1x1x10016xf32, #tpu.memory_space<hbm>>
      %dma_wait3A_60 = tpu.memref_squeeze %dma_wait3A_59 : memref<1x1x10016xf32, #tpu.memory_space<hbm>> -> memref<10016xf32, #tpu.memory_space<hbm>>
      tpu.wait_dma2 semaphore(%run_scoped3A : memref<!tpu.dma_semaphore, #tpu.memory_space<semaphore_mem>>) src(%arg7 : memref<10016xf32, #tpu.memory_space<vmem>>) dst(%dma_wait3A_60 : memref<10016xf32, #tpu.memory_space<hbm>>)
      tpu.yield
    }) : () -> ()
    return
  }
}

#map = affine_map<(d0, d1) -> (0, 0)>
#map1 = affine_map<(d0, d1) -> (0)>
#map2 = affine_map<(d0, d1) -> (0, 0, 0)>
module attributes {stable_mosaic.version = 14 : i64} {
  func.func @_pair_body(%arg0: i32, %arg1: i32, %arg2: memref<16x10016xi32, #tpu.memory_space<hbm>>, %arg3: memref<640000xi32, #tpu.memory_space<hbm>>, %arg4: memref<2x32x10016xf32, #tpu.memory_space<hbm>>, %arg5: memref<10016xi32, #tpu.memory_space<vmem>>, %arg6: memref<10016xf32, #tpu.memory_space<vmem>>, %arg7: memref<10016xf32, #tpu.memory_space<vmem>>, %arg8: memref<16000xi32, #tpu.memory_space<vmem>>, %arg9: memref<16000xi32, #tpu.memory_space<vmem>>, %arg10: memref<!tpu.dma_semaphore, #tpu.memory_space<semaphore_mem>>, %arg11: memref<!tpu.dma_semaphore, #tpu.memory_space<semaphore_mem>>) attributes {dimension_semantics = [#tpu.dimension_semantics<core_parallel>, #tpu.dimension_semantics<subcore_parallel>], iteration_bounds = array<i64: 2, 16>, scalar_prefetch = 0 : i64, scratch_operands = 7 : i64, tpu.core_type = #tpu.core_type<sc_vector_subcore>, window_params = [{transform_indices = #map}, {transform_indices = #map1}, {transform_indices = #map2}]} {
    %mul3A = arith.constant 2 : i32
    %mul3A_0 = arith.muli %arg1, %mul3A : i32
    %add3A = arith.addi %mul3A_0, %arg0 : i32
    %jit3A = arith.constant 16 : i32
    %eq3A = arith.constant 0 : i32
    %eq3A_1 = arith.cmpi eq, %jit3A, %eq3A : i32
    %jit3A_2 = arith.constant 1 : i32
    %select_n3A = arith.select %eq3A_1, %jit3A_2, %jit3A : i32
    %rem3A = arith.remsi %add3A, %select_n3A : i32
    %ne3A = arith.constant 0 : i32
    %ne3A_3 = arith.cmpi ne, %rem3A, %ne3A : i32
    %lt3A = arith.constant 0 : i32
    %lt3A_4 = arith.cmpi slt, %rem3A, %lt3A : i32
    %lt3A_5 = arith.constant 0 : i32
    %lt3A_6 = arith.cmpi slt, %select_n3A, %lt3A_5 : i32
    %ne3A_7 = arith.xori %lt3A_4, %lt3A_6 : i1
    %and3A = arith.andi %ne3A_7, %ne3A_3 : i1
    %add3A_8 = arith.addi %rem3A, %select_n3A : i32
    %select_n3A_9 = arith.select %and3A, %add3A_8, %rem3A : i32
    %jit3A_10 = arith.constant 16 : i32
    %div3A = arith.divsi %add3A, %jit3A_10 : i32
    %sign3A = arith.constant 0 : i32
    %sign3A_11 = arith.cmpi sgt, %add3A, %sign3A : i32
    %sign3A_12 = arith.extui %sign3A_11 : i1 to i32
    %sign3A_13 = arith.constant 0 : i32
    %sign3A_14 = arith.cmpi slt, %add3A, %sign3A_13 : i32
    %sign3A_15 = arith.extui %sign3A_14 : i1 to i32
    %sign3A_16 = arith.subi %sign3A_12, %sign3A_15 : i32
    %sign3A_17 = arith.constant 0 : i32
    %sign3A_18 = arith.cmpi sgt, %jit3A_10, %sign3A_17 : i32
    %sign3A_19 = arith.extui %sign3A_18 : i1 to i32
    %sign3A_20 = arith.constant 0 : i32
    %sign3A_21 = arith.cmpi slt, %jit3A_10, %sign3A_20 : i32
    %sign3A_22 = arith.extui %sign3A_21 : i1 to i32
    %sign3A_23 = arith.subi %sign3A_19, %sign3A_22 : i32
    %ne3A_24 = arith.cmpi ne, %sign3A_16, %sign3A_23 : i32
    %rem3A_25 = arith.remsi %add3A, %jit3A_10 : i32
    %ne3A_26 = arith.constant 0 : i32
    %ne3A_27 = arith.cmpi ne, %rem3A_25, %ne3A_26 : i32
    %and3A_28 = arith.andi %ne3A_24, %ne3A_27 : i1
    %sub3A = arith.constant 1 : i32
    %sub3A_29 = arith.subi %div3A, %sub3A : i32
    %select_n3A_30 = arith.select %and3A_28, %sub3A_29, %div3A : i32
    %mul3A_31 = arith.constant 320000 : i32
    %mul3A_32 = arith.muli %select_n3A_30, %mul3A_31 : i32
    %dma_start3A = tpu.memref_slice %arg3[%mul3A_32] : memref<640000xi32, #tpu.memory_space<hbm>> -> memref<16000xi32, #tpu.memory_space<hbm>>
    %dma_start3A_33 = tpu.memref_slice %arg3[%mul3A_32] : memref<640000xi32, #tpu.memory_space<hbm>> -> memref<16000xi32, #tpu.memory_space<hbm>>
    tpu.enqueue_dma source(%dma_start3A_33 : memref<16000xi32, #tpu.memory_space<hbm>>) target(%arg8 : memref<16000xi32, #tpu.memory_space<vmem>>) target_semaphore(%arg10 : memref<!tpu.dma_semaphore, #tpu.memory_space<semaphore_mem>>)
    "tpu.region"() ({
      %run_scoped3A = tpu.sem_alloc : memref<!tpu.dma_semaphore, #tpu.memory_space<semaphore_mem>>
      %dma_start3A_50 = arith.constant 0 : i32
      %dma_start3A_51 = tpu.memref_slice %arg2[%select_n3A_9, %dma_start3A_50] : memref<16x10016xi32, #tpu.memory_space<hbm>> -> memref<1x10016xi32, #tpu.memory_space<hbm>>
      %dma_start3A_52 = tpu.memref_squeeze %dma_start3A_51 : memref<1x10016xi32, #tpu.memory_space<hbm>> -> memref<10016xi32, #tpu.memory_space<hbm>>
      %dma_start3A_53 = arith.constant 0 : i32
      %dma_start3A_54 = tpu.memref_slice %arg2[%select_n3A_9, %dma_start3A_53] : memref<16x10016xi32, #tpu.memory_space<hbm>> -> memref<1x10016xi32, #tpu.memory_space<hbm>>
      %dma_start3A_55 = tpu.memref_squeeze %dma_start3A_54 : memref<1x10016xi32, #tpu.memory_space<hbm>> -> memref<10016xi32, #tpu.memory_space<hbm>>
      tpu.enqueue_dma source(%dma_start3A_55 : memref<10016xi32, #tpu.memory_space<hbm>>) target(%arg5 : memref<10016xi32, #tpu.memory_space<vmem>>) target_semaphore(%run_scoped3A : memref<!tpu.dma_semaphore, #tpu.memory_space<semaphore_mem>>)
      %dma_wait3A = arith.constant 0 : i32
      %dma_wait3A_56 = tpu.memref_slice %arg2[%select_n3A_9, %dma_wait3A] : memref<16x10016xi32, #tpu.memory_space<hbm>> -> memref<1x10016xi32, #tpu.memory_space<hbm>>
      %dma_wait3A_57 = tpu.memref_squeeze %dma_wait3A_56 : memref<1x10016xi32, #tpu.memory_space<hbm>> -> memref<10016xi32, #tpu.memory_space<hbm>>
      %dma_wait3A_58 = arith.constant 0 : i32
      %dma_wait3A_59 = tpu.memref_slice %arg2[%select_n3A_9, %dma_wait3A_58] : memref<16x10016xi32, #tpu.memory_space<hbm>> -> memref<1x10016xi32, #tpu.memory_space<hbm>>
      %dma_wait3A_60 = tpu.memref_squeeze %dma_wait3A_59 : memref<1x10016xi32, #tpu.memory_space<hbm>> -> memref<10016xi32, #tpu.memory_space<hbm>>
      tpu.wait_dma2 semaphore(%run_scoped3A : memref<!tpu.dma_semaphore, #tpu.memory_space<semaphore_mem>>) src(%dma_wait3A_60 : memref<10016xi32, #tpu.memory_space<hbm>>) dst(%arg5 : memref<10016xi32, #tpu.memory_space<vmem>>)
      tpu.yield
    }) : () -> ()
    %parallel_loop3A = arith.constant 0 : i32
    %parallel_loop3A_34 = arith.constant 626 : i32
    %parallel_loop3A_35 = arith.constant 1 : i32
    scf.for %parallel_loop3A_50 = %parallel_loop3A to %parallel_loop3A_34 step %parallel_loop3A_35  : i32 {
      %parallel_loop3A_51 = arith.constant 0.000000e+00 : f32
      %parallel_loop3A_52 = vector.broadcast %parallel_loop3A_51 : f32 to vector<16xf32>
      %parallel_loop3A_53 = arith.constant 16 : i32
      %parallel_loop3A_54 = arith.muli %parallel_loop3A_50, %parallel_loop3A_53 : i32
      %parallel_loop3A_55 = arith.index_cast %parallel_loop3A_54 : i32 to index
      %parallel_loop3A_56 = tpu.vector_load %arg6[%parallel_loop3A_55] {strides = array<i32>} : memref<10016xf32, #tpu.memory_space<vmem>>, vector<16xf32>,
      tpu.vector_store %arg6[%parallel_loop3A_55], %parallel_loop3A_52 {strides = array<i32>} : memref<10016xf32, #tpu.memory_space<vmem>>, vector<16xf32>,
    } {sc.loop_unroll_factor = 4 : i64, sc.parallel_access}
    %parallel_loop3A_36 = arith.constant 0 : i32
    %parallel_loop3A_37 = arith.constant 626 : i32
    %parallel_loop3A_38 = arith.constant 1 : i32
    scf.for %parallel_loop3A_50 = %parallel_loop3A_36 to %parallel_loop3A_37 step %parallel_loop3A_38  : i32 {
      %parallel_loop3A_51 = arith.constant 0.000000e+00 : f32
      %parallel_loop3A_52 = vector.broadcast %parallel_loop3A_51 : f32 to vector<16xf32>
      %parallel_loop3A_53 = arith.constant 16 : i32
      %parallel_loop3A_54 = arith.muli %parallel_loop3A_50, %parallel_loop3A_53 : i32
      %parallel_loop3A_55 = arith.index_cast %parallel_loop3A_54 : i32 to index
      %parallel_loop3A_56 = tpu.vector_load %arg7[%parallel_loop3A_55] {strides = array<i32>} : memref<10016xf32, #tpu.memory_space<vmem>>, vector<16xf32>,
      tpu.vector_store %arg7[%parallel_loop3A_55], %parallel_loop3A_52 {strides = array<i32>} : memref<10016xf32, #tpu.memory_space<vmem>>, vector<16xf32>,
    } {sc.loop_unroll_factor = 4 : i64, sc.parallel_access}
    %scan3A = arith.constant 0 : i32
    %scan3A_39 = arith.constant 0 : i32
    %scan3A_40 = arith.constant 10 : i32
    %scan3A_41 = arith.addi %scan3A_39, %scan3A_40 : i32
    %scan3A_42 = arith.constant 1 : i32
    scf.for %scan3A_50 = %scan3A_39 to %scan3A_41 step %scan3A_42  : i32 {
      %mul3A_51 = arith.constant 2 : i32
      %mul3A_52 = arith.muli %mul3A_51, %scan3A_50 : i32
      %add3A_53 = arith.constant 1 : i32
      %add3A_54 = arith.addi %mul3A_52, %add3A_53 : i32
      %lt3A_55 = arith.constant 20 : i32
      %lt3A_56 = arith.cmpi slt, %add3A_54, %lt3A_55 : i32
      %convert_element_type3A = arith.extui %lt3A_56 : i1 to i32
      %cond3A = arith.constant 0 : i32
      %cond3A_57 = arith.cmpi ne, %convert_element_type3A, %cond3A : i32
      scf.if %cond3A_57 {
        %add3A_79 = arith.constant 1 : i32
        %add3A_80 = arith.addi %mul3A_52, %add3A_79 : i32
        %mul3A_81 = arith.constant 16000 : i32
        %mul3A_82 = arith.muli %add3A_80, %mul3A_81 : i32
        %add3A_83 = arith.addi %mul3A_32, %mul3A_82 : i32
        %dma_start3A_84 = tpu.memref_slice %arg3[%add3A_83] : memref<640000xi32, #tpu.memory_space<hbm>> -> memref<16000xi32, #tpu.memory_space<hbm>>
        %dma_start3A_85 = tpu.memref_slice %arg3[%add3A_83] : memref<640000xi32, #tpu.memory_space<hbm>> -> memref<16000xi32, #tpu.memory_space<hbm>>
        tpu.enqueue_dma source(%dma_start3A_85 : memref<16000xi32, #tpu.memory_space<hbm>>) target(%arg9 : memref<16000xi32, #tpu.memory_space<vmem>>) target_semaphore(%arg11 : memref<!tpu.dma_semaphore, #tpu.memory_space<semaphore_mem>>)
      } else {
      }
      %mul3A_58 = arith.constant 16000 : i32
      %mul3A_59 = arith.muli %mul3A_52, %mul3A_58 : i32
      %add3A_60 = arith.addi %mul3A_32, %mul3A_59 : i32
      %dma_wait3A = tpu.memref_slice %arg3[%add3A_60] : memref<640000xi32, #tpu.memory_space<hbm>> -> memref<16000xi32, #tpu.memory_space<hbm>>
      %dma_wait3A_61 = tpu.memref_slice %arg3[%add3A_60] : memref<640000xi32, #tpu.memory_space<hbm>> -> memref<16000xi32, #tpu.memory_space<hbm>>
      tpu.wait_dma2 semaphore(%arg10 : memref<!tpu.dma_semaphore, #tpu.memory_space<semaphore_mem>>) src(%dma_wait3A_61 : memref<16000xi32, #tpu.memory_space<hbm>>) dst(%arg8 : memref<16000xi32, #tpu.memory_space<vmem>>)
      %parallel_loop3A_62 = arith.constant 0 : i32
      %parallel_loop3A_63 = arith.constant 1000 : i32
      %parallel_loop3A_64 = arith.constant 1 : i32
      scf.for %parallel_loop3A_79 = %parallel_loop3A_62 to %parallel_loop3A_63 step %parallel_loop3A_64  : i32 {
        %parallel_loop3A_80 = arith.constant 16 : i32
        %parallel_loop3A_81 = arith.muli %parallel_loop3A_79, %parallel_loop3A_80 : i32
        %parallel_loop3A_82 = arith.index_cast %parallel_loop3A_81 : i32 to index
        %parallel_loop3A_83 = tpu.vector_load %arg8[%parallel_loop3A_82] {strides = array<i32>} : memref<16000xi32, #tpu.memory_space<vmem>>, vector<16xi32>,
        %parallel_loop3A_84 = arith.constant 65535 : i32
        %parallel_loop3A_85 = vector.broadcast %parallel_loop3A_84 : i32 to vector<16xi32>
        %parallel_loop3A_86 = arith.andi %parallel_loop3A_83, %parallel_loop3A_85 : vector<16xi32>
        %parallel_loop3A_87 = arith.constant 16 : i32
        %parallel_loop3A_88 = vector.broadcast %parallel_loop3A_87 : i32 to vector<16xi32>
        %parallel_loop3A_89 = arith.shrui %parallel_loop3A_83, %parallel_loop3A_88 : vector<16xi32>
        %parallel_loop3A_90 = tpu.vector_load_idx %arg5[%parallel_loop3A_86] : memref<10016xi32, #tpu.memory_space<vmem>>[vector<16xi32>], vector<16xi32>,
        %parallel_loop3A_91 = arith.constant 16 : i32
        %parallel_loop3A_92 = vector.broadcast %parallel_loop3A_91 : i32 to vector<16xi32>
        %parallel_loop3A_93 = arith.shli %parallel_loop3A_90, %parallel_loop3A_92 : vector<16xi32>
        %parallel_loop3A_94 = vector.bitcast %parallel_loop3A_93 : vector<16xi32> to vector<16xf32>
        %parallel_loop3A_95 = arith.constant -65536 : i32
        %parallel_loop3A_96 = vector.broadcast %parallel_loop3A_95 : i32 to vector<16xi32>
        %parallel_loop3A_97 = arith.andi %parallel_loop3A_90, %parallel_loop3A_96 : vector<16xi32>
        %parallel_loop3A_98 = vector.bitcast %parallel_loop3A_97 : vector<16xi32> to vector<16xf32>
        tpu.vector_store_idx %arg6[%parallel_loop3A_89], %parallel_loop3A_94 {add = true} : memref<10016xf32, #tpu.memory_space<vmem>>[vector<16xi32>], vector<16xf32>,
        tpu.vector_store_idx %arg7[%parallel_loop3A_89], %parallel_loop3A_98 {add = true} : memref<10016xf32, #tpu.memory_space<vmem>>[vector<16xi32>], vector<16xf32>,
      } {sc.loop_unroll_factor = 8 : i64, sc.parallel_access}
      %add3A_65 = arith.constant 2 : i32
      %add3A_66 = arith.addi %mul3A_52, %add3A_65 : i32
      %lt3A_67 = arith.constant 20 : i32
      %lt3A_68 = arith.cmpi slt, %add3A_66, %lt3A_67 : i32
      %convert_element_type3A_69 = arith.extui %lt3A_68 : i1 to i32
      %cond3A_70 = arith.constant 0 : i32
      %cond3A_71 = arith.cmpi ne, %convert_element_type3A_69, %cond3A_70 : i32
      scf.if %cond3A_71 {
        %add3A_79 = arith.constant 2 : i32
        %add3A_80 = arith.addi %mul3A_52, %add3A_79 : i32
        %mul3A_81 = arith.constant 16000 : i32
        %mul3A_82 = arith.muli %add3A_80, %mul3A_81 : i32
        %add3A_83 = arith.addi %mul3A_32, %mul3A_82 : i32
        %dma_start3A_84 = tpu.memref_slice %arg3[%add3A_83] : memref<640000xi32, #tpu.memory_space<hbm>> -> memref<16000xi32, #tpu.memory_space<hbm>>
        %dma_start3A_85 = tpu.memref_slice %arg3[%add3A_83] : memref<640000xi32, #tpu.memory_space<hbm>> -> memref<16000xi32, #tpu.memory_space<hbm>>
        tpu.enqueue_dma source(%dma_start3A_85 : memref<16000xi32, #tpu.memory_space<hbm>>) target(%arg8 : memref<16000xi32, #tpu.memory_space<vmem>>) target_semaphore(%arg10 : memref<!tpu.dma_semaphore, #tpu.memory_space<semaphore_mem>>)
      } else {
      }
      %add3A_72 = arith.constant 1 : i32
      %add3A_73 = arith.addi %mul3A_52, %add3A_72 : i32
      %lt3A_74 = arith.constant 20 : i32
      %lt3A_75 = arith.cmpi slt, %add3A_73, %lt3A_74 : i32
      %convert_element_type3A_76 = arith.extui %lt3A_75 : i1 to i32
      %cond3A_77 = arith.constant 0 : i32
      %cond3A_78 = arith.cmpi ne, %convert_element_type3A_76, %cond3A_77 : i32
      scf.if %cond3A_78 {
        %add3A_79 = arith.constant 1 : i32
        %add3A_80 = arith.addi %mul3A_52, %add3A_79 : i32
        %mul3A_81 = arith.constant 16000 : i32
        %mul3A_82 = arith.muli %add3A_80, %mul3A_81 : i32
        %add3A_83 = arith.addi %mul3A_32, %mul3A_82 : i32
        %dma_wait3A_84 = tpu.memref_slice %arg3[%add3A_83] : memref<640000xi32, #tpu.memory_space<hbm>> -> memref<16000xi32, #tpu.memory_space<hbm>>
        %dma_wait3A_85 = tpu.memref_slice %arg3[%add3A_83] : memref<640000xi32, #tpu.memory_space<hbm>> -> memref<16000xi32, #tpu.memory_space<hbm>>
        tpu.wait_dma2 semaphore(%arg11 : memref<!tpu.dma_semaphore, #tpu.memory_space<semaphore_mem>>) src(%dma_wait3A_85 : memref<16000xi32, #tpu.memory_space<hbm>>) dst(%arg9 : memref<16000xi32, #tpu.memory_space<vmem>>)
        %parallel_loop3A_86 = arith.constant 0 : i32
        %parallel_loop3A_87 = arith.constant 1000 : i32
        %parallel_loop3A_88 = arith.constant 1 : i32
        scf.for %parallel_loop3A_89 = %parallel_loop3A_86 to %parallel_loop3A_87 step %parallel_loop3A_88  : i32 {
          %parallel_loop3A_90 = arith.constant 16 : i32
          %parallel_loop3A_91 = arith.muli %parallel_loop3A_89, %parallel_loop3A_90 : i32
          %parallel_loop3A_92 = arith.index_cast %parallel_loop3A_91 : i32 to index
          %parallel_loop3A_93 = tpu.vector_load %arg9[%parallel_loop3A_92] {strides = array<i32>} : memref<16000xi32, #tpu.memory_space<vmem>>, vector<16xi32>,
          %parallel_loop3A_94 = arith.constant 65535 : i32
          %parallel_loop3A_95 = vector.broadcast %parallel_loop3A_94 : i32 to vector<16xi32>
          %parallel_loop3A_96 = arith.andi %parallel_loop3A_93, %parallel_loop3A_95 : vector<16xi32>
          %parallel_loop3A_97 = arith.constant 16 : i32
          %parallel_loop3A_98 = vector.broadcast %parallel_loop3A_97 : i32 to vector<16xi32>
          %parallel_loop3A_99 = arith.shrui %parallel_loop3A_93, %parallel_loop3A_98 : vector<16xi32>
          %parallel_loop3A_100 = tpu.vector_load_idx %arg5[%parallel_loop3A_96] : memref<10016xi32, #tpu.memory_space<vmem>>[vector<16xi32>], vector<16xi32>,
          %parallel_loop3A_101 = arith.constant 16 : i32
          %parallel_loop3A_102 = vector.broadcast %parallel_loop3A_101 : i32 to vector<16xi32>
          %parallel_loop3A_103 = arith.shli %parallel_loop3A_100, %parallel_loop3A_102 : vector<16xi32>
          %parallel_loop3A_104 = vector.bitcast %parallel_loop3A_103 : vector<16xi32> to vector<16xf32>
          %parallel_loop3A_105 = arith.constant -65536 : i32
          %parallel_loop3A_106 = vector.broadcast %parallel_loop3A_105 : i32 to vector<16xi32>
          %parallel_loop3A_107 = arith.andi %parallel_loop3A_100, %parallel_loop3A_106 : vector<16xi32>
          %parallel_loop3A_108 = vector.bitcast %parallel_loop3A_107 : vector<16xi32> to vector<16xf32>
          tpu.vector_store_idx %arg6[%parallel_loop3A_99], %parallel_loop3A_104 {add = true} : memref<10016xf32, #tpu.memory_space<vmem>>[vector<16xi32>], vector<16xf32>,
          tpu.vector_store_idx %arg7[%parallel_loop3A_99], %parallel_loop3A_108 {add = true} : memref<10016xf32, #tpu.memory_space<vmem>>[vector<16xi32>], vector<16xf32>,
        } {sc.loop_unroll_factor = 8 : i64, sc.parallel_access}
      } else {
      }
    }
    %scan3A_43 = arith.constant 10 : i32
    %mul3A_44 = arith.constant 2 : i32
    %mul3A_45 = arith.muli %mul3A_44, %select_n3A_9 : i32
    "tpu.region"() ({
      %run_scoped3A = tpu.sem_alloc : memref<!tpu.dma_semaphore, #tpu.memory_space<semaphore_mem>>
      %dma_start3A_50 = arith.constant 0 : i32
      %dma_start3A_51 = tpu.memref_slice %arg4[%select_n3A_30, %mul3A_45, %dma_start3A_50] : memref<2x32x10016xf32, #tpu.memory_space<hbm>> -> memref<1x1x10016xf32, #tpu.memory_space<hbm>>
      %dma_start3A_52 = tpu.memref_squeeze %dma_start3A_51 : memref<1x1x10016xf32, #tpu.memory_space<hbm>> -> memref<10016xf32, #tpu.memory_space<hbm>>
      %dma_start3A_53 = arith.constant 0 : i32
      %dma_start3A_54 = tpu.memref_slice %arg4[%select_n3A_30, %mul3A_45, %dma_start3A_53] : memref<2x32x10016xf32, #tpu.memory_space<hbm>> -> memref<1x1x10016xf32, #tpu.memory_space<hbm>>
      %dma_start3A_55 = tpu.memref_squeeze %dma_start3A_54 : memref<1x1x10016xf32, #tpu.memory_space<hbm>> -> memref<10016xf32, #tpu.memory_space<hbm>>
      tpu.enqueue_dma source(%arg6 : memref<10016xf32, #tpu.memory_space<vmem>>) target(%dma_start3A_55 : memref<10016xf32, #tpu.memory_space<hbm>>) target_semaphore(%run_scoped3A : memref<!tpu.dma_semaphore, #tpu.memory_space<semaphore_mem>>)
      %dma_wait3A = arith.constant 0 : i32
      %dma_wait3A_56 = tpu.memref_slice %arg4[%select_n3A_30, %mul3A_45, %dma_wait3A] : memref<2x32x10016xf32, #tpu.memory_space<hbm>> -> memref<1x1x10016xf32, #tpu.memory_space<hbm>>
      %dma_wait3A_57 = tpu.memref_squeeze %dma_wait3A_56 : memref<1x1x10016xf32, #tpu.memory_space<hbm>> -> memref<10016xf32, #tpu.memory_space<hbm>>
      %dma_wait3A_58 = arith.constant 0 : i32
      %dma_wait3A_59 = tpu.memref_slice %arg4[%select_n3A_30, %mul3A_45, %dma_wait3A_58] : memref<2x32x10016xf32, #tpu.memory_space<hbm>> -> memref<1x1x10016xf32, #tpu.memory_space<hbm>>
      %dma_wait3A_60 = tpu.memref_squeeze %dma_wait3A_59 : memref<1x1x10016xf32, #tpu.memory_space<hbm>> -> memref<10016xf32, #tpu.memory_space<hbm>>
      tpu.wait_dma2 semaphore(%run_scoped3A : memref<!tpu.dma_semaphore, #tpu.memory_space<semaphore_mem>>) src(%arg6 : memref<10016xf32, #tpu.memory_space<vmem>>) dst(%dma_wait3A_60 : memref<10016xf32, #tpu.memory_space<hbm>>)
      tpu.yield
    }) : () -> ()
    %mul3A_46 = arith.constant 2 : i32
    %mul3A_47 = arith.muli %mul3A_46, %select_n3A_9 : i32
    %add3A_48 = arith.constant 1 : i32
    %add3A_49 = arith.addi %mul3A_47, %add3A_48 : i32
    "tpu.region"() ({
      %run_scoped3A = tpu.sem_alloc : memref<!tpu.dma_semaphore, #tpu.memory_space<semaphore_mem>>
      %dma_start3A_50 = arith.constant 0 : i32
      %dma_start3A_51 = tpu.memref_slice %arg4[%select_n3A_30, %add3A_49, %dma_start3A_50] : memref<2x32x10016xf32, #tpu.memory_space<hbm>> -> memref<1x1x10016xf32, #tpu.memory_space<hbm>>
      %dma_start3A_52 = tpu.memref_squeeze %dma_start3A_51 : memref<1x1x10016xf32, #tpu.memory_space<hbm>> -> memref<10016xf32, #tpu.memory_space<hbm>>
      %dma_start3A_53 = arith.constant 0 : i32
      %dma_start3A_54 = tpu.memref_slice %arg4[%select_n3A_30, %add3A_49, %dma_start3A_53] : memref<2x32x10016xf32, #tpu.memory_space<hbm>> -> memref<1x1x10016xf32, #tpu.memory_space<hbm>>
      %dma_start3A_55 = tpu.memref_squeeze %dma_start3A_54 : memref<1x1x10016xf32, #tpu.memory_space<hbm>> -> memref<10016xf32, #tpu.memory_space<hbm>>
      tpu.enqueue_dma source(%arg7 : memref<10016xf32, #tpu.memory_space<vmem>>) target(%dma_start3A_55 : memref<10016xf32, #tpu.memory_space<hbm>>) target_semaphore(%run_scoped3A : memref<!tpu.dma_semaphore, #tpu.memory_space<semaphore_mem>>)
      %dma_wait3A = arith.constant 0 : i32
      %dma_wait3A_56 = tpu.memref_slice %arg4[%select_n3A_30, %add3A_49, %dma_wait3A] : memref<2x32x10016xf32, #tpu.memory_space<hbm>> -> memref<1x1x10016xf32, #tpu.memory_space<hbm>>
      %dma_wait3A_57 = tpu.memref_squeeze %dma_wait3A_56 : memref<1x1x10016xf32, #tpu.memory_space<hbm>> -> memref<10016xf32, #tpu.memory_space<hbm>>
      %dma_wait3A_58 = arith.constant 0 : i32
      %dma_wait3A_59 = tpu.memref_slice %arg4[%select_n3A_30, %add3A_49, %dma_wait3A_58] : memref<2x32x10016xf32, #tpu.memory_space<hbm>> -> memref<1x1x10016xf32, #tpu.memory_space<hbm>>
      %dma_wait3A_60 = tpu.memref_squeeze %dma_wait3A_59 : memref<1x1x10016xf32, #tpu.memory_space<hbm>> -> memref<10016xf32, #tpu.memory_space<hbm>>
      tpu.wait_dma2 semaphore(%run_scoped3A : memref<!tpu.dma_semaphore, #tpu.memory_space<semaphore_mem>>) src(%arg7 : memref<10016xf32, #tpu.memory_space<vmem>>) dst(%dma_wait3A_60 : memref<10016xf32, #tpu.memory_space<hbm>>)
      tpu.yield
    }) : () -> ()
    return
  }
}

#map = affine_map<(d0, d1) -> (0, 0)>
#map1 = affine_map<(d0, d1) -> (0)>
module attributes {stable_mosaic.version = 14 : i64} {
  func.func @_p3_body(%arg0: i32, %arg1: i32, %arg2: memref<8x10016xi32, #tpu.memory_space<hbm>>, %arg3: memref<640000xi32, #tpu.memory_space<hbm>>, %arg4: memref<48x10016xf32, #tpu.memory_space<hbm>>, %arg5: memref<10016xi32, #tpu.memory_space<vmem>>, %arg6: memref<10016xf32, #tpu.memory_space<vmem>>, %arg7: memref<10016xf32, #tpu.memory_space<vmem>>, %arg8: memref<8000xi32, #tpu.memory_space<vmem>>, %arg9: memref<8000xi32, #tpu.memory_space<vmem>>, %arg10: memref<!tpu.dma_semaphore, #tpu.memory_space<semaphore_mem>>, %arg11: memref<!tpu.dma_semaphore, #tpu.memory_space<semaphore_mem>>) attributes {dimension_semantics = [#tpu.dimension_semantics<core_parallel>, #tpu.dimension_semantics<subcore_parallel>], iteration_bounds = array<i64: 2, 16>, scalar_prefetch = 0 : i64, scratch_operands = 7 : i64, tpu.core_type = #tpu.core_type<sc_vector_subcore>, window_params = [{transform_indices = #map}, {transform_indices = #map1}, {transform_indices = #map}]} {
    %mul3A = arith.constant 2 : i32
    %mul3A_0 = arith.muli %arg1, %mul3A : i32
    %add3A = arith.addi %mul3A_0, %arg0 : i32
    %lt3A = arith.constant 16 : i32
    %lt3A_1 = arith.cmpi slt, %add3A, %lt3A : i32
    %jit3A = arith.constant 16 : i32
    %eq3A = arith.constant 0 : i32
    %eq3A_2 = arith.cmpi eq, %jit3A, %eq3A : i32
    %jit3A_3 = arith.constant 1 : i32
    %select_n3A = arith.select %eq3A_2, %jit3A_3, %jit3A : i32
    %rem3A = arith.remsi %add3A, %select_n3A : i32
    %ne3A = arith.constant 0 : i32
    %ne3A_4 = arith.cmpi ne, %rem3A, %ne3A : i32
    %lt3A_5 = arith.constant 0 : i32
    %lt3A_6 = arith.cmpi slt, %rem3A, %lt3A_5 : i32
    %lt3A_7 = arith.constant 0 : i32
    %lt3A_8 = arith.cmpi slt, %select_n3A, %lt3A_7 : i32
    %ne3A_9 = arith.xori %lt3A_6, %lt3A_8 : i1
    %and3A = arith.andi %ne3A_9, %ne3A_4 : i1
    %add3A_10 = arith.addi %rem3A, %select_n3A : i32
    %select_n3A_11 = arith.select %and3A, %add3A_10, %rem3A : i32
    %mul3A_12 = arith.constant 40000 : i32
    %mul3A_13 = arith.muli %select_n3A_11, %mul3A_12 : i32
    %dma_start3A = tpu.memref_slice %arg3[%mul3A_13] : memref<640000xi32, #tpu.memory_space<hbm>> -> memref<8000xi32, #tpu.memory_space<hbm>>
    %dma_start3A_14 = tpu.memref_slice %arg3[%mul3A_13] : memref<640000xi32, #tpu.memory_space<hbm>> -> memref<8000xi32, #tpu.memory_space<hbm>>
    tpu.enqueue_dma source(%dma_start3A_14 : memref<8000xi32, #tpu.memory_space<hbm>>) target(%arg8 : memref<8000xi32, #tpu.memory_space<vmem>>) target_semaphore(%arg10 : memref<!tpu.dma_semaphore, #tpu.memory_space<semaphore_mem>>)
    %convert_element_type3A = arith.extui %lt3A_1 : i1 to i32
    %cond3A = arith.constant 0 : i32
    %cond3A_15 = arith.cmpi ne, %convert_element_type3A, %cond3A : i32
    scf.if %cond3A_15 {
      %run_scoped3A = arith.constant 0 : i32
      "tpu.region"() ({
        %run_scoped3A_36 = tpu.sem_alloc : memref<!tpu.dma_semaphore, #tpu.memory_space<semaphore_mem>>
        %dma_start3A_37 = arith.constant 0 : i32
        %dma_start3A_38 = tpu.memref_slice %arg2[%run_scoped3A, %dma_start3A_37] : memref<8x10016xi32, #tpu.memory_space<hbm>> -> memref<1x10016xi32, #tpu.memory_space<hbm>>
        %dma_start3A_39 = tpu.memref_squeeze %dma_start3A_38 : memref<1x10016xi32, #tpu.memory_space<hbm>> -> memref<10016xi32, #tpu.memory_space<hbm>>
        %dma_start3A_40 = arith.constant 0 : i32
        %dma_start3A_41 = tpu.memref_slice %arg2[%run_scoped3A, %dma_start3A_40] : memref<8x10016xi32, #tpu.memory_space<hbm>> -> memref<1x10016xi32, #tpu.memory_space<hbm>>
        %dma_start3A_42 = tpu.memref_squeeze %dma_start3A_41 : memref<1x10016xi32, #tpu.memory_space<hbm>> -> memref<10016xi32, #tpu.memory_space<hbm>>
        tpu.enqueue_dma source(%dma_start3A_42 : memref<10016xi32, #tpu.memory_space<hbm>>) target(%arg5 : memref<10016xi32, #tpu.memory_space<vmem>>) target_semaphore(%run_scoped3A_36 : memref<!tpu.dma_semaphore, #tpu.memory_space<semaphore_mem>>)
        %dma_wait3A = arith.constant 0 : i32
        %dma_wait3A_43 = tpu.memref_slice %arg2[%run_scoped3A, %dma_wait3A] : memref<8x10016xi32, #tpu.memory_space<hbm>> -> memref<1x10016xi32, #tpu.memory_space<hbm>>
        %dma_wait3A_44 = tpu.memref_squeeze %dma_wait3A_43 : memref<1x10016xi32, #tpu.memory_space<hbm>> -> memref<10016xi32, #tpu.memory_space<hbm>>
        %dma_wait3A_45 = arith.constant 0 : i32
        %dma_wait3A_46 = tpu.memref_slice %arg2[%run_scoped3A, %dma_wait3A_45] : memref<8x10016xi32, #tpu.memory_space<hbm>> -> memref<1x10016xi32, #tpu.memory_space<hbm>>
        %dma_wait3A_47 = tpu.memref_squeeze %dma_wait3A_46 : memref<1x10016xi32, #tpu.memory_space<hbm>> -> memref<10016xi32, #tpu.memory_space<hbm>>
        tpu.wait_dma2 semaphore(%run_scoped3A_36 : memref<!tpu.dma_semaphore, #tpu.memory_space<semaphore_mem>>) src(%dma_wait3A_47 : memref<10016xi32, #tpu.memory_space<hbm>>) dst(%arg5 : memref<10016xi32, #tpu.memory_space<vmem>>)
        tpu.yield
      }) : () -> ()
      %parallel_loop3A = arith.constant 0 : i32
      %parallel_loop3A_20 = arith.constant 626 : i32
      %parallel_loop3A_21 = arith.constant 1 : i32
      scf.for %parallel_loop3A_36 = %parallel_loop3A to %parallel_loop3A_20 step %parallel_loop3A_21  : i32 {
        %parallel_loop3A_37 = arith.constant 0.000000e+00 : f32
        %parallel_loop3A_38 = vector.broadcast %parallel_loop3A_37 : f32 to vector<16xf32>
        %parallel_loop3A_39 = arith.constant 16 : i32
        %parallel_loop3A_40 = arith.muli %parallel_loop3A_36, %parallel_loop3A_39 : i32
        %parallel_loop3A_41 = arith.index_cast %parallel_loop3A_40 : i32 to index
        %parallel_loop3A_42 = tpu.vector_load %arg6[%parallel_loop3A_41] {strides = array<i32>} : memref<10016xf32, #tpu.memory_space<vmem>>, vector<16xf32>,
        tpu.vector_store %arg6[%parallel_loop3A_41], %parallel_loop3A_38 {strides = array<i32>} : memref<10016xf32, #tpu.memory_space<vmem>>, vector<16xf32>,
      } {sc.loop_unroll_factor = 4 : i64, sc.parallel_access}
      %parallel_loop3A_22 = arith.constant 0 : i32
      %parallel_loop3A_23 = arith.constant 626 : i32
      %parallel_loop3A_24 = arith.constant 1 : i32
      scf.for %parallel_loop3A_36 = %parallel_loop3A_22 to %parallel_loop3A_23 step %parallel_loop3A_24  : i32 {
        %parallel_loop3A_37 = arith.constant 0.000000e+00 : f32
        %parallel_loop3A_38 = vector.broadcast %parallel_loop3A_37 : f32 to vector<16xf32>
        %parallel_loop3A_39 = arith.constant 16 : i32
        %parallel_loop3A_40 = arith.muli %parallel_loop3A_36, %parallel_loop3A_39 : i32
        %parallel_loop3A_41 = arith.index_cast %parallel_loop3A_40 : i32 to index
        %parallel_loop3A_42 = tpu.vector_load %arg7[%parallel_loop3A_41] {strides = array<i32>} : memref<10016xf32, #tpu.memory_space<vmem>>, vector<16xf32>,
        tpu.vector_store %arg7[%parallel_loop3A_41], %parallel_loop3A_38 {strides = array<i32>} : memref<10016xf32, #tpu.memory_space<vmem>>, vector<16xf32>,
      } {sc.loop_unroll_factor = 4 : i64, sc.parallel_access}
      %scan3A = arith.constant 0 : i32
      %scan3A_25 = arith.constant 0 : i32
      %scan3A_26 = arith.constant 3 : i32
      %scan3A_27 = arith.addi %scan3A_25, %scan3A_26 : i32
      %scan3A_28 = arith.constant 1 : i32
      scf.for %scan3A_36 = %scan3A_25 to %scan3A_27 step %scan3A_28  : i32 {
        %mul3A_37 = arith.constant 2 : i32
        %mul3A_38 = arith.muli %mul3A_37, %scan3A_36 : i32
        %add3A_39 = arith.constant 1 : i32
        %add3A_40 = arith.addi %mul3A_38, %add3A_39 : i32
        %lt3A_41 = arith.constant 5 : i32
        %lt3A_42 = arith.cmpi slt, %add3A_40, %lt3A_41 : i32
        %convert_element_type3A_43 = arith.extui %lt3A_42 : i1 to i32
        %cond3A_44 = arith.constant 0 : i32
        %cond3A_45 = arith.cmpi ne, %convert_element_type3A_43, %cond3A_44 : i32
        scf.if %cond3A_45 {
          %add3A_67 = arith.constant 1 : i32
          %add3A_68 = arith.addi %mul3A_38, %add3A_67 : i32
          %mul3A_69 = arith.constant 8000 : i32
          %mul3A_70 = arith.muli %add3A_68, %mul3A_69 : i32
          %add3A_71 = arith.addi %mul3A_13, %mul3A_70 : i32
          %dma_start3A_72 = tpu.memref_slice %arg3[%add3A_71] : memref<640000xi32, #tpu.memory_space<hbm>> -> memref<8000xi32, #tpu.memory_space<hbm>>
          %dma_start3A_73 = tpu.memref_slice %arg3[%add3A_71] : memref<640000xi32, #tpu.memory_space<hbm>> -> memref<8000xi32, #tpu.memory_space<hbm>>
          tpu.enqueue_dma source(%dma_start3A_73 : memref<8000xi32, #tpu.memory_space<hbm>>) target(%arg9 : memref<8000xi32, #tpu.memory_space<vmem>>) target_semaphore(%arg11 : memref<!tpu.dma_semaphore, #tpu.memory_space<semaphore_mem>>)
        } else {
        }
        %mul3A_46 = arith.constant 8000 : i32
        %mul3A_47 = arith.muli %mul3A_38, %mul3A_46 : i32
        %add3A_48 = arith.addi %mul3A_13, %mul3A_47 : i32
        %dma_wait3A = tpu.memref_slice %arg3[%add3A_48] : memref<640000xi32, #tpu.memory_space<hbm>> -> memref<8000xi32, #tpu.memory_space<hbm>>
        %dma_wait3A_49 = tpu.memref_slice %arg3[%add3A_48] : memref<640000xi32, #tpu.memory_space<hbm>> -> memref<8000xi32, #tpu.memory_space<hbm>>
        tpu.wait_dma2 semaphore(%arg10 : memref<!tpu.dma_semaphore, #tpu.memory_space<semaphore_mem>>) src(%dma_wait3A_49 : memref<8000xi32, #tpu.memory_space<hbm>>) dst(%arg8 : memref<8000xi32, #tpu.memory_space<vmem>>)
        %parallel_loop3A_50 = arith.constant 0 : i32
        %parallel_loop3A_51 = arith.constant 500 : i32
        %parallel_loop3A_52 = arith.constant 1 : i32
        scf.for %parallel_loop3A_67 = %parallel_loop3A_50 to %parallel_loop3A_51 step %parallel_loop3A_52  : i32 {
          %parallel_loop3A_68 = arith.constant 16 : i32
          %parallel_loop3A_69 = arith.muli %parallel_loop3A_67, %parallel_loop3A_68 : i32
          %parallel_loop3A_70 = arith.index_cast %parallel_loop3A_69 : i32 to index
          %parallel_loop3A_71 = tpu.vector_load %arg8[%parallel_loop3A_70] {strides = array<i32>} : memref<8000xi32, #tpu.memory_space<vmem>>, vector<16xi32>,
          %parallel_loop3A_72 = arith.constant 65535 : i32
          %parallel_loop3A_73 = vector.broadcast %parallel_loop3A_72 : i32 to vector<16xi32>
          %parallel_loop3A_74 = arith.andi %parallel_loop3A_71, %parallel_loop3A_73 : vector<16xi32>
          %parallel_loop3A_75 = arith.constant 16 : i32
          %parallel_loop3A_76 = vector.broadcast %parallel_loop3A_75 : i32 to vector<16xi32>
          %parallel_loop3A_77 = arith.shrui %parallel_loop3A_71, %parallel_loop3A_76 : vector<16xi32>
          %parallel_loop3A_78 = tpu.vector_load_idx %arg5[%parallel_loop3A_74] : memref<10016xi32, #tpu.memory_space<vmem>>[vector<16xi32>], vector<16xi32>,
          %parallel_loop3A_79 = arith.constant 16 : i32
          %parallel_loop3A_80 = vector.broadcast %parallel_loop3A_79 : i32 to vector<16xi32>
          %parallel_loop3A_81 = arith.shli %parallel_loop3A_78, %parallel_loop3A_80 : vector<16xi32>
          %parallel_loop3A_82 = vector.bitcast %parallel_loop3A_81 : vector<16xi32> to vector<16xf32>
          %parallel_loop3A_83 = arith.constant -65536 : i32
          %parallel_loop3A_84 = vector.broadcast %parallel_loop3A_83 : i32 to vector<16xi32>
          %parallel_loop3A_85 = arith.andi %parallel_loop3A_78, %parallel_loop3A_84 : vector<16xi32>
          %parallel_loop3A_86 = vector.bitcast %parallel_loop3A_85 : vector<16xi32> to vector<16xf32>
          tpu.vector_store_idx %arg6[%parallel_loop3A_77], %parallel_loop3A_82 {add = true} : memref<10016xf32, #tpu.memory_space<vmem>>[vector<16xi32>], vector<16xf32>,
          tpu.vector_store_idx %arg7[%parallel_loop3A_77], %parallel_loop3A_86 {add = true} : memref<10016xf32, #tpu.memory_space<vmem>>[vector<16xi32>], vector<16xf32>,
        } {sc.loop_unroll_factor = 8 : i64, sc.parallel_access}
        %add3A_53 = arith.constant 2 : i32
        %add3A_54 = arith.addi %mul3A_38, %add3A_53 : i32
        %lt3A_55 = arith.constant 5 : i32
        %lt3A_56 = arith.cmpi slt, %add3A_54, %lt3A_55 : i32
        %convert_element_type3A_57 = arith.extui %lt3A_56 : i1 to i32
        %cond3A_58 = arith.constant 0 : i32
        %cond3A_59 = arith.cmpi ne, %convert_element_type3A_57, %cond3A_58 : i32
        scf.if %cond3A_59 {
          %add3A_67 = arith.constant 2 : i32
          %add3A_68 = arith.addi %mul3A_38, %add3A_67 : i32
          %mul3A_69 = arith.constant 8000 : i32
          %mul3A_70 = arith.muli %add3A_68, %mul3A_69 : i32
          %add3A_71 = arith.addi %mul3A_13, %mul3A_70 : i32
          %dma_start3A_72 = tpu.memref_slice %arg3[%add3A_71] : memref<640000xi32, #tpu.memory_space<hbm>> -> memref<8000xi32, #tpu.memory_space<hbm>>
          %dma_start3A_73 = tpu.memref_slice %arg3[%add3A_71] : memref<640000xi32, #tpu.memory_space<hbm>> -> memref<8000xi32, #tpu.memory_space<hbm>>
          tpu.enqueue_dma source(%dma_start3A_73 : memref<8000xi32, #tpu.memory_space<hbm>>) target(%arg8 : memref<8000xi32, #tpu.memory_space<vmem>>) target_semaphore(%arg10 : memref<!tpu.dma_semaphore, #tpu.memory_space<semaphore_mem>>)
        } else {
        }
        %add3A_60 = arith.constant 1 : i32
        %add3A_61 = arith.addi %mul3A_38, %add3A_60 : i32
        %lt3A_62 = arith.constant 5 : i32
        %lt3A_63 = arith.cmpi slt, %add3A_61, %lt3A_62 : i32
        %convert_element_type3A_64 = arith.extui %lt3A_63 : i1 to i32
        %cond3A_65 = arith.constant 0 : i32
        %cond3A_66 = arith.cmpi ne, %convert_element_type3A_64, %cond3A_65 : i32
        scf.if %cond3A_66 {
          %add3A_67 = arith.constant 1 : i32
          %add3A_68 = arith.addi %mul3A_38, %add3A_67 : i32
          %mul3A_69 = arith.constant 8000 : i32
          %mul3A_70 = arith.muli %add3A_68, %mul3A_69 : i32
          %add3A_71 = arith.addi %mul3A_13, %mul3A_70 : i32
          %dma_wait3A_72 = tpu.memref_slice %arg3[%add3A_71] : memref<640000xi32, #tpu.memory_space<hbm>> -> memref<8000xi32, #tpu.memory_space<hbm>>
          %dma_wait3A_73 = tpu.memref_slice %arg3[%add3A_71] : memref<640000xi32, #tpu.memory_space<hbm>> -> memref<8000xi32, #tpu.memory_space<hbm>>
          tpu.wait_dma2 semaphore(%arg11 : memref<!tpu.dma_semaphore, #tpu.memory_space<semaphore_mem>>) src(%dma_wait3A_73 : memref<8000xi32, #tpu.memory_space<hbm>>) dst(%arg9 : memref<8000xi32, #tpu.memory_space<vmem>>)
          %parallel_loop3A_74 = arith.constant 0 : i32
          %parallel_loop3A_75 = arith.constant 500 : i32
          %parallel_loop3A_76 = arith.constant 1 : i32
          scf.for %parallel_loop3A_77 = %parallel_loop3A_74 to %parallel_loop3A_75 step %parallel_loop3A_76  : i32 {
            %parallel_loop3A_78 = arith.constant 16 : i32
            %parallel_loop3A_79 = arith.muli %parallel_loop3A_77, %parallel_loop3A_78 : i32
            %parallel_loop3A_80 = arith.index_cast %parallel_loop3A_79 : i32 to index
            %parallel_loop3A_81 = tpu.vector_load %arg9[%parallel_loop3A_80] {strides = array<i32>} : memref<8000xi32, #tpu.memory_space<vmem>>, vector<16xi32>,
            %parallel_loop3A_82 = arith.constant 65535 : i32
            %parallel_loop3A_83 = vector.broadcast %parallel_loop3A_82 : i32 to vector<16xi32>
            %parallel_loop3A_84 = arith.andi %parallel_loop3A_81, %parallel_loop3A_83 : vector<16xi32>
            %parallel_loop3A_85 = arith.constant 16 : i32
            %parallel_loop3A_86 = vector.broadcast %parallel_loop3A_85 : i32 to vector<16xi32>
            %parallel_loop3A_87 = arith.shrui %parallel_loop3A_81, %parallel_loop3A_86 : vector<16xi32>
            %parallel_loop3A_88 = tpu.vector_load_idx %arg5[%parallel_loop3A_84] : memref<10016xi32, #tpu.memory_space<vmem>>[vector<16xi32>], vector<16xi32>,
            %parallel_loop3A_89 = arith.constant 16 : i32
            %parallel_loop3A_90 = vector.broadcast %parallel_loop3A_89 : i32 to vector<16xi32>
            %parallel_loop3A_91 = arith.shli %parallel_loop3A_88, %parallel_loop3A_90 : vector<16xi32>
            %parallel_loop3A_92 = vector.bitcast %parallel_loop3A_91 : vector<16xi32> to vector<16xf32>
            %parallel_loop3A_93 = arith.constant -65536 : i32
            %parallel_loop3A_94 = vector.broadcast %parallel_loop3A_93 : i32 to vector<16xi32>
            %parallel_loop3A_95 = arith.andi %parallel_loop3A_88, %parallel_loop3A_94 : vector<16xi32>
            %parallel_loop3A_96 = vector.bitcast %parallel_loop3A_95 : vector<16xi32> to vector<16xf32>
            tpu.vector_store_idx %arg6[%parallel_loop3A_87], %parallel_loop3A_92 {add = true} : memref<10016xf32, #tpu.memory_space<vmem>>[vector<16xi32>], vector<16xf32>,
            tpu.vector_store_idx %arg7[%parallel_loop3A_87], %parallel_loop3A_96 {add = true} : memref<10016xf32, #tpu.memory_space<vmem>>[vector<16xi32>], vector<16xf32>,
          } {sc.loop_unroll_factor = 8 : i64, sc.parallel_access}
        } else {
        }
      }
      %scan3A_29 = arith.constant 3 : i32
      %mul3A_30 = arith.constant 3 : i32
      %mul3A_31 = arith.muli %mul3A_30, %select_n3A_11 : i32
      "tpu.region"() ({
        %run_scoped3A_36 = tpu.sem_alloc : memref<!tpu.dma_semaphore, #tpu.memory_space<semaphore_mem>>
        %dma_start3A_37 = arith.constant 0 : i32
        %dma_start3A_38 = tpu.memref_slice %arg4[%mul3A_31, %dma_start3A_37] : memref<48x10016xf32, #tpu.memory_space<hbm>> -> memref<1x10016xf32, #tpu.memory_space<hbm>>
        %dma_start3A_39 = tpu.memref_squeeze %dma_start3A_38 : memref<1x10016xf32, #tpu.memory_space<hbm>> -> memref<10016xf32, #tpu.memory_space<hbm>>
        %dma_start3A_40 = arith.constant 0 : i32
        %dma_start3A_41 = tpu.memref_slice %arg4[%mul3A_31, %dma_start3A_40] : memref<48x10016xf32, #tpu.memory_space<hbm>> -> memref<1x10016xf32, #tpu.memory_space<hbm>>
        %dma_start3A_42 = tpu.memref_squeeze %dma_start3A_41 : memref<1x10016xf32, #tpu.memory_space<hbm>> -> memref<10016xf32, #tpu.memory_space<hbm>>
        tpu.enqueue_dma source(%arg6 : memref<10016xf32, #tpu.memory_space<vmem>>) target(%dma_start3A_42 : memref<10016xf32, #tpu.memory_space<hbm>>) target_semaphore(%run_scoped3A_36 : memref<!tpu.dma_semaphore, #tpu.memory_space<semaphore_mem>>)
        %dma_wait3A = arith.constant 0 : i32
        %dma_wait3A_43 = tpu.memref_slice %arg4[%mul3A_31, %dma_wait3A] : memref<48x10016xf32, #tpu.memory_space<hbm>> -> memref<1x10016xf32, #tpu.memory_space<hbm>>
        %dma_wait3A_44 = tpu.memref_squeeze %dma_wait3A_43 : memref<1x10016xf32, #tpu.memory_space<hbm>> -> memref<10016xf32, #tpu.memory_space<hbm>>
        %dma_wait3A_45 = arith.constant 0 : i32
        %dma_wait3A_46 = tpu.memref_slice %arg4[%mul3A_31, %dma_wait3A_45] : memref<48x10016xf32, #tpu.memory_space<hbm>> -> memref<1x10016xf32, #tpu.memory_space<hbm>>
        %dma_wait3A_47 = tpu.memref_squeeze %dma_wait3A_46 : memref<1x10016xf32, #tpu.memory_space<hbm>> -> memref<10016xf32, #tpu.memory_space<hbm>>
        tpu.wait_dma2 semaphore(%run_scoped3A_36 : memref<!tpu.dma_semaphore, #tpu.memory_space<semaphore_mem>>) src(%arg6 : memref<10016xf32, #tpu.memory_space<vmem>>) dst(%dma_wait3A_47 : memref<10016xf32, #tpu.memory_space<hbm>>)
        tpu.yield
      }) : () -> ()
      %mul3A_32 = arith.constant 3 : i32
      %mul3A_33 = arith.muli %mul3A_32, %select_n3A_11 : i32
      %add3A_34 = arith.constant 1 : i32
      %add3A_35 = arith.addi %mul3A_33, %add3A_34 : i32
      "tpu.region"() ({
        %run_scoped3A_36 = tpu.sem_alloc : memref<!tpu.dma_semaphore, #tpu.memory_space<semaphore_mem>>
        %dma_start3A_37 = arith.constant 0 : i32
        %dma_start3A_38 = tpu.memref_slice %arg4[%add3A_35, %dma_start3A_37] : memref<48x10016xf32, #tpu.memory_space<hbm>> -> memref<1x10016xf32, #tpu.memory_space<hbm>>
        %dma_start3A_39 = tpu.memref_squeeze %dma_start3A_38 : memref<1x10016xf32, #tpu.memory_space<hbm>> -> memref<10016xf32, #tpu.memory_space<hbm>>
        %dma_start3A_40 = arith.constant 0 : i32
        %dma_start3A_41 = tpu.memref_slice %arg4[%add3A_35, %dma_start3A_40] : memref<48x10016xf32, #tpu.memory_space<hbm>> -> memref<1x10016xf32, #tpu.memory_space<hbm>>
        %dma_start3A_42 = tpu.memref_squeeze %dma_start3A_41 : memref<1x10016xf32, #tpu.memory_space<hbm>> -> memref<10016xf32, #tpu.memory_space<hbm>>
        tpu.enqueue_dma source(%arg7 : memref<10016xf32, #tpu.memory_space<vmem>>) target(%dma_start3A_42 : memref<10016xf32, #tpu.memory_space<hbm>>) target_semaphore(%run_scoped3A_36 : memref<!tpu.dma_semaphore, #tpu.memory_space<semaphore_mem>>)
        %dma_wait3A = arith.constant 0 : i32
        %dma_wait3A_43 = tpu.memref_slice %arg4[%add3A_35, %dma_wait3A] : memref<48x10016xf32, #tpu.memory_space<hbm>> -> memref<1x10016xf32, #tpu.memory_space<hbm>>
        %dma_wait3A_44 = tpu.memref_squeeze %dma_wait3A_43 : memref<1x10016xf32, #tpu.memory_space<hbm>> -> memref<10016xf32, #tpu.memory_space<hbm>>
        %dma_wait3A_45 = arith.constant 0 : i32
        %dma_wait3A_46 = tpu.memref_slice %arg4[%add3A_35, %dma_wait3A_45] : memref<48x10016xf32, #tpu.memory_space<hbm>> -> memref<1x10016xf32, #tpu.memory_space<hbm>>
        %dma_wait3A_47 = tpu.memref_squeeze %dma_wait3A_46 : memref<1x10016xf32, #tpu.memory_space<hbm>> -> memref<10016xf32, #tpu.memory_space<hbm>>
        tpu.wait_dma2 semaphore(%run_scoped3A_36 : memref<!tpu.dma_semaphore, #tpu.memory_space<semaphore_mem>>) src(%arg7 : memref<10016xf32, #tpu.memory_space<vmem>>) dst(%dma_wait3A_47 : memref<10016xf32, #tpu.memory_space<hbm>>)
        tpu.yield
      }) : () -> ()
    } else {
    }
    %not3A = arith.constant true
    %not3A_16 = arith.xori %lt3A_1, %not3A : i1
    %convert_element_type3A_17 = arith.extui %not3A_16 : i1 to i32
    %cond3A_18 = arith.constant 0 : i32
    %cond3A_19 = arith.cmpi ne, %convert_element_type3A_17, %cond3A_18 : i32
    scf.if %cond3A_19 {
      %run_scoped3A = arith.constant 1 : i32
      "tpu.region"() ({
        %run_scoped3A_31 = tpu.sem_alloc : memref<!tpu.dma_semaphore, #tpu.memory_space<semaphore_mem>>
        %dma_start3A_32 = arith.constant 0 : i32
        %dma_start3A_33 = tpu.memref_slice %arg2[%run_scoped3A, %dma_start3A_32] : memref<8x10016xi32, #tpu.memory_space<hbm>> -> memref<1x10016xi32, #tpu.memory_space<hbm>>
        %dma_start3A_34 = tpu.memref_squeeze %dma_start3A_33 : memref<1x10016xi32, #tpu.memory_space<hbm>> -> memref<10016xi32, #tpu.memory_space<hbm>>
        %dma_start3A_35 = arith.constant 0 : i32
        %dma_start3A_36 = tpu.memref_slice %arg2[%run_scoped3A, %dma_start3A_35] : memref<8x10016xi32, #tpu.memory_space<hbm>> -> memref<1x10016xi32, #tpu.memory_space<hbm>>
        %dma_start3A_37 = tpu.memref_squeeze %dma_start3A_36 : memref<1x10016xi32, #tpu.memory_space<hbm>> -> memref<10016xi32, #tpu.memory_space<hbm>>
        tpu.enqueue_dma source(%dma_start3A_37 : memref<10016xi32, #tpu.memory_space<hbm>>) target(%arg5 : memref<10016xi32, #tpu.memory_space<vmem>>) target_semaphore(%run_scoped3A_31 : memref<!tpu.dma_semaphore, #tpu.memory_space<semaphore_mem>>)
        %dma_wait3A = arith.constant 0 : i32
        %dma_wait3A_38 = tpu.memref_slice %arg2[%run_scoped3A, %dma_wait3A] : memref<8x10016xi32, #tpu.memory_space<hbm>> -> memref<1x10016xi32, #tpu.memory_space<hbm>>
        %dma_wait3A_39 = tpu.memref_squeeze %dma_wait3A_38 : memref<1x10016xi32, #tpu.memory_space<hbm>> -> memref<10016xi32, #tpu.memory_space<hbm>>
        %dma_wait3A_40 = arith.constant 0 : i32
        %dma_wait3A_41 = tpu.memref_slice %arg2[%run_scoped3A, %dma_wait3A_40] : memref<8x10016xi32, #tpu.memory_space<hbm>> -> memref<1x10016xi32, #tpu.memory_space<hbm>>
        %dma_wait3A_42 = tpu.memref_squeeze %dma_wait3A_41 : memref<1x10016xi32, #tpu.memory_space<hbm>> -> memref<10016xi32, #tpu.memory_space<hbm>>
        tpu.wait_dma2 semaphore(%run_scoped3A_31 : memref<!tpu.dma_semaphore, #tpu.memory_space<semaphore_mem>>) src(%dma_wait3A_42 : memref<10016xi32, #tpu.memory_space<hbm>>) dst(%arg5 : memref<10016xi32, #tpu.memory_space<vmem>>)
        tpu.yield
      }) : () -> ()
      %parallel_loop3A = arith.constant 0 : i32
      %parallel_loop3A_20 = arith.constant 626 : i32
      %parallel_loop3A_21 = arith.constant 1 : i32
      scf.for %parallel_loop3A_31 = %parallel_loop3A to %parallel_loop3A_20 step %parallel_loop3A_21  : i32 {
        %parallel_loop3A_32 = arith.constant 0.000000e+00 : f32
        %parallel_loop3A_33 = vector.broadcast %parallel_loop3A_32 : f32 to vector<16xf32>
        %parallel_loop3A_34 = arith.constant 16 : i32
        %parallel_loop3A_35 = arith.muli %parallel_loop3A_31, %parallel_loop3A_34 : i32
        %parallel_loop3A_36 = arith.index_cast %parallel_loop3A_35 : i32 to index
        %parallel_loop3A_37 = tpu.vector_load %arg6[%parallel_loop3A_36] {strides = array<i32>} : memref<10016xf32, #tpu.memory_space<vmem>>, vector<16xf32>,
        tpu.vector_store %arg6[%parallel_loop3A_36], %parallel_loop3A_33 {strides = array<i32>} : memref<10016xf32, #tpu.memory_space<vmem>>, vector<16xf32>,
      } {sc.loop_unroll_factor = 4 : i64, sc.parallel_access}
      %scan3A = arith.constant 0 : i32
      %scan3A_22 = arith.constant 0 : i32
      %scan3A_23 = arith.constant 3 : i32
      %scan3A_24 = arith.addi %scan3A_22, %scan3A_23 : i32
      %scan3A_25 = arith.constant 1 : i32
      scf.for %scan3A_31 = %scan3A_22 to %scan3A_24 step %scan3A_25  : i32 {
        %mul3A_32 = arith.constant 2 : i32
        %mul3A_33 = arith.muli %mul3A_32, %scan3A_31 : i32
        %add3A_34 = arith.constant 1 : i32
        %add3A_35 = arith.addi %mul3A_33, %add3A_34 : i32
        %lt3A_36 = arith.constant 5 : i32
        %lt3A_37 = arith.cmpi slt, %add3A_35, %lt3A_36 : i32
        %convert_element_type3A_38 = arith.extui %lt3A_37 : i1 to i32
        %cond3A_39 = arith.constant 0 : i32
        %cond3A_40 = arith.cmpi ne, %convert_element_type3A_38, %cond3A_39 : i32
        scf.if %cond3A_40 {
          %add3A_62 = arith.constant 1 : i32
          %add3A_63 = arith.addi %mul3A_33, %add3A_62 : i32
          %mul3A_64 = arith.constant 8000 : i32
          %mul3A_65 = arith.muli %add3A_63, %mul3A_64 : i32
          %add3A_66 = arith.addi %mul3A_13, %mul3A_65 : i32
          %dma_start3A_67 = tpu.memref_slice %arg3[%add3A_66] : memref<640000xi32, #tpu.memory_space<hbm>> -> memref<8000xi32, #tpu.memory_space<hbm>>
          %dma_start3A_68 = tpu.memref_slice %arg3[%add3A_66] : memref<640000xi32, #tpu.memory_space<hbm>> -> memref<8000xi32, #tpu.memory_space<hbm>>
          tpu.enqueue_dma source(%dma_start3A_68 : memref<8000xi32, #tpu.memory_space<hbm>>) target(%arg9 : memref<8000xi32, #tpu.memory_space<vmem>>) target_semaphore(%arg11 : memref<!tpu.dma_semaphore, #tpu.memory_space<semaphore_mem>>)
        } else {
        }
        %mul3A_41 = arith.constant 8000 : i32
        %mul3A_42 = arith.muli %mul3A_33, %mul3A_41 : i32
        %add3A_43 = arith.addi %mul3A_13, %mul3A_42 : i32
        %dma_wait3A = tpu.memref_slice %arg3[%add3A_43] : memref<640000xi32, #tpu.memory_space<hbm>> -> memref<8000xi32, #tpu.memory_space<hbm>>
        %dma_wait3A_44 = tpu.memref_slice %arg3[%add3A_43] : memref<640000xi32, #tpu.memory_space<hbm>> -> memref<8000xi32, #tpu.memory_space<hbm>>
        tpu.wait_dma2 semaphore(%arg10 : memref<!tpu.dma_semaphore, #tpu.memory_space<semaphore_mem>>) src(%dma_wait3A_44 : memref<8000xi32, #tpu.memory_space<hbm>>) dst(%arg8 : memref<8000xi32, #tpu.memory_space<vmem>>)
        %parallel_loop3A_45 = arith.constant 0 : i32
        %parallel_loop3A_46 = arith.constant 500 : i32
        %parallel_loop3A_47 = arith.constant 1 : i32
        scf.for %parallel_loop3A_62 = %parallel_loop3A_45 to %parallel_loop3A_46 step %parallel_loop3A_47  : i32 {
          %parallel_loop3A_63 = arith.constant 16 : i32
          %parallel_loop3A_64 = arith.muli %parallel_loop3A_62, %parallel_loop3A_63 : i32
          %parallel_loop3A_65 = arith.index_cast %parallel_loop3A_64 : i32 to index
          %parallel_loop3A_66 = tpu.vector_load %arg8[%parallel_loop3A_65] {strides = array<i32>} : memref<8000xi32, #tpu.memory_space<vmem>>, vector<16xi32>,
          %parallel_loop3A_67 = arith.constant 65535 : i32
          %parallel_loop3A_68 = vector.broadcast %parallel_loop3A_67 : i32 to vector<16xi32>
          %parallel_loop3A_69 = arith.andi %parallel_loop3A_66, %parallel_loop3A_68 : vector<16xi32>
          %parallel_loop3A_70 = arith.constant 16 : i32
          %parallel_loop3A_71 = vector.broadcast %parallel_loop3A_70 : i32 to vector<16xi32>
          %parallel_loop3A_72 = arith.shrui %parallel_loop3A_66, %parallel_loop3A_71 : vector<16xi32>
          %parallel_loop3A_73 = tpu.vector_load_idx %arg5[%parallel_loop3A_69] : memref<10016xi32, #tpu.memory_space<vmem>>[vector<16xi32>], vector<16xi32>,
          %parallel_loop3A_74 = vector.bitcast %parallel_loop3A_73 : vector<16xi32> to vector<16xf32>
          tpu.vector_store_idx %arg6[%parallel_loop3A_72], %parallel_loop3A_74 {add = true} : memref<10016xf32, #tpu.memory_space<vmem>>[vector<16xi32>], vector<16xf32>,
        } {sc.loop_unroll_factor = 8 : i64, sc.parallel_access}
        %add3A_48 = arith.constant 2 : i32
        %add3A_49 = arith.addi %mul3A_33, %add3A_48 : i32
        %lt3A_50 = arith.constant 5 : i32
        %lt3A_51 = arith.cmpi slt, %add3A_49, %lt3A_50 : i32
        %convert_element_type3A_52 = arith.extui %lt3A_51 : i1 to i32
        %cond3A_53 = arith.constant 0 : i32
        %cond3A_54 = arith.cmpi ne, %convert_element_type3A_52, %cond3A_53 : i32
        scf.if %cond3A_54 {
          %add3A_62 = arith.constant 2 : i32
          %add3A_63 = arith.addi %mul3A_33, %add3A_62 : i32
          %mul3A_64 = arith.constant 8000 : i32
          %mul3A_65 = arith.muli %add3A_63, %mul3A_64 : i32
          %add3A_66 = arith.addi %mul3A_13, %mul3A_65 : i32
          %dma_start3A_67 = tpu.memref_slice %arg3[%add3A_66] : memref<640000xi32, #tpu.memory_space<hbm>> -> memref<8000xi32, #tpu.memory_space<hbm>>
          %dma_start3A_68 = tpu.memref_slice %arg3[%add3A_66] : memref<640000xi32, #tpu.memory_space<hbm>> -> memref<8000xi32, #tpu.memory_space<hbm>>
          tpu.enqueue_dma source(%dma_start3A_68 : memref<8000xi32, #tpu.memory_space<hbm>>) target(%arg8 : memref<8000xi32, #tpu.memory_space<vmem>>) target_semaphore(%arg10 : memref<!tpu.dma_semaphore, #tpu.memory_space<semaphore_mem>>)
        } else {
        }
        %add3A_55 = arith.constant 1 : i32
        %add3A_56 = arith.addi %mul3A_33, %add3A_55 : i32
        %lt3A_57 = arith.constant 5 : i32
        %lt3A_58 = arith.cmpi slt, %add3A_56, %lt3A_57 : i32
        %convert_element_type3A_59 = arith.extui %lt3A_58 : i1 to i32
        %cond3A_60 = arith.constant 0 : i32
        %cond3A_61 = arith.cmpi ne, %convert_element_type3A_59, %cond3A_60 : i32
        scf.if %cond3A_61 {
          %add3A_62 = arith.constant 1 : i32
          %add3A_63 = arith.addi %mul3A_33, %add3A_62 : i32
          %mul3A_64 = arith.constant 8000 : i32
          %mul3A_65 = arith.muli %add3A_63, %mul3A_64 : i32
          %add3A_66 = arith.addi %mul3A_13, %mul3A_65 : i32
          %dma_wait3A_67 = tpu.memref_slice %arg3[%add3A_66] : memref<640000xi32, #tpu.memory_space<hbm>> -> memref<8000xi32, #tpu.memory_space<hbm>>
          %dma_wait3A_68 = tpu.memref_slice %arg3[%add3A_66] : memref<640000xi32, #tpu.memory_space<hbm>> -> memref<8000xi32, #tpu.memory_space<hbm>>
          tpu.wait_dma2 semaphore(%arg11 : memref<!tpu.dma_semaphore, #tpu.memory_space<semaphore_mem>>) src(%dma_wait3A_68 : memref<8000xi32, #tpu.memory_space<hbm>>) dst(%arg9 : memref<8000xi32, #tpu.memory_space<vmem>>)
          %parallel_loop3A_69 = arith.constant 0 : i32
          %parallel_loop3A_70 = arith.constant 500 : i32
          %parallel_loop3A_71 = arith.constant 1 : i32
          scf.for %parallel_loop3A_72 = %parallel_loop3A_69 to %parallel_loop3A_70 step %parallel_loop3A_71  : i32 {
            %parallel_loop3A_73 = arith.constant 16 : i32
            %parallel_loop3A_74 = arith.muli %parallel_loop3A_72, %parallel_loop3A_73 : i32
            %parallel_loop3A_75 = arith.index_cast %parallel_loop3A_74 : i32 to index
            %parallel_loop3A_76 = tpu.vector_load %arg9[%parallel_loop3A_75] {strides = array<i32>} : memref<8000xi32, #tpu.memory_space<vmem>>, vector<16xi32>,
            %parallel_loop3A_77 = arith.constant 65535 : i32
            %parallel_loop3A_78 = vector.broadcast %parallel_loop3A_77 : i32 to vector<16xi32>
            %parallel_loop3A_79 = arith.andi %parallel_loop3A_76, %parallel_loop3A_78 : vector<16xi32>
            %parallel_loop3A_80 = arith.constant 16 : i32
            %parallel_loop3A_81 = vector.broadcast %parallel_loop3A_80 : i32 to vector<16xi32>
            %parallel_loop3A_82 = arith.shrui %parallel_loop3A_76, %parallel_loop3A_81 : vector<16xi32>
            %parallel_loop3A_83 = tpu.vector_load_idx %arg5[%parallel_loop3A_79] : memref<10016xi32, #tpu.memory_space<vmem>>[vector<16xi32>], vector<16xi32>,
            %parallel_loop3A_84 = vector.bitcast %parallel_loop3A_83 : vector<16xi32> to vector<16xf32>
            tpu.vector_store_idx %arg6[%parallel_loop3A_82], %parallel_loop3A_84 {add = true} : memref<10016xf32, #tpu.memory_space<vmem>>[vector<16xi32>], vector<16xf32>,
          } {sc.loop_unroll_factor = 8 : i64, sc.parallel_access}
        } else {
        }
      }
      %scan3A_26 = arith.constant 3 : i32
      %mul3A_27 = arith.constant 3 : i32
      %mul3A_28 = arith.muli %mul3A_27, %select_n3A_11 : i32
      %add3A_29 = arith.constant 2 : i32
      %add3A_30 = arith.addi %mul3A_28, %add3A_29 : i32
      "tpu.region"() ({
        %run_scoped3A_31 = tpu.sem_alloc : memref<!tpu.dma_semaphore, #tpu.memory_space<semaphore_mem>>
        %dma_start3A_32 = arith.constant 0 : i32
        %dma_start3A_33 = tpu.memref_slice %arg4[%add3A_30, %dma_start3A_32] : memref<48x10016xf32, #tpu.memory_space<hbm>> -> memref<1x10016xf32, #tpu.memory_space<hbm>>
        %dma_start3A_34 = tpu.memref_squeeze %dma_start3A_33 : memref<1x10016xf32, #tpu.memory_space<hbm>> -> memref<10016xf32, #tpu.memory_space<hbm>>
        %dma_start3A_35 = arith.constant 0 : i32
        %dma_start3A_36 = tpu.memref_slice %arg4[%add3A_30, %dma_start3A_35] : memref<48x10016xf32, #tpu.memory_space<hbm>> -> memref<1x10016xf32, #tpu.memory_space<hbm>>
        %dma_start3A_37 = tpu.memref_squeeze %dma_start3A_36 : memref<1x10016xf32, #tpu.memory_space<hbm>> -> memref<10016xf32, #tpu.memory_space<hbm>>
        tpu.enqueue_dma source(%arg6 : memref<10016xf32, #tpu.memory_space<vmem>>) target(%dma_start3A_37 : memref<10016xf32, #tpu.memory_space<hbm>>) target_semaphore(%run_scoped3A_31 : memref<!tpu.dma_semaphore, #tpu.memory_space<semaphore_mem>>)
        %dma_wait3A = arith.constant 0 : i32
        %dma_wait3A_38 = tpu.memref_slice %arg4[%add3A_30, %dma_wait3A] : memref<48x10016xf32, #tpu.memory_space<hbm>> -> memref<1x10016xf32, #tpu.memory_space<hbm>>
        %dma_wait3A_39 = tpu.memref_squeeze %dma_wait3A_38 : memref<1x10016xf32, #tpu.memory_space<hbm>> -> memref<10016xf32, #tpu.memory_space<hbm>>
        %dma_wait3A_40 = arith.constant 0 : i32
        %dma_wait3A_41 = tpu.memref_slice %arg4[%add3A_30, %dma_wait3A_40] : memref<48x10016xf32, #tpu.memory_space<hbm>> -> memref<1x10016xf32, #tpu.memory_space<hbm>>
        %dma_wait3A_42 = tpu.memref_squeeze %dma_wait3A_41 : memref<1x10016xf32, #tpu.memory_space<hbm>> -> memref<10016xf32, #tpu.memory_space<hbm>>
        tpu.wait_dma2 semaphore(%run_scoped3A_31 : memref<!tpu.dma_semaphore, #tpu.memory_space<semaphore_mem>>) src(%arg6 : memref<10016xf32, #tpu.memory_space<vmem>>) dst(%dma_wait3A_42 : memref<10016xf32, #tpu.memory_space<hbm>>)
        tpu.yield
      }) : () -> ()
    } else {
    }
    return
  }
}

module attributes {stable_mosaic.version = 14 : i64} {
  func.func @_tc1_body(%arg0: memref<32x10016xf32, #tpu.memory_space<vmem>>, %arg1: memref<10000x12xf32, #tpu.memory_space<vmem>>, %arg2: memref<12x32xf32, #tpu.memory_space<vmem>>, %arg3: memref<1x10016xf32, #tpu.memory_space<vmem>>, %arg4: memref<16x10016xi32, #tpu.memory_space<vmem>>) attributes {dimension_semantics = [], scalar_prefetch = 0 : i64, scratch_operands = 0 : i64, tpu.core_type = #tpu.core_type<tc>} {
    %get3A = arith.constant 0 : index
    %get3A_0 = arith.constant 0 : index
    %get3A_1 = vector.load %arg0[%get3A, %get3A_0] : memref<32x10016xf32, #tpu.memory_space<vmem>>, vector<32x10016xf32>
    %reduce_sum3A = arith.constant dense<0.000000e+00> : vector<10016xf32>
    %reduce_sum3A_2 = vector.multi_reduction <add>, %get3A_1, %reduce_sum3A [0] : vector<32x10016xf32> to vector<10016xf32>
    %broadcast_in_dim3A = vector.shape_cast %reduce_sum3A_2 : vector<10016xf32> to vector<1x10016xf32>
    %add3A = arith.constant 1.000000e+00 : f32
    %add3A_3 = vector.broadcast %add3A : f32 to vector<1x10016xf32>
    %add3A_4 = arith.addf %add3A_3, %broadcast_in_dim3A : vector<1x10016xf32>
    %rsqrt3A = math.rsqrt %add3A_4 : vector<1x10016xf32>
    %swap3A = arith.constant 0 : index
    %swap3A_5 = arith.constant 0 : index
    %swap3A_6 = vector.load %arg3[%swap3A, %swap3A_5] : memref<1x10016xf32, #tpu.memory_space<vmem>>, vector<1x10016xf32>
    tpu.vector_store %arg3[%swap3A, %swap3A_5], %rsqrt3A {strides = array<i32>} : memref<1x10016xf32, #tpu.memory_space<vmem>>, vector<1x10016xf32>,
    %get3A_7 = arith.constant 0 : index
    %get3A_8 = arith.constant 0 : index
    %get3A_9 = vector.load %arg2[%get3A_7, %get3A_8] : memref<12x32xf32, #tpu.memory_space<vmem>>, vector<12x32xf32>
    %get3A_10 = arith.constant 0 : index
    %get3A_11 = arith.constant 0 : index
    %get3A_12 = vector.load %arg1[%get3A_10, %get3A_11] : memref<10000x12xf32, #tpu.memory_space<vmem>>, vector<10000x12xf32>
    %dot_general3A = arith.constant dense<0.000000e+00> : vector<32x10000xf32>
    %dot_general3A_13 = tpu.matmul %get3A_9, %get3A_12, %dot_general3A {dimension_numbers = #tpu.dot_dimension_numbers<[0], [1], [1], [0], [0, 1, 1, 0], [], []>, transpose_lhs_hint = false} : vector<12x32xf32>, vector<10000x12xf32>, vector<32x10000xf32> -> vector<32x10000xf32>
    %broadcast_in_dim3A_14 = arith.constant 0.000000e+00 : f32
    %broadcast_in_dim3A_15 = vector.broadcast %broadcast_in_dim3A_14 : f32 to vector<32x16xf32>
    %concatenate3A = tpu.concatenate %dot_general3A_13, %broadcast_in_dim3A_15 in 1 : vector<32x10000xf32>, vector<32x16xf32> -> vector<32x10016xf32>
    %mul3A = vector.broadcast %rsqrt3A : vector<1x10016xf32> to vector<32x10016xf32>
    %mul3A_16 = arith.mulf %concatenate3A, %mul3A : vector<32x10016xf32>
    %convert_element_type3A = arith.truncf %mul3A_16 : vector<32x10016xf32> to vector<32x10016xbf16>
    %bitcast_convert_type3A = tpu.bitcast %convert_element_type3A : vector<32x10016xbf16> -> vector<32x10016xi16>
    %convert_element_type3A_17 = arith.extui %bitcast_convert_type3A : vector<32x10016xi16> to vector<32x10016xi32>
    %reshape3A = vector.shape_cast %convert_element_type3A_17 : vector<32x10016xi32> to vector<16x2x10016xi32>
    %slice3A = vector.extract_strided_slice %reshape3A {offsets = [0, 1, 0], sizes = [16, 1, 10016], strides = [1, 1, 1]} : vector<16x2x10016xi32> to vector<16x1x10016xi32>
    %squeeze3A = vector.shape_cast %slice3A : vector<16x1x10016xi32> to vector<16x10016xi32>
    %shift_left3A = arith.constant 16 : i32
    %shift_left3A_18 = vector.broadcast %shift_left3A : i32 to vector<16x10016xi32>
    %shift_left3A_19 = arith.shli %squeeze3A, %shift_left3A_18 : vector<16x10016xi32>
    %slice3A_20 = vector.extract_strided_slice %reshape3A {offsets = [0, 0, 0], sizes = [16, 1, 10016], strides = [1, 1, 1]} : vector<16x2x10016xi32> to vector<16x1x10016xi32>
    %squeeze3A_21 = vector.shape_cast %slice3A_20 : vector<16x1x10016xi32> to vector<16x10016xi32>
    %or3A = arith.ori %shift_left3A_19, %squeeze3A_21 : vector<16x10016xi32>
    %bitcast_convert_type3A_22 = tpu.bitcast %or3A : vector<16x10016xi32> -> vector<16x10016xi32>
    %swap3A_23 = arith.constant 0 : index
    %swap3A_24 = arith.constant 0 : index
    %swap3A_25 = vector.load %arg4[%swap3A_23, %swap3A_24] : memref<16x10016xi32, #tpu.memory_space<vmem>>, vector<16x10016xi32>
    tpu.vector_store %arg4[%swap3A_23, %swap3A_24], %bitcast_convert_type3A_22 {strides = array<i32>} : memref<16x10016xi32, #tpu.memory_space<vmem>>, vector<16x10016xi32>,
    return
  }
}

module attributes {stable_mosaic.version = 14 : i64} {
  func.func @_tc_mid_body(%arg0: memref<2x32x10016xf32, #tpu.memory_space<vmem>>, %arg1: memref<16x10016xi32, #tpu.memory_space<vmem>>, %arg2: memref<1x10016xf32, #tpu.memory_space<vmem>>, %arg3: memref<32x1xf32, #tpu.memory_space<vmem>>, %arg4: memref<32x32xf32, #tpu.memory_space<vmem>>, %arg5: memref<32x1xf32, #tpu.memory_space<vmem>>, %arg6: memref<32x32xf32, #tpu.memory_space<vmem>>, %arg7: memref<16x10016xi32, #tpu.memory_space<vmem>>) attributes {dimension_semantics = [], scalar_prefetch = 0 : i64, scratch_operands = 0 : i64, tpu.core_type = #tpu.core_type<tc>} {
    %get3A = arith.constant 0 : index
    %get3A_0 = arith.constant 0 : index
    %get3A_1 = vector.load %arg2[%get3A, %get3A_0] : memref<1x10016xf32, #tpu.memory_space<vmem>>, vector<1x10016xf32>
    %get3A_2 = arith.constant 0 : index
    %get3A_3 = arith.constant 0 : index
    %get3A_4 = arith.constant 0 : index
    %get3A_5 = vector.load %arg0[%get3A_2, %get3A_3, %get3A_4] : memref<2x32x10016xf32, #tpu.memory_space<vmem>>, vector<1x32x10016xf32>
    %get3A_6 = vector.shape_cast %get3A_5 : vector<1x32x10016xf32> to vector<32x10016xf32>
    %get3A_7 = arith.constant 1 : index
    %get3A_8 = arith.constant 0 : index
    %get3A_9 = arith.constant 0 : index
    %get3A_10 = vector.load %arg0[%get3A_7, %get3A_8, %get3A_9] : memref<2x32x10016xf32, #tpu.memory_space<vmem>>, vector<1x32x10016xf32>
    %get3A_11 = vector.shape_cast %get3A_10 : vector<1x32x10016xf32> to vector<32x10016xf32>
    %add3A = arith.addf %get3A_6, %get3A_11 : vector<32x10016xf32>
    %get3A_12 = arith.constant 0 : index
    %get3A_13 = arith.constant 0 : index
    %get3A_14 = vector.load %arg1[%get3A_12, %get3A_13] : memref<16x10016xi32, #tpu.memory_space<vmem>>, vector<16x10016xi32>
    %shift_left3A = arith.constant 16 : i32
    %shift_left3A_15 = vector.broadcast %shift_left3A : i32 to vector<16x10016xi32>
    %shift_left3A_16 = arith.shli %get3A_14, %shift_left3A_15 : vector<16x10016xi32>
    %bitcast_convert_type3A = tpu.bitcast %shift_left3A_16 : vector<16x10016xi32> -> vector<16x10016xf32>
    %and3A = arith.constant -65536 : i32
    %and3A_17 = vector.broadcast %and3A : i32 to vector<16x10016xi32>
    %and3A_18 = arith.andi %get3A_14, %and3A_17 : vector<16x10016xi32>
    %bitcast_convert_type3A_19 = tpu.bitcast %and3A_18 : vector<16x10016xi32> -> vector<16x10016xf32>
    %broadcast_in_dim3A = vector.shape_cast %bitcast_convert_type3A : vector<16x10016xf32> to vector<16x1x10016xf32>
    %broadcast_in_dim3A_20 = vector.shape_cast %bitcast_convert_type3A_19 : vector<16x10016xf32> to vector<16x1x10016xf32>
    %concatenate3A = tpu.concatenate %broadcast_in_dim3A, %broadcast_in_dim3A_20 in 1 : vector<16x1x10016xf32>, vector<16x1x10016xf32> -> vector<16x2x10016xf32>
    %reshape3A = vector.shape_cast %concatenate3A : vector<16x2x10016xf32> to vector<32x10016xf32>
    %add3A_21 = arith.addf %add3A, %reshape3A : vector<32x10016xf32>
    %mul3A = vector.broadcast %get3A_1 : vector<1x10016xf32> to vector<32x10016xf32>
    %mul3A_22 = arith.mulf %add3A_21, %mul3A : vector<32x10016xf32>
    %get3A_23 = arith.constant 0 : index
    %get3A_24 = arith.constant 0 : index
    %get3A_25 = vector.load %arg3[%get3A_23, %get3A_24] : memref<32x1xf32, #tpu.memory_space<vmem>>, vector<32x1xf32>
    %add3A_26 = vector.broadcast %get3A_25 : vector<32x1xf32> to vector<32x10016xf32>
    %add3A_27 = arith.addf %mul3A_22, %add3A_26 : vector<32x10016xf32>
    %max3A = arith.constant 0.000000e+00 : f32
    %max3A_28 = vector.broadcast %max3A : f32 to vector<32x10016xf32>
    %max3A_29 = arith.maximumf %add3A_27, %max3A_28 : vector<32x10016xf32>
    %get3A_30 = arith.constant 0 : index
    %get3A_31 = arith.constant 0 : index
    %get3A_32 = vector.load %arg4[%get3A_30, %get3A_31] : memref<32x32xf32, #tpu.memory_space<vmem>>, vector<32x32xf32>
    %dot_general3A = arith.constant dense<0.000000e+00> : vector<32x10016xf32>
    %dot_general3A_33 = tpu.matmul %get3A_32, %max3A_29, %dot_general3A {dimension_numbers = #tpu.dot_dimension_numbers<[0], [0], [1], [1], [0, 1, 1, 1], [], []>, transpose_lhs_hint = false} : vector<32x32xf32>, vector<32x10016xf32>, vector<32x10016xf32> -> vector<32x10016xf32>
    %get3A_34 = arith.constant 0 : index
    %get3A_35 = arith.constant 0 : index
    %get3A_36 = vector.load %arg5[%get3A_34, %get3A_35] : memref<32x1xf32, #tpu.memory_space<vmem>>, vector<32x1xf32>
    %add3A_37 = vector.broadcast %get3A_36 : vector<32x1xf32> to vector<32x10016xf32>
    %add3A_38 = arith.addf %dot_general3A_33, %add3A_37 : vector<32x10016xf32>
    %max3A_39 = arith.constant 0.000000e+00 : f32
    %max3A_40 = vector.broadcast %max3A_39 : f32 to vector<32x10016xf32>
    %max3A_41 = arith.maximumf %add3A_38, %max3A_40 : vector<32x10016xf32>
    %get3A_42 = arith.constant 0 : index
    %get3A_43 = arith.constant 0 : index
    %get3A_44 = vector.load %arg6[%get3A_42, %get3A_43] : memref<32x32xf32, #tpu.memory_space<vmem>>, vector<32x32xf32>
    %dot_general3A_45 = arith.constant dense<0.000000e+00> : vector<32x10016xf32>
    %dot_general3A_46 = tpu.matmul %get3A_44, %max3A_41, %dot_general3A_45 {dimension_numbers = #tpu.dot_dimension_numbers<[0], [0], [1], [1], [0, 1, 1, 1], [], []>, transpose_lhs_hint = false} : vector<32x32xf32>, vector<32x10016xf32>, vector<32x10016xf32> -> vector<32x10016xf32>
    %mul3A_47 = vector.broadcast %get3A_1 : vector<1x10016xf32> to vector<32x10016xf32>
    %mul3A_48 = arith.mulf %dot_general3A_46, %mul3A_47 : vector<32x10016xf32>
    %convert_element_type3A = arith.truncf %mul3A_48 : vector<32x10016xf32> to vector<32x10016xbf16>
    %bitcast_convert_type3A_49 = tpu.bitcast %convert_element_type3A : vector<32x10016xbf16> -> vector<32x10016xi16>
    %convert_element_type3A_50 = arith.extui %bitcast_convert_type3A_49 : vector<32x10016xi16> to vector<32x10016xi32>
    %reshape3A_51 = vector.shape_cast %convert_element_type3A_50 : vector<32x10016xi32> to vector<16x2x10016xi32>
    %slice3A = vector.extract_strided_slice %reshape3A_51 {offsets = [0, 1, 0], sizes = [16, 1, 10016], strides = [1, 1, 1]} : vector<16x2x10016xi32> to vector<16x1x10016xi32>
    %squeeze3A = vector.shape_cast %slice3A : vector<16x1x10016xi32> to vector<16x10016xi32>
    %shift_left3A_52 = arith.constant 16 : i32
    %shift_left3A_53 = vector.broadcast %shift_left3A_52 : i32 to vector<16x10016xi32>
    %shift_left3A_54 = arith.shli %squeeze3A, %shift_left3A_53 : vector<16x10016xi32>
    %slice3A_55 = vector.extract_strided_slice %reshape3A_51 {offsets = [0, 0, 0], sizes = [16, 1, 10016], strides = [1, 1, 1]} : vector<16x2x10016xi32> to vector<16x1x10016xi32>
    %squeeze3A_56 = vector.shape_cast %slice3A_55 : vector<16x1x10016xi32> to vector<16x10016xi32>
    %or3A = arith.ori %shift_left3A_54, %squeeze3A_56 : vector<16x10016xi32>
    %bitcast_convert_type3A_57 = tpu.bitcast %or3A : vector<16x10016xi32> -> vector<16x10016xi32>
    %swap3A = arith.constant 0 : index
    %swap3A_58 = arith.constant 0 : index
    %swap3A_59 = vector.load %arg7[%swap3A, %swap3A_58] : memref<16x10016xi32, #tpu.memory_space<vmem>>, vector<16x10016xi32>
    tpu.vector_store %arg7[%swap3A, %swap3A_58], %bitcast_convert_type3A_57 {strides = array<i32>} : memref<16x10016xi32, #tpu.memory_space<vmem>>, vector<16x10016xi32>,
    return
  }
}

module attributes {stable_mosaic.version = 14 : i64} {
  func.func @_tc_mid_body(%arg0: memref<2x32x10016xf32, #tpu.memory_space<vmem>>, %arg1: memref<16x10016xi32, #tpu.memory_space<vmem>>, %arg2: memref<1x10016xf32, #tpu.memory_space<vmem>>, %arg3: memref<32x1xf32, #tpu.memory_space<vmem>>, %arg4: memref<32x32xf32, #tpu.memory_space<vmem>>, %arg5: memref<32x1xf32, #tpu.memory_space<vmem>>, %arg6: memref<32x3xf32, #tpu.memory_space<vmem>>, %arg7: memref<8x10016xi32, #tpu.memory_space<vmem>>) attributes {dimension_semantics = [], scalar_prefetch = 0 : i64, scratch_operands = 0 : i64, tpu.core_type = #tpu.core_type<tc>} {
    %get3A = arith.constant 0 : index
    %get3A_0 = arith.constant 0 : index
    %get3A_1 = vector.load %arg2[%get3A, %get3A_0] : memref<1x10016xf32, #tpu.memory_space<vmem>>, vector<1x10016xf32>
    %get3A_2 = arith.constant 0 : index
    %get3A_3 = arith.constant 0 : index
    %get3A_4 = arith.constant 0 : index
    %get3A_5 = vector.load %arg0[%get3A_2, %get3A_3, %get3A_4] : memref<2x32x10016xf32, #tpu.memory_space<vmem>>, vector<1x32x10016xf32>
    %get3A_6 = vector.shape_cast %get3A_5 : vector<1x32x10016xf32> to vector<32x10016xf32>
    %get3A_7 = arith.constant 1 : index
    %get3A_8 = arith.constant 0 : index
    %get3A_9 = arith.constant 0 : index
    %get3A_10 = vector.load %arg0[%get3A_7, %get3A_8, %get3A_9] : memref<2x32x10016xf32, #tpu.memory_space<vmem>>, vector<1x32x10016xf32>
    %get3A_11 = vector.shape_cast %get3A_10 : vector<1x32x10016xf32> to vector<32x10016xf32>
    %add3A = arith.addf %get3A_6, %get3A_11 : vector<32x10016xf32>
    %get3A_12 = arith.constant 0 : index
    %get3A_13 = arith.constant 0 : index
    %get3A_14 = vector.load %arg1[%get3A_12, %get3A_13] : memref<16x10016xi32, #tpu.memory_space<vmem>>, vector<16x10016xi32>
    %shift_left3A = arith.constant 16 : i32
    %shift_left3A_15 = vector.broadcast %shift_left3A : i32 to vector<16x10016xi32>
    %shift_left3A_16 = arith.shli %get3A_14, %shift_left3A_15 : vector<16x10016xi32>
    %bitcast_convert_type3A = tpu.bitcast %shift_left3A_16 : vector<16x10016xi32> -> vector<16x10016xf32>
    %and3A = arith.constant -65536 : i32
    %and3A_17 = vector.broadcast %and3A : i32 to vector<16x10016xi32>
    %and3A_18 = arith.andi %get3A_14, %and3A_17 : vector<16x10016xi32>
    %bitcast_convert_type3A_19 = tpu.bitcast %and3A_18 : vector<16x10016xi32> -> vector<16x10016xf32>
    %broadcast_in_dim3A = vector.shape_cast %bitcast_convert_type3A : vector<16x10016xf32> to vector<16x1x10016xf32>
    %broadcast_in_dim3A_20 = vector.shape_cast %bitcast_convert_type3A_19 : vector<16x10016xf32> to vector<16x1x10016xf32>
    %concatenate3A = tpu.concatenate %broadcast_in_dim3A, %broadcast_in_dim3A_20 in 1 : vector<16x1x10016xf32>, vector<16x1x10016xf32> -> vector<16x2x10016xf32>
    %reshape3A = vector.shape_cast %concatenate3A : vector<16x2x10016xf32> to vector<32x10016xf32>
    %add3A_21 = arith.addf %add3A, %reshape3A : vector<32x10016xf32>
    %mul3A = vector.broadcast %get3A_1 : vector<1x10016xf32> to vector<32x10016xf32>
    %mul3A_22 = arith.mulf %add3A_21, %mul3A : vector<32x10016xf32>
    %get3A_23 = arith.constant 0 : index
    %get3A_24 = arith.constant 0 : index
    %get3A_25 = vector.load %arg3[%get3A_23, %get3A_24] : memref<32x1xf32, #tpu.memory_space<vmem>>, vector<32x1xf32>
    %add3A_26 = vector.broadcast %get3A_25 : vector<32x1xf32> to vector<32x10016xf32>
    %add3A_27 = arith.addf %mul3A_22, %add3A_26 : vector<32x10016xf32>
    %max3A = arith.constant 0.000000e+00 : f32
    %max3A_28 = vector.broadcast %max3A : f32 to vector<32x10016xf32>
    %max3A_29 = arith.maximumf %add3A_27, %max3A_28 : vector<32x10016xf32>
    %get3A_30 = arith.constant 0 : index
    %get3A_31 = arith.constant 0 : index
    %get3A_32 = vector.load %arg4[%get3A_30, %get3A_31] : memref<32x32xf32, #tpu.memory_space<vmem>>, vector<32x32xf32>
    %dot_general3A = arith.constant dense<0.000000e+00> : vector<32x10016xf32>
    %dot_general3A_33 = tpu.matmul %get3A_32, %max3A_29, %dot_general3A {dimension_numbers = #tpu.dot_dimension_numbers<[0], [0], [1], [1], [0, 1, 1, 1], [], []>, transpose_lhs_hint = false} : vector<32x32xf32>, vector<32x10016xf32>, vector<32x10016xf32> -> vector<32x10016xf32>
    %get3A_34 = arith.constant 0 : index
    %get3A_35 = arith.constant 0 : index
    %get3A_36 = vector.load %arg5[%get3A_34, %get3A_35] : memref<32x1xf32, #tpu.memory_space<vmem>>, vector<32x1xf32>
    %add3A_37 = vector.broadcast %get3A_36 : vector<32x1xf32> to vector<32x10016xf32>
    %add3A_38 = arith.addf %dot_general3A_33, %add3A_37 : vector<32x10016xf32>
    %max3A_39 = arith.constant 0.000000e+00 : f32
    %max3A_40 = vector.broadcast %max3A_39 : f32 to vector<32x10016xf32>
    %max3A_41 = arith.maximumf %add3A_38, %max3A_40 : vector<32x10016xf32>
    %get3A_42 = arith.constant 0 : index
    %get3A_43 = arith.constant 0 : index
    %get3A_44 = vector.load %arg6[%get3A_42, %get3A_43] : memref<32x3xf32, #tpu.memory_space<vmem>>, vector<32x3xf32>
    %dot_general3A_45 = arith.constant dense<0.000000e+00> : vector<3x10016xf32>
    %dot_general3A_46 = tpu.matmul %get3A_44, %max3A_41, %dot_general3A_45 {dimension_numbers = #tpu.dot_dimension_numbers<[0], [0], [1], [1], [0, 1, 1, 1], [], []>, transpose_lhs_hint = false} : vector<32x3xf32>, vector<32x10016xf32>, vector<3x10016xf32> -> vector<3x10016xf32>
    %mul3A_47 = vector.broadcast %get3A_1 : vector<1x10016xf32> to vector<3x10016xf32>
    %mul3A_48 = arith.mulf %dot_general3A_46, %mul3A_47 : vector<3x10016xf32>
    %slice3A = vector.extract_strided_slice %mul3A_48 {offsets = [0, 0], sizes = [1, 10016], strides = [1, 1]} : vector<3x10016xf32> to vector<1x10016xf32>
    %convert_element_type3A = arith.truncf %slice3A : vector<1x10016xf32> to vector<1x10016xbf16>
    %bitcast_convert_type3A_49 = tpu.bitcast %convert_element_type3A : vector<1x10016xbf16> -> vector<1x10016xi16>
    %convert_element_type3A_50 = arith.extui %bitcast_convert_type3A_49 : vector<1x10016xi16> to vector<1x10016xi32>
    %slice3A_51 = vector.extract_strided_slice %mul3A_48 {offsets = [1, 0], sizes = [1, 10016], strides = [1, 1]} : vector<3x10016xf32> to vector<1x10016xf32>
    %convert_element_type3A_52 = arith.truncf %slice3A_51 : vector<1x10016xf32> to vector<1x10016xbf16>
    %bitcast_convert_type3A_53 = tpu.bitcast %convert_element_type3A_52 : vector<1x10016xbf16> -> vector<1x10016xi16>
    %convert_element_type3A_54 = arith.extui %bitcast_convert_type3A_53 : vector<1x10016xi16> to vector<1x10016xi32>
    %shift_left3A_55 = arith.constant 16 : i32
    %shift_left3A_56 = vector.broadcast %shift_left3A_55 : i32 to vector<1x10016xi32>
    %shift_left3A_57 = arith.shli %convert_element_type3A_54, %shift_left3A_56 : vector<1x10016xi32>
    %or3A = arith.ori %shift_left3A_57, %convert_element_type3A_50 : vector<1x10016xi32>
    %bitcast_convert_type3A_58 = tpu.bitcast %or3A : vector<1x10016xi32> -> vector<1x10016xi32>
    %slice3A_59 = vector.extract_strided_slice %mul3A_48 {offsets = [2, 0], sizes = [1, 10016], strides = [1, 1]} : vector<3x10016xf32> to vector<1x10016xf32>
    %bitcast_convert_type3A_60 = tpu.bitcast %slice3A_59 : vector<1x10016xf32> -> vector<1x10016xi32>
    %broadcast_in_dim3A_61 = arith.constant 0 : i32
    %broadcast_in_dim3A_62 = vector.broadcast %broadcast_in_dim3A_61 : i32 to vector<6x10016xi32>
    %concatenate3A_63 = tpu.concatenate %bitcast_convert_type3A_58, %bitcast_convert_type3A_60, %broadcast_in_dim3A_62 in 0 : vector<1x10016xi32>, vector<1x10016xi32>, vector<6x10016xi32> -> vector<8x10016xi32>
    %swap3A = arith.constant 0 : index
    %swap3A_64 = arith.constant 0 : index
    %swap3A_65 = vector.load %arg7[%swap3A, %swap3A_64] : memref<8x10016xi32, #tpu.memory_space<vmem>>, vector<8x10016xi32>
    tpu.vector_store %arg7[%swap3A, %swap3A_64], %concatenate3A_63 {strides = array<i32>} : memref<8x10016xi32, #tpu.memory_space<vmem>>, vector<8x10016xi32>,
    return
  }
}

module attributes {stable_mosaic.version = 14 : i64} {
  func.func @_tc3_body(%arg0: memref<48x10016xf32, #tpu.memory_space<vmem>>, %arg1: memref<8x10016xi32, #tpu.memory_space<vmem>>, %arg2: memref<1x10016xf32, #tpu.memory_space<vmem>>, %arg3: memref<3x1xf32, #tpu.memory_space<vmem>>, %arg4: memref<1x10016xi32, #tpu.memory_space<vmem>>, %arg5: memref<64x3xf32, #tpu.memory_space<vmem>>) attributes {dimension_semantics = [], scalar_prefetch = 0 : i64, scratch_operands = 0 : i64, tpu.core_type = #tpu.core_type<tc>} {
    %get3A = arith.constant 0 : index
    %get3A_0 = arith.constant 0 : index
    %get3A_1 = vector.load %arg1[%get3A, %get3A_0] : memref<8x10016xi32, #tpu.memory_space<vmem>>, vector<1x10016xi32>
    %shift_left3A = arith.constant 16 : i32
    %shift_left3A_2 = vector.broadcast %shift_left3A : i32 to vector<1x10016xi32>
    %shift_left3A_3 = arith.shli %get3A_1, %shift_left3A_2 : vector<1x10016xi32>
    %bitcast_convert_type3A = tpu.bitcast %shift_left3A_3 : vector<1x10016xi32> -> vector<1x10016xf32>
    %and3A = arith.constant -65536 : i32
    %and3A_4 = vector.broadcast %and3A : i32 to vector<1x10016xi32>
    %and3A_5 = arith.andi %get3A_1, %and3A_4 : vector<1x10016xi32>
    %bitcast_convert_type3A_6 = tpu.bitcast %and3A_5 : vector<1x10016xi32> -> vector<1x10016xf32>
    %get3A_7 = arith.constant 1 : index
    %get3A_8 = arith.constant 0 : index
    %get3A_9 = vector.load %arg1[%get3A_7, %get3A_8] : memref<8x10016xi32, #tpu.memory_space<vmem>>, vector<1x10016xi32>
    %bitcast_convert_type3A_10 = tpu.bitcast %get3A_9 : vector<1x10016xi32> -> vector<1x10016xf32>
    %get3A_11 = arith.constant 0 : index
    %get3A_12 = arith.constant 0 : index
    %get3A_13 = vector.load %arg0[%get3A_11, %get3A_12] : memref<48x10016xf32, #tpu.memory_space<vmem>>, vector<1x10016xf32>
    %add3A = arith.addf %bitcast_convert_type3A, %get3A_13 : vector<1x10016xf32>
    %get3A_14 = arith.constant 1 : index
    %get3A_15 = arith.constant 0 : index
    %get3A_16 = vector.load %arg0[%get3A_14, %get3A_15] : memref<48x10016xf32, #tpu.memory_space<vmem>>, vector<1x10016xf32>
    %add3A_17 = arith.addf %bitcast_convert_type3A_6, %get3A_16 : vector<1x10016xf32>
    %get3A_18 = arith.constant 2 : index
    %get3A_19 = arith.constant 0 : index
    %get3A_20 = vector.load %arg0[%get3A_18, %get3A_19] : memref<48x10016xf32, #tpu.memory_space<vmem>>, vector<1x10016xf32>
    %add3A_21 = arith.addf %bitcast_convert_type3A_10, %get3A_20 : vector<1x10016xf32>
    %get3A_22 = arith.constant 3 : index
    %get3A_23 = arith.constant 0 : index
    %get3A_24 = vector.load %arg0[%get3A_22, %get3A_23] : memref<48x10016xf32, #tpu.memory_space<vmem>>, vector<1x10016xf32>
    %add3A_25 = arith.addf %add3A, %get3A_24 : vector<1x10016xf32>
    %get3A_26 = arith.constant 4 : index
    %get3A_27 = arith.constant 0 : index
    %get3A_28 = vector.load %arg0[%get3A_26, %get3A_27] : memref<48x10016xf32, #tpu.memory_space<vmem>>, vector<1x10016xf32>
    %add3A_29 = arith.addf %add3A_17, %get3A_28 : vector<1x10016xf32>
    %get3A_30 = arith.constant 5 : index
    %get3A_31 = arith.constant 0 : index
    %get3A_32 = vector.load %arg0[%get3A_30, %get3A_31] : memref<48x10016xf32, #tpu.memory_space<vmem>>, vector<1x10016xf32>
    %add3A_33 = arith.addf %add3A_21, %get3A_32 : vector<1x10016xf32>
    %get3A_34 = arith.constant 6 : index
    %get3A_35 = arith.constant 0 : index
    %get3A_36 = vector.load %arg0[%get3A_34, %get3A_35] : memref<48x10016xf32, #tpu.memory_space<vmem>>, vector<1x10016xf32>
    %add3A_37 = arith.addf %add3A_25, %get3A_36 : vector<1x10016xf32>
    %get3A_38 = arith.constant 7 : index
    %get3A_39 = arith.constant 0 : index
    %get3A_40 = vector.load %arg0[%get3A_38, %get3A_39] : memref<48x10016xf32, #tpu.memory_space<vmem>>, vector<1x10016xf32>
    %add3A_41 = arith.addf %add3A_29, %get3A_40 : vector<1x10016xf32>
    %get3A_42 = arith.constant 8 : index
    %get3A_43 = arith.constant 0 : index
    %get3A_44 = vector.load %arg0[%get3A_42, %get3A_43] : memref<48x10016xf32, #tpu.memory_space<vmem>>, vector<1x10016xf32>
    %add3A_45 = arith.addf %add3A_33, %get3A_44 : vector<1x10016xf32>
    %get3A_46 = arith.constant 9 : index
    %get3A_47 = arith.constant 0 : index
    %get3A_48 = vector.load %arg0[%get3A_46, %get3A_47] : memref<48x10016xf32, #tpu.memory_space<vmem>>, vector<1x10016xf32>
    %add3A_49 = arith.addf %add3A_37, %get3A_48 : vector<1x10016xf32>
    %get3A_50 = arith.constant 10 : index
    %get3A_51 = arith.constant 0 : index
    %get3A_52 = vector.load %arg0[%get3A_50, %get3A_51] : memref<48x10016xf32, #tpu.memory_space<vmem>>, vector<1x10016xf32>
    %add3A_53 = arith.addf %add3A_41, %get3A_52 : vector<1x10016xf32>
    %get3A_54 = arith.constant 11 : index
    %get3A_55 = arith.constant 0 : index
    %get3A_56 = vector.load %arg0[%get3A_54, %get3A_55] : memref<48x10016xf32, #tpu.memory_space<vmem>>, vector<1x10016xf32>
    %add3A_57 = arith.addf %add3A_45, %get3A_56 : vector<1x10016xf32>
    %get3A_58 = arith.constant 12 : index
    %get3A_59 = arith.constant 0 : index
    %get3A_60 = vector.load %arg0[%get3A_58, %get3A_59] : memref<48x10016xf32, #tpu.memory_space<vmem>>, vector<1x10016xf32>
    %add3A_61 = arith.addf %add3A_49, %get3A_60 : vector<1x10016xf32>
    %get3A_62 = arith.constant 13 : index
    %get3A_63 = arith.constant 0 : index
    %get3A_64 = vector.load %arg0[%get3A_62, %get3A_63] : memref<48x10016xf32, #tpu.memory_space<vmem>>, vector<1x10016xf32>
    %add3A_65 = arith.addf %add3A_53, %get3A_64 : vector<1x10016xf32>
    %get3A_66 = arith.constant 14 : index
    %get3A_67 = arith.constant 0 : index
    %get3A_68 = vector.load %arg0[%get3A_66, %get3A_67] : memref<48x10016xf32, #tpu.memory_space<vmem>>, vector<1x10016xf32>
    %add3A_69 = arith.addf %add3A_57, %get3A_68 : vector<1x10016xf32>
    %get3A_70 = arith.constant 15 : index
    %get3A_71 = arith.constant 0 : index
    %get3A_72 = vector.load %arg0[%get3A_70, %get3A_71] : memref<48x10016xf32, #tpu.memory_space<vmem>>, vector<1x10016xf32>
    %add3A_73 = arith.addf %add3A_61, %get3A_72 : vector<1x10016xf32>
    %get3A_74 = arith.constant 16 : index
    %get3A_75 = arith.constant 0 : index
    %get3A_76 = vector.load %arg0[%get3A_74, %get3A_75] : memref<48x10016xf32, #tpu.memory_space<vmem>>, vector<1x10016xf32>
    %add3A_77 = arith.addf %add3A_65, %get3A_76 : vector<1x10016xf32>
    %get3A_78 = arith.constant 17 : index
    %get3A_79 = arith.constant 0 : index
    %get3A_80 = vector.load %arg0[%get3A_78, %get3A_79] : memref<48x10016xf32, #tpu.memory_space<vmem>>, vector<1x10016xf32>
    %add3A_81 = arith.addf %add3A_69, %get3A_80 : vector<1x10016xf32>
    %get3A_82 = arith.constant 18 : index
    %get3A_83 = arith.constant 0 : index
    %get3A_84 = vector.load %arg0[%get3A_82, %get3A_83] : memref<48x10016xf32, #tpu.memory_space<vmem>>, vector<1x10016xf32>
    %add3A_85 = arith.addf %add3A_73, %get3A_84 : vector<1x10016xf32>
    %get3A_86 = arith.constant 19 : index
    %get3A_87 = arith.constant 0 : index
    %get3A_88 = vector.load %arg0[%get3A_86, %get3A_87] : memref<48x10016xf32, #tpu.memory_space<vmem>>, vector<1x10016xf32>
    %add3A_89 = arith.addf %add3A_77, %get3A_88 : vector<1x10016xf32>
    %get3A_90 = arith.constant 20 : index
    %get3A_91 = arith.constant 0 : index
    %get3A_92 = vector.load %arg0[%get3A_90, %get3A_91] : memref<48x10016xf32, #tpu.memory_space<vmem>>, vector<1x10016xf32>
    %add3A_93 = arith.addf %add3A_81, %get3A_92 : vector<1x10016xf32>
    %get3A_94 = arith.constant 21 : index
    %get3A_95 = arith.constant 0 : index
    %get3A_96 = vector.load %arg0[%get3A_94, %get3A_95] : memref<48x10016xf32, #tpu.memory_space<vmem>>, vector<1x10016xf32>
    %add3A_97 = arith.addf %add3A_85, %get3A_96 : vector<1x10016xf32>
    %get3A_98 = arith.constant 22 : index
    %get3A_99 = arith.constant 0 : index
    %get3A_100 = vector.load %arg0[%get3A_98, %get3A_99] : memref<48x10016xf32, #tpu.memory_space<vmem>>, vector<1x10016xf32>
    %add3A_101 = arith.addf %add3A_89, %get3A_100 : vector<1x10016xf32>
    %get3A_102 = arith.constant 23 : index
    %get3A_103 = arith.constant 0 : index
    %get3A_104 = vector.load %arg0[%get3A_102, %get3A_103] : memref<48x10016xf32, #tpu.memory_space<vmem>>, vector<1x10016xf32>
    %add3A_105 = arith.addf %add3A_93, %get3A_104 : vector<1x10016xf32>
    %get3A_106 = arith.constant 24 : index
    %get3A_107 = arith.constant 0 : index
    %get3A_108 = vector.load %arg0[%get3A_106, %get3A_107] : memref<48x10016xf32, #tpu.memory_space<vmem>>, vector<1x10016xf32>
    %add3A_109 = arith.addf %add3A_97, %get3A_108 : vector<1x10016xf32>
    %get3A_110 = arith.constant 25 : index
    %get3A_111 = arith.constant 0 : index
    %get3A_112 = vector.load %arg0[%get3A_110, %get3A_111] : memref<48x10016xf32, #tpu.memory_space<vmem>>, vector<1x10016xf32>
    %add3A_113 = arith.addf %add3A_101, %get3A_112 : vector<1x10016xf32>
    %get3A_114 = arith.constant 26 : index
    %get3A_115 = arith.constant 0 : index
    %get3A_116 = vector.load %arg0[%get3A_114, %get3A_115] : memref<48x10016xf32, #tpu.memory_space<vmem>>, vector<1x10016xf32>
    %add3A_117 = arith.addf %add3A_105, %get3A_116 : vector<1x10016xf32>
    %get3A_118 = arith.constant 27 : index
    %get3A_119 = arith.constant 0 : index
    %get3A_120 = vector.load %arg0[%get3A_118, %get3A_119] : memref<48x10016xf32, #tpu.memory_space<vmem>>, vector<1x10016xf32>
    %add3A_121 = arith.addf %add3A_109, %get3A_120 : vector<1x10016xf32>
    %get3A_122 = arith.constant 28 : index
    %get3A_123 = arith.constant 0 : index
    %get3A_124 = vector.load %arg0[%get3A_122, %get3A_123] : memref<48x10016xf32, #tpu.memory_space<vmem>>, vector<1x10016xf32>
    %add3A_125 = arith.addf %add3A_113, %get3A_124 : vector<1x10016xf32>
    %get3A_126 = arith.constant 29 : index
    %get3A_127 = arith.constant 0 : index
    %get3A_128 = vector.load %arg0[%get3A_126, %get3A_127] : memref<48x10016xf32, #tpu.memory_space<vmem>>, vector<1x10016xf32>
    %add3A_129 = arith.addf %add3A_117, %get3A_128 : vector<1x10016xf32>
    %get3A_130 = arith.constant 30 : index
    %get3A_131 = arith.constant 0 : index
    %get3A_132 = vector.load %arg0[%get3A_130, %get3A_131] : memref<48x10016xf32, #tpu.memory_space<vmem>>, vector<1x10016xf32>
    %add3A_133 = arith.addf %add3A_121, %get3A_132 : vector<1x10016xf32>
    %get3A_134 = arith.constant 31 : index
    %get3A_135 = arith.constant 0 : index
    %get3A_136 = vector.load %arg0[%get3A_134, %get3A_135] : memref<48x10016xf32, #tpu.memory_space<vmem>>, vector<1x10016xf32>
    %add3A_137 = arith.addf %add3A_125, %get3A_136 : vector<1x10016xf32>
    %get3A_138 = arith.constant 32 : index
    %get3A_139 = arith.constant 0 : index
    %get3A_140 = vector.load %arg0[%get3A_138, %get3A_139] : memref<48x10016xf32, #tpu.memory_space<vmem>>, vector<1x10016xf32>
    %add3A_141 = arith.addf %add3A_129, %get3A_140 : vector<1x10016xf32>
    %get3A_142 = arith.constant 33 : index
    %get3A_143 = arith.constant 0 : index
    %get3A_144 = vector.load %arg0[%get3A_142, %get3A_143] : memref<48x10016xf32, #tpu.memory_space<vmem>>, vector<1x10016xf32>
    %add3A_145 = arith.addf %add3A_133, %get3A_144 : vector<1x10016xf32>
    %get3A_146 = arith.constant 34 : index
    %get3A_147 = arith.constant 0 : index
    %get3A_148 = vector.load %arg0[%get3A_146, %get3A_147] : memref<48x10016xf32, #tpu.memory_space<vmem>>, vector<1x10016xf32>
    %add3A_149 = arith.addf %add3A_137, %get3A_148 : vector<1x10016xf32>
    %get3A_150 = arith.constant 35 : index
    %get3A_151 = arith.constant 0 : index
    %get3A_152 = vector.load %arg0[%get3A_150, %get3A_151] : memref<48x10016xf32, #tpu.memory_space<vmem>>, vector<1x10016xf32>
    %add3A_153 = arith.addf %add3A_141, %get3A_152 : vector<1x10016xf32>
    %get3A_154 = arith.constant 36 : index
    %get3A_155 = arith.constant 0 : index
    %get3A_156 = vector.load %arg0[%get3A_154, %get3A_155] : memref<48x10016xf32, #tpu.memory_space<vmem>>, vector<1x10016xf32>
    %add3A_157 = arith.addf %add3A_145, %get3A_156 : vector<1x10016xf32>
    %get3A_158 = arith.constant 37 : index
    %get3A_159 = arith.constant 0 : index
    %get3A_160 = vector.load %arg0[%get3A_158, %get3A_159] : memref<48x10016xf32, #tpu.memory_space<vmem>>, vector<1x10016xf32>
    %add3A_161 = arith.addf %add3A_149, %get3A_160 : vector<1x10016xf32>
    %get3A_162 = arith.constant 38 : index
    %get3A_163 = arith.constant 0 : index
    %get3A_164 = vector.load %arg0[%get3A_162, %get3A_163] : memref<48x10016xf32, #tpu.memory_space<vmem>>, vector<1x10016xf32>
    %add3A_165 = arith.addf %add3A_153, %get3A_164 : vector<1x10016xf32>
    %get3A_166 = arith.constant 39 : index
    %get3A_167 = arith.constant 0 : index
    %get3A_168 = vector.load %arg0[%get3A_166, %get3A_167] : memref<48x10016xf32, #tpu.memory_space<vmem>>, vector<1x10016xf32>
    %add3A_169 = arith.addf %add3A_157, %get3A_168 : vector<1x10016xf32>
    %get3A_170 = arith.constant 40 : index
    %get3A_171 = arith.constant 0 : index
    %get3A_172 = vector.load %arg0[%get3A_170, %get3A_171] : memref<48x10016xf32, #tpu.memory_space<vmem>>, vector<1x10016xf32>
    %add3A_173 = arith.addf %add3A_161, %get3A_172 : vector<1x10016xf32>
    %get3A_174 = arith.constant 41 : index
    %get3A_175 = arith.constant 0 : index
    %get3A_176 = vector.load %arg0[%get3A_174, %get3A_175] : memref<48x10016xf32, #tpu.memory_space<vmem>>, vector<1x10016xf32>
    %add3A_177 = arith.addf %add3A_165, %get3A_176 : vector<1x10016xf32>
    %get3A_178 = arith.constant 42 : index
    %get3A_179 = arith.constant 0 : index
    %get3A_180 = vector.load %arg0[%get3A_178, %get3A_179] : memref<48x10016xf32, #tpu.memory_space<vmem>>, vector<1x10016xf32>
    %add3A_181 = arith.addf %add3A_169, %get3A_180 : vector<1x10016xf32>
    %get3A_182 = arith.constant 43 : index
    %get3A_183 = arith.constant 0 : index
    %get3A_184 = vector.load %arg0[%get3A_182, %get3A_183] : memref<48x10016xf32, #tpu.memory_space<vmem>>, vector<1x10016xf32>
    %add3A_185 = arith.addf %add3A_173, %get3A_184 : vector<1x10016xf32>
    %get3A_186 = arith.constant 44 : index
    %get3A_187 = arith.constant 0 : index
    %get3A_188 = vector.load %arg0[%get3A_186, %get3A_187] : memref<48x10016xf32, #tpu.memory_space<vmem>>, vector<1x10016xf32>
    %add3A_189 = arith.addf %add3A_177, %get3A_188 : vector<1x10016xf32>
    %get3A_190 = arith.constant 45 : index
    %get3A_191 = arith.constant 0 : index
    %get3A_192 = vector.load %arg0[%get3A_190, %get3A_191] : memref<48x10016xf32, #tpu.memory_space<vmem>>, vector<1x10016xf32>
    %add3A_193 = arith.addf %add3A_181, %get3A_192 : vector<1x10016xf32>
    %get3A_194 = arith.constant 46 : index
    %get3A_195 = arith.constant 0 : index
    %get3A_196 = vector.load %arg0[%get3A_194, %get3A_195] : memref<48x10016xf32, #tpu.memory_space<vmem>>, vector<1x10016xf32>
    %add3A_197 = arith.addf %add3A_185, %get3A_196 : vector<1x10016xf32>
    %get3A_198 = arith.constant 47 : index
    %get3A_199 = arith.constant 0 : index
    %get3A_200 = vector.load %arg0[%get3A_198, %get3A_199] : memref<48x10016xf32, #tpu.memory_space<vmem>>, vector<1x10016xf32>
    %add3A_201 = arith.addf %add3A_189, %get3A_200 : vector<1x10016xf32>
    %concatenate3A = tpu.concatenate %add3A_193, %add3A_197, %add3A_201 in 0 : vector<1x10016xf32>, vector<1x10016xf32>, vector<1x10016xf32> -> vector<3x10016xf32>
    %get3A_202 = arith.constant 0 : index
    %get3A_203 = arith.constant 0 : index
    %get3A_204 = vector.load %arg2[%get3A_202, %get3A_203] : memref<1x10016xf32, #tpu.memory_space<vmem>>, vector<1x10016xf32>
    %mul3A = vector.broadcast %get3A_204 : vector<1x10016xf32> to vector<3x10016xf32>
    %mul3A_205 = arith.mulf %concatenate3A, %mul3A : vector<3x10016xf32>
    %get3A_206 = arith.constant 0 : index
    %get3A_207 = arith.constant 0 : index
    %get3A_208 = vector.load %arg3[%get3A_206, %get3A_207] : memref<3x1xf32, #tpu.memory_space<vmem>>, vector<3x1xf32>
    %add3A_209 = vector.broadcast %get3A_208 : vector<3x1xf32> to vector<3x10016xf32>
    %add3A_210 = arith.addf %mul3A_205, %add3A_209 : vector<3x10016xf32>
    %iota3A = tpu.iota {dimensions = array<i32: 0>} : vector<64x10016xi32>
    %get3A_211 = arith.constant 0 : index
    %get3A_212 = arith.constant 0 : index
    %get3A_213 = vector.load %arg4[%get3A_211, %get3A_212] : memref<1x10016xi32, #tpu.memory_space<vmem>>, vector<1x10016xi32>
    %eq3A = vector.broadcast %get3A_213 : vector<1x10016xi32> to vector<64x10016xi32>
    %eq3A_214 = arith.cmpi eq, %iota3A, %eq3A : vector<64x10016xi32>
    %convert_element_type3A = arith.extui %eq3A_214 : vector<64x10016xi1> to vector<64x10016xi32>
    %convert_element_type3A_215 = arith.sitofp %convert_element_type3A : vector<64x10016xi32> to vector<64x10016xf32>
    %dot_general3A = arith.constant dense<0.000000e+00> : vector<64x3xf32>
    %dot_general3A_216 = tpu.matmul %convert_element_type3A_215, %add3A_210, %dot_general3A {dimension_numbers = #tpu.dot_dimension_numbers<[1], [1], [0], [0], [0, 0, 1, 0], [], []>, transpose_lhs_hint = false} : vector<64x10016xf32>, vector<3x10016xf32>, vector<64x3xf32> -> vector<64x3xf32>
    %reduce_max3A = arith.constant dense<0xFF800000> : vector<64xf32>
    %reduce_max3A_217 = vector.multi_reduction <maximumf>, %dot_general3A_216, %reduce_max3A [1] : vector<64x3xf32> to vector<64xf32>
    %broadcast_in_dim3A = vector.shape_cast %reduce_max3A_217 : vector<64xf32> to vector<64x1xf32>
    %sub3A = vector.broadcast %broadcast_in_dim3A : vector<64x1xf32> to vector<64x3xf32>
    %sub3A_218 = arith.subf %dot_general3A_216, %sub3A : vector<64x3xf32>
    %exp3A = math.exp %sub3A_218 : vector<64x3xf32>
    %reduce_sum3A = arith.constant dense<0.000000e+00> : vector<64xf32>
    %reduce_sum3A_219 = vector.multi_reduction <add>, %exp3A, %reduce_sum3A [1] : vector<64x3xf32> to vector<64xf32>
    %broadcast_in_dim3A_220 = vector.shape_cast %reduce_sum3A_219 : vector<64xf32> to vector<64x1xf32>
    %log3A = math.log %broadcast_in_dim3A_220 : vector<64x1xf32>
    %sub3A_221 = vector.broadcast %broadcast_in_dim3A : vector<64x1xf32> to vector<64x3xf32>
    %sub3A_222 = arith.subf %dot_general3A_216, %sub3A_221 : vector<64x3xf32>
    %sub3A_223 = vector.broadcast %log3A : vector<64x1xf32> to vector<64x3xf32>
    %sub3A_224 = arith.subf %sub3A_222, %sub3A_223 : vector<64x3xf32>
    %swap3A = arith.constant 0 : index
    %swap3A_225 = arith.constant 0 : index
    %swap3A_226 = vector.load %arg5[%swap3A, %swap3A_225] : memref<64x3xf32, #tpu.memory_space<vmem>>, vector<64x3xf32>
    tpu.vector_store %arg5[%swap3A, %swap3A_225], %sub3A_224 {strides = array<i32>} : memref<64x3xf32, #tpu.memory_space<vmem>>, vector<64x3xf32>,
    return
  }
}

</mosaic_0001>

<sc_bundles>
// kernel: kernel.10.cloned.1.call-start
scs
__scs_entry_jumppad:
0x0: {  	(pc) =	sbr.rel $0x88, $3  }
0x1: {  	(tag) =	ssettag $0x0;
	lr =	simm.s32 $0x1  }
0x2: {  	[smem:$0x3F94] =	sst lr;
	_ =	strace $0xD0000000  }
0x3: {  	_ = 	snop  }
0x4: {  	_ = 	snop  }
0x5: {  	_ = 	snop  }
0x6: {  	_ = 	snop  }
0x7: {  	_ = 	snop  }
__scs_overlays_trampoline_lowered:
0x8: {  	[smem:$0x3FA3] =	sst s0  }
0x9: {  	[smem:$0x3FA4] =	sst s1  }
0xa: {  	[smem:$0x3FA5] =	sst s2  }
0xb: {  	[smem:$0x3FA6] =	sst s3  }
0xc: {  	[smem:$0x3FA7] =	sst s4  }
0xd: {  	[smem:$0x3FA8] =	sst s5  }
0xe: {  	[smem:$0x3FA9] =	sst s6  }
0xf: {  	[smem:$0x3FAA] =	sst s7  }
0x10: {  	[smem:$0x3FAB] =	sst s8  }
0x11: {  	[smem:$0x3FAC] =	sst s9;
	s0 =	simm.s32 @!p0 $0x0  }
0x12: {  	s1 =	sld [smem:$0x3F92];
	s0 =	simm.s32 @p0 $0x1  }
0x13: {  	[smem:$0x3FAD] =	sst s0;
	s0 =	simm.s32 @!p1 $0x0  }
0x14: {  	s2 =	sld [smem:$0x3F91];
	s0 =	simm.s32 @p1 $0x1  }
0x15: {  	[smem:$0x3FAE] =	sst s0;
	s0 =	simm.s32 @!p2 $0x0  }
0x16: {  	s3 =	sld [smem:$0x3FDB];
	s0 =	simm.s32 @p2 $0x1  }
0x17: {  	s4 =	simm.s32 $0x1BF5;
	[smem:$0x3FB0] =	sst s0  }
0x18: {  	s0 =	sld [smem:$0x3F93];
	_ =	swait.ge [sflag:s4], $0x0  }
0x19: {  	s7 =	sld [smem:$0x3F94]  }
0x1a: {  	s8 =	sadd.s32 $0xFFFFE003, lr  }
0x1b: {  	s9 =	sadd.s32 $0xFFFFFEF7, lr;
	s5 =	simm.s32 $0xFFFFFFFF;
	p2 =	slt.u32 s8, $0xFFFFF086  }
0x1c: {  	p1 =	slt.u32 s9, $0xF7A;
	s5 =	simm.s32 @!p2 $0x0  }
0x1d: {  	s5 =	simm.s32 @p1 $0x1;
	p0 =	seq.s32 s7, s2  }
0x1e: {  	s7 =	smul.u32 @!p0 $0xF7A, s2;
	p2 =	seq.s32 @!p0 s5, $0x0  }
0x1f: {  	s9 =	smul.u32 $0xF7A, s1;
	s8 =	simm.s32 @!p0 $0x1BF5;
	p2 =	por !p2, p0  }
0x20: {  	[sflag:s8] =	ssyncset.s32 @!p0 $0xFFFFF086;
	s6 =	sadd.s32 @!p0 s3, s7;
	s7 =	simm.s32 @!p0 $0x108  }
0x21: {  	s3 =	sadd.s32 s3, s9;
	s6 =	sadd.s32 @!p0 $0x88, s6;
	s7 =	simm.s32 @p2 $0x1082  }
0x22: {  	[simem:s7], [sflag:s8] =	dma.local @!p0 [hbm:s6], $0xF7A  }
0x23: {  	s9 =	sor.u32 $0xD0000000, s2;
	s6 =	simm.s32 $0x108;
	_ =	swait.ge @!p0 [sflag:s8], $0x0  }
0x24: {  	s3 =	sadd.s32 $0x88, s3;
	s6 =	simm.s32 @!p1 $0x1082;
	[sflag:s4] =	ssyncset.s32 $0xFFFFF086  }
0x25: {  	[simem:s6], [sflag:s4] =	dma.local [hbm:s3], $0xF7A  }
0x26: {  	[smem:$0x3F94] =	sst s1;
	(tag) =	ssettag s2;
	_ =	strace s9  }
0x27: {  	s1 =	sld [smem:$0x3FA4]  }
0x28: {  	s2 =	sld [smem:$0x3FA5]  }
0x29: {  	s4 =	sld [smem:$0x3FA7]  }
0x2a: {  	p0 =	seq.s32 s5, $0x0;
	s5 =	sld [smem:$0x3FA8]  }
0x2b: {  	s6 =	sld [smem:$0x3FA9]  }
0x2c: {  	s7 =	sld [smem:$0x3FAA]  }
0x2d: {  	s3 =	simm.s32 $0x108;
	s8 =	sld [smem:$0x3FAB]  }
0x2e: {  	s3 =	simm.s32 @!p0 $0x1082;
	s9 =	sld [smem:$0x3FAC]  }
0x2f: {  	lr =	sadd.s32 s0, s3;
	s0 =	sld [smem:$0x3FA3]  }
0x30: {  	s3 =	sld [smem:$0x3FA6]  }
0x31: {  	[smem:$0x3FAF] =	sst s10  }
0x32: {  	s10 =	sld [smem:$0x3FAD];
	_ =	sdelay $0x3  }
0x33: {  	p0 =	seq.s32 s10, $0x1;
	s10 =	sld [smem:$0x3FAF];
	_ =	sdelay $0x3  }
0x34: {  	[smem:$0x3FAF] =	sst s10  }
0x35: {  	s10 =	sld [smem:$0x3FAE];
	_ =	sdelay $0x3  }
0x36: {  	p1 =	seq.s32 s10, $0x1;
	s10 =	sld [smem:$0x3FAF];
	_ =	sdelay $0x3  }
0x37: {  	[smem:$0x3FAF] =	sst s10  }
0x38: {  	s10 =	sld [smem:$0x3FB0]  }
0x39: {  	_ = 	snop;
	(pc) =	sbr.ind lr, $3  }
0x3a: {  	_ = 	snop  }
0x3b: {  	_ = 	snop  }
0x3c: {  	p2 =	seq.s32 s10, $0x1;
	s10 =	sld [smem:$0x3FAF]  }
0x3d: {  	_ =	shalt  }
0x3e: {  	_ =	shalt  }
0x3f: {  	_ =	shalt  }
0x40: {  	_ =	shalt  }
0x41: {  	_ =	shalt  }
0x42: {  	_ =	shalt  }
0x43: {  	_ =	shalt  }
0x44: {  	_ =	shalt  }
0x45: {  	_ =	shalt  }
0x46: {  	_ =	shalt  }
0x47: {  	_ =	shalt  }
0x48: {  	_ =	shalt  }
0x49: {  	_ =	shalt  }
0x4a: {  	_ =	shalt  }
0x4b: {  	_ =	shalt  }
0x4c: {  	_ =	shalt  }
0x4d: {  	_ =	shalt  }
0x4e: {  	_ =	shalt  }
0x4f: {  	_ =	shalt  }
0x50: {  	_ =	shalt  }
0x51: {  	_ =	shalt  }
0x52: {  	_ =	shalt  }
0x53: {  	_ =	shalt  }
0x54: {  	_ =	shalt  }
0x55: {  	_ =	shalt  }
0x56: {  	_ =	shalt  }
0x57: {  	_ =	shalt  }
0x58: {  	_ =	shalt  }
0x59: {  	_ =	shalt  }
0x5a: {  	_ =	shalt  }
0x5b: {  	_ =	shalt  }
0x5c: {  	_ =	shalt  }
0x5d: {  	_ =	shalt  }
0x5e: {  	_ =	shalt  }
0x5f: {  	_ =	shalt  }
0x60: {  	_ =	shalt  }
0x61: {  	_ =	shalt  }
0x62: {  	_ =	shalt  }
0x63: {  	_ =	shalt  }
0x64: {  	_ =	shalt  }
0x65: {  	_ =	shalt  }
0x66: {  	_ =	shalt  }
0x67: {  	_ =	shalt  }
0x68: {  	_ =	shalt  }
0x69: {  	_ =	shalt  }
0x6a: {  	_ =	shalt  }
0x6b: {  	_ =	shalt  }
0x6c: {  	_ =	shalt  }
0x6d: {  	_ =	shalt  }
0x6e: {  	_ =	shalt  }
0x6f: {  	_ =	shalt  }
0x70: {  	_ =	shalt  }
0x71: {  	_ =	shalt  }
0x72: {  	_ =	shalt  }
0x73: {  	_ =	shalt  }
0x74: {  	_ =	shalt  }
0x75: {  	_ =	shalt  }
0x76: {  	_ =	shalt  }
0x77: {  	_ =	shalt  }
0x78: {  	_ =	shalt  }
0x79: {  	_ =	shalt  }
0x7a: {  	_ =	shalt  }
0x7b: {  	_ =	shalt  }
0x7c: {  	_ =	shalt  }
0x7d: {  	_ =	shalt  }
0x7e: {  	_ =	shalt  }
0x7f: {  	_ =	shalt  }
0x80: {  	_ =	shalt  }
0x81: {  	_ =	shalt  }
0x82: {  	_ =	shalt  }
0x83: {  	_ =	shalt  }
0x84: {  	_ =	shalt  }
0x85: {  	_ =	shalt  }
0x86: {  	_ =	shalt  }
0x87: {  	_ =	shalt  }
.Lfunc_end0:
.L_simem_size_0:
called_computation_lowered:
.L_overlay_start_0:
0x88: {  	s2 =	sld [smem:$0x3FD9]  }
0x89: {  	s3 =	sld [smem:$0x3FFE];
	_ =	sdelay $0x1  }
0x8a: {  	s1 =	srdreg.scid  }
0x8b: {  	s0 =	sand.u32 $0x1, s1  }
0x8c: {  	s16 =	sshll.u32 s0, $0xA;
	s2 =	sadd.s32 s3, s2  }
0x8d: {  	s2 =	sadd.s32 s2, s16  }
0x8e: {  	[smem:$0x3FBB] =	sst s2  }
0x8f: {  	_ = 	snop  }
0x90: {  	(tm) =	ssettm $0x1  }
0x91: {  	s17 =	sld [smem:$0x3FFB];
	_ =	sdelay $0x3  }
0x92: {  	_ =	strace s17  }
0x93: {  	s2 =	sld [smem:$0x3FFC];
	_ =	sdelay $0x3  }
0x94: {  	_ =	strace s2  }
0x95: {  	s2 =	sld [smem:$0x3FFD];
	_ =	sdelay $0x3  }
0x96: {  	_ =	strace s2  }
0x97: {  	_ =	strace $0x8FFFFFFF  }
0x98: {  	s18 =	sld [smem:$0x3FDB];
	_ =	sdelay $0x1  }
0x99: {  	s19 =	simm.s32 $_scs_section_size  }
0x9a: {  	s4 =	simm.s32 $_size__tile_overlayer_lowered;
	s5 =	simm.s32 $_tile_overlayer_lowered  }
0x9b: {  	s22 =	simm.s32 $0x1BFF;
	s21 =	sshll.u32 s5, $0x1;
	s2 =	sadd.s32 s19, s18  }
0x9c: {  	s6 =	simm.s32 $0x0;
	s20 =	sshll.u32 s4, $0x1;
	s4 =	sadd.s32 s21, s2  }
0x9d: {  	[timem:s6], [sflag:s22] =	dma.local [hbm:s4], s20  }
0x9e: {  	_ =	swait.ge [sflag:s22], s20  }
0x9f: {  	s3 =	ssub.s32 $0x0, s20;
	[sflag:s22] =	ssyncset.done $0x0  }
0xa0: {  	[sflag:s22] =	ssyncadd.s32 s3;
	_ =	sdelay $0x1  }
0xa1: {  	s23 =	simm.s32 $0x1B8B  }
0xa2: {  	_ =	swait.ge [sflag:s23], $0x1  }
0xa3: {  	[sflag:s23] =	ssyncset.done $0x0  }
0xa4: {  	s25 =	simm.s32 $0x1B8E;
	s24 =	sld [smem:$0x3FFE];
	[sflag:s23] =	ssyncadd.s32 $0xFFFFFFFF  }
0xa5: {  	s26 =	simm.s32 $execute0_lowered;
	[smem:$0x3FD2] =	sst s25  }
0xa6: {  	s4 =	sshll.u32 s26, $0x1;
	_ =	strace $0x80000046;
	[dreg:$0x1] =	wrdreg $0xFFFFFFFF  }
0xa7: {  	s28 =	simm.s32 $_size_execute0_lowered;
	s2 =	sadd.s32 s2, s4;
	[dreg:$0x0] =	wrdreg $0x0  }
0xa8: {  	s4 =	sshll.u32 s28, $0x1;
	[dreg:$0x2] =	wrdreg s2  }
0xa9: {  	[dreg:$0x3] =	wrdreg s4  }
0xaa: {  	[dreg:$0x4] =	wrdreg $0xC0  }
0xab: {  	_ =	task [dreg:s6], $0x5FFFF  }
0xac: {  	[dreg:$0x1] =	wrdreg $0xFFFFFFFF  }
0xad: {  	[dreg:$0x0] =	wrdreg $0x60  }
0xae: {  	[dreg:$0x2] =	wrdreg s24  }
0xaf: {  	[dreg:$0x3] =	wrdreg $0x9  }
0xb0: {  	_ =	task.clear_ibuf [dreg:s6], $0x4FFFF;
	_ =	strace $0x90000046  }
0xb1: {  	s29 =	simm.s32 $0x9;
	_ =	strace $0x80000048  }
0xb2: {  	_ =	swait.ge [sflag:s29], $0x1  }
0xb3: {  	[sflag:s29] =	ssyncadd.s32 $0xFFFFFFFF  }
0xb4: {  	_ =	strace $0x90000048  }
0xb5: {  	_ =	sfence  }
0xb6: {  	s30 =	sld [smem:$0x0];
	_ =	sdelay $0x2  }
0xb7: {  	s31 =	sshll.u32 s1, $0xD;
	s1 =	sshrl.u32 s1, $0x2  }
0xb8: {  	s3 =	sand.u32 $0x4000, s31;
	s1 =	sadd.s32 s1, s30  }
0xb9: {  	s0 =	sor.u32 s3, s0;
	s1 =	sshll.u32 s1, $0x11  }
0xba: {  	s0 =	sor.u32 s1, s0  }
0xbb: {  	s0 =	sadd.s32 $0x8F2B, s0  }
0xbc: {  	[sflag:s0] =	ssyncadd.remote.s32 $0x1  }
0xbd: {  	_ =	sfence.sel $0xFFFF  }
0xbe: {  	[dreg:$0x0] =	wrdreg $0xFFFFFFFF;
	(pc) =	sbr.abs _section_cstart, $3  }
0xbf: {  	[dreg:$0x1] =	wrdreg $0xFFFFFFFF  }
0xc0: {  	_ =	task.clear_ibuf [dreg:s6], $0x2FFFF;
	_ =	strace $0x9FFFFFFF  }
0xc1: {  	(tm) =	ssettm $0x7FFFFFFF  }
tec
execute0_lowered:
.L_overlay_start_1:
0x0: {  	(tag) =	ssettag $0x1  }
0x1: {  	s1 =	srdreg.scid  }
0x2: {  	s0 =	stileid.u32;
	s3 =	rddreg [dreg:$0x0];
	s8 =	simm.s32 $0x80  }
0x3: {  	s9 =	simm.s32 $0x400;
	s10 =	simm.s32 $0x2;
	s11 =	simm.s32 $0x0  }
0x4: {  	s4 =	sand.u32 $0x1, s1;
	s2 =	sshll.u32 s0, $0x1;
	s1 =	rddreg [dreg:$0x1]  }
0x5: {  	s6 =	sshrl.u32 s0, $0x2;
	s5 =	sor.u32 s4, s2;
	s2 =	simm.s32 $0x0  }
0x6: {  	s6 =	smul.u32 $0x13C00, s6;
	s4 =	ssub.s32 $0x2, s4;
	s7 =	sshll.u32 s5, $0x7  }
0x7: {  	[smem:$0x7FF] =	sst s2;
	s5 =	smul.u32 $0x9C4, s5;
	s7 =	sand.u32 $0x380, s7  }
0x8: {  	s31 =	sshrl.u32 s4, $0x1;
	_ =	strace $0x80000047;
	s6 =	sor.u32 s6, s7  }
0x9: {  	s5 =	sadd.s32 s5, s3;
	s7 =	ssub.s32 s4, s31;
	s6 =	sshrl.u32 s6, $0x3  }
0xa: {  	s6 =	sadd.s32 s6, s3;
	s3 =	sadd.s32 $0x3E00, s5;
	s5 =	smax.u32 s7, $0x1  }
0xb: {  	v0 =	vimm.f32 $0.0e+00;
	v1 =	vimm.f32 $1.000000000e+00;
	s7 =	simm.s32 $0x4E80;
	s4 =	sadd.s32 $0x17800, s6;
	s6 =	simm.s32 $0x1  }
.LBB2_1:
0xc: {  	[tilespmem:s2], [sflag:$0x1] =	stream.linear.gather [hbm4b:s3+s2], $0x4E20, $0x38;
	[tilespmem:$0x7600] =	vst v63  }
0xd: {  	s12 =	simm.s32 $0x4EA0  }
0xe: {  	[tilespmem:s12+$0xFFFFFFE0] =	vst v0  }
0xf: {  	[tilespmem:s12+$0x10] =	vst v0  }
0x10: {  	s13 =	simm.s32 $0x0;
	[tilespmem:s12+$0x0] =	vst v0  }
.LBB2_2:
0x11: {  	s13 =	sadd.s32 $0x4, s13  }
0x12: {  	[tilespmem:s12+$0xFFFFFFF0] =	vst v0;
	s12 =	sadd.s32 $0x40, s12;
	p0 =	slt.u32 s13, $0x26C  }
.Ltmp0:
0x13: {  	[tilespmem:s12+$0xFFFFFFE0] =	vst v0;
	(pc) =	sbr.rel @p0 .LBB2_2-.Ltmp0, $3  }
0x14: {  	_ =	sdelay $0x1  }
0x15: {  	[tilespmem:s12+$0x10] =	vst v0  }
0x16: {  	[tilespmem:s12+$0x0] =	vst v0  }
0x17: {  	[tilespmem:s12+$0xFFFFFFF0] =	vst v0;
	s12 =	simm.s32 $0x0  }
.LBB2_4:
0x18: {  	p0 =	sne.s32 s12, $0x40  }
.Ltmp1:
0x19: {  	_ = 	snop;
	(pc) =	sbr.rel @p0 .LBB2_4-.Ltmp1, $3  }
0x1a: {  	_ =	sdelay $0x1  }
0x1b: {  	s13 =	sshra.s32 s12, $0x2  }
0x1c: {  	s12 =	sadd.s32 $0x40, s12;
	[tilespmem:s13+$0x7580] =	vst v0  }
0x1d: {  	_ =	swait.ge [sflag:s6], $0x4E20  }
0x1e: {  	[sflag:s6] =	ssyncset.done $0x0  }
0x1f: {  	s12 =	simm.s32 $0x40;
	[sflag:s6] =	ssyncadd.s32 $0xFFFFB1E0  }
0x20: {  	v2 =	vld [tilespmem:s12+$0x30]  }
0x21: {  	v3 =	vld [tilespmem:s12+$0xFFFFFFD0]  }
0x22: {  	v4 =	vld [tilespmem:s12+$0xFFFFFFE0]  }
0x23: {  	v5 =	vld [tilespmem:s12+$0xFFFFFFF0]  }
0x24: {  	v6 =	vld [tilespmem:s12+$0x0]  }
0x25: {  	v7 =	vld [tilespmem:s12+$0x10];
	v2 =	vshrl.u32 v2, $0x10  }
0x26: {  	v3 =	vshrl.u32 v3, $0x10  }
0x27: {  	v4 =	vshrl.u32 v4, $0x10  }
0x28: {  	v8 =	vld [tilespmem:s12+$0x20];
	v5 =	vshrl.u32 v5, $0x10  }
0x29: {  	v9 =	vld [tilespmem:s12+$0xFFFFFFC0];
	v6 =	vshrl.u32 v6, $0x10  }
0x2a: {  	v7 =	vshrl.u32 v7, $0x10;
	[tilespmem:v2+s7+$0x0] =	vst.idx.add.f32.msk $0xffff, v1  }
0x2b: {  	[tilespmem:v3+s7+$0x0] =	vst.idx.add.f32.msk $0xffff, v1  }
0x2c: {  	[tilespmem:v4+s7+$0x0] =	vst.idx.add.f32.msk $0xffff, v1  }
0x2d: {  	[tilespmem:v5+s7+$0x0] =	vst.idx.add.f32.msk $0xffff, v1  }
0x2e: {  	[tilespmem:v6+s7+$0x0] =	vst.idx.add.f32.msk $0xffff, v1  }
0x2f: {  	s13 =	simm.s32 $0xC0;
	s12 =	simm.s32 $0x0;
	v2 =	vshrl.u32 v8, $0x10;
	v3 =	vshrl.u32 v9, $0x10;
	[tilespmem:v7+s7+$0x0] =	vst.idx.add.f32.msk $0xffff, v1  }
.LBB2_6:
0x30: {  	v4 =	vld [tilespmem:s13+$0x30];
	s12 =	sadd.s32 $0x8, s12  }
0x31: {  	v5 =	vld [tilespmem:s13+$0xFFFFFFD0];
	p0 =	slt.u32 s12, $0x4D8  }
0x32: {  	v6 =	vld [tilespmem:s13+$0xFFFFFFE0]  }
0x33: {  	v7 =	vld [tilespmem:s13+$0xFFFFFFF0]  }
0x34: {  	v8 =	vld [tilespmem:s13+$0x0]  }
0x35: {  	v9 =	vld [tilespmem:s13+$0x10];
	v4 =	vshrl.u32 v4, $0x10  }
0x36: {  	v5 =	vshrl.u32 v5, $0x10;
	v10 =	vld [tilespmem:s13+$0x20]  }
0x37: {  	v11 =	vld [tilespmem:s13+$0xFFFFFFC0];
	v6 =	vshrl.u32 v6, $0x10  }
0x38: {  	v7 =	vshrl.u32 v7, $0x10;
	[tilespmem:v3+s7+$0x0] =	vst.idx.add.f32.msk $0xffff, v1  }
0x39: {  	v8 =	vshrl.u32 v8, $0x10;
	[tilespmem:v2+s7+$0x0] =	vst.idx.add.f32.msk $0xffff, v1  }
0x3a: {  	s14 =	simm.s32 $0x0;
	v9 =	vshrl.u32 v9, $0x10;
	[tilespmem:v4+s7+$0x0] =	vst.idx.add.f32.msk $0xffff, v1  }
.Ltmp2:
0x3b: {  	[tilespmem:v5+s7+$0x0] =	vst.idx.add.f32.msk $0xffff, v1;
	v2 =	vshrl.u32 v10, $0x10;
	(pc) =	sbr.rel @p0 .LBB2_6-.Ltmp2, $4  }
0x3c: {  	v3 =	vshrl.u32 v11, $0x10;
	[tilespmem:v6+s7+$0x0] =	vst.idx.add.f32.msk $0xffff, v1  }
0x3d: {  	[tilespmem:v7+s7+$0x0] =	vst.idx.add.f32.msk $0xffff, v1  }
0x3e: {  	[tilespmem:v8+s7+$0x0] =	vst.idx.add.f32.msk $0xffff, v1  }
0x3f: {  	s13 =	sadd.s32 $0x80, s13;
	[tilespmem:v9+s7+$0x0] =	vst.idx.add.f32.msk $0xffff, v1  }
0x40: {  	_ =	sdelay $0x3  }
0x41: {  	[tilespmem:v3+s7+$0x0] =	vst.idx.add.f32.msk $0xffff, v1  }
0x42: {  	[tilespmem:v2+s7+$0x0] =	vst.idx.add.f32.msk $0xffff, v1  }
.LBB2_8:
0x43: {  	s12 =	sshra.s32 s14, $0x2  }
0x44: {  	v2 =	vld [tilespmem:s12+$0x4E00];
	_ =	sdelay $0x4  }
0x45: {  	p0 =	sne.s32 s14, $0x40;
	v2 =	vshrl.u32 v2, $0x10  }
.Ltmp3:
0x46: {  	_ = 	snop;
	(pc) =	sbr.rel @p0 .LBB2_8-.Ltmp3, $2  }
0x47: {  	_ =	sdelay $0x2  }
0x48: {  	s14 =	sadd.s32 $0x40, s14;
	[tilespmem:v2+s7+$0x0] =	vst.idx.add.f32.msk $0xffff, v1  }
0x49: {  	s11 =	sadd.s32 $0x1, s11  }
0x4a: {  	p0 =	sne.s32 s11, s5  }
.Ltmp4:
0x4b: {  	_ = 	snop;
	(pc) =	sbr.rel @p0 .LBB2_1-.Ltmp4, $4  }
0x4c: {  	[hbm4b:s4+s8] =	stream.strided.scatter [tilespmem:s7], [sflag:$0x2], $0x2780, s9, s8, $0x38;
	[tilespmem:$0x7600] =	vst v63  }
0x4d: {  	_ =	swait.ge [sflag:s10], $0x2780  }
0x4e: {  	[sflag:s10] =	ssyncset.done $0x0  }
0x4f: {  	[sflag:s10] =	ssyncadd.s32 $0xFFFFD880  }
0x50: {  	_ =	sfence.sel $0x180000  }
0x51: {  	[bflag:$0x0] =	sbarrier.arrive $0xFFFF  }
0x52: {  	p0 =	sne.s32 s0, $0x0;
	_ =	strace $0x90000047  }
0x53: {  	s0 =	sadd.s32 @!p0 $0x100000, s1;
	[bflag:$0x2] =	sbarrier.arrive $0xFFFF  }
0x54: {  	[sflag:s0] =	ssyncadd.tile.s32 @!p0 $0x1;
	_ =	shalt  }
.Lfunc_end2:
_tile_overlayer_lowered:
.L_overlay_start_2:
0x55: {  	(tag) =	ssettag $0x2  }
0x56: {  	s0 =	rddreg [dreg:$0x0];
	s2 =	stileid.u32  }
0x57: {  	s1 =	rddreg [dreg:$0x1];
	p0 =	sne.s32 s2, $0x0  }
0x58: {  	s3 =	rddreg [dreg:$0x2];
	[bflag:$0x3] =	sbarrier.arrive $0xFFFF;
	s2 =	simm.s32 @!p0 $0x1C02  }
0x59: {  	[timem:s3], [sflag:s2] =	dma.local @!p0 [hbm:s0], s1  }
0x5a: {  	s0 =	simm.s32 @!p0 $0x2  }
0x5b: {  	_ =	swait.ge @!p0 [sflag:s0], s1  }
0x5c: {  	s1 =	ssub.s32 @!p0 $0x0, s1;
	[sflag:s0] =	ssyncset.done @!p0 $0x0  }
0x5d: {  	[sflag:s0] =	ssyncadd.s32 @!p0 s1  }
0x5e: {  	[bflag:$0x3] =	sbarrier.arrive $0xFFFF  }
0x5f: {  	_ =	shalt  }

// kernel: kernel.13.cloned.1.call-start
scs
__scs_entry_jumppad:
0x0: {  	(pc) =	sbr.rel $0x88, $3  }
0x1: {  	(tag) =	ssettag $0x0;
	lr =	simm.s32 $0x1  }
0x2: {  	[smem:$0x3F94] =	sst lr;
	_ =	strace $0xD0000000  }
0x3: {  	_ = 	snop  }
0x4: {  	_ = 	snop  }
0x5: {  	_ = 	snop  }
0x6: {  	_ = 	snop  }
0x7: {  	_ = 	snop  }
__scs_overlays_trampoline_lowered:
0x8: {  	[smem:$0x3FA3] =	sst s0  }
0x9: {  	[smem:$0x3FA4] =	sst s1  }
0xa: {  	[smem:$0x3FA5] =	sst s2  }
0xb: {  	[smem:$0x3FA6] =	sst s3  }
0xc: {  	[smem:$0x3FA7] =	sst s4  }
0xd: {  	[smem:$0x3FA8] =	sst s5  }
0xe: {  	[smem:$0x3FA9] =	sst s6  }
0xf: {  	[smem:$0x3FAA] =	sst s7  }
0x10: {  	[smem:$0x3FAB] =	sst s8  }
0x11: {  	[smem:$0x3FAC] =	sst s9;
	s0 =	simm.s32 @!p0 $0x0  }
0x12: {  	s1 =	sld [smem:$0x3F92];
	s0 =	simm.s32 @p0 $0x1  }
0x13: {  	[smem:$0x3FAD] =	sst s0;
	s0 =	simm.s32 @!p1 $0x0  }
0x14: {  	s2 =	sld [smem:$0x3F91];
	s0 =	simm.s32 @p1 $0x1  }
0x15: {  	[smem:$0x3FAE] =	sst s0;
	s0 =	simm.s32 @!p2 $0x0  }
0x16: {  	s3 =	sld [smem:$0x3FDB];
	s0 =	simm.s32 @p2 $0x1  }
0x17: {  	s4 =	simm.s32 $0x1BF5;
	[smem:$0x3FB0] =	sst s0  }
0x18: {  	s0 =	sld [smem:$0x3F93];
	_ =	swait.ge [sflag:s4], $0x0  }
0x19: {  	s7 =	sld [smem:$0x3F94]  }
0x1a: {  	s8 =	sadd.s32 $0xFFFFE003, lr  }
0x1b: {  	s9 =	sadd.s32 $0xFFFFFEF7, lr;
	s5 =	simm.s32 $0xFFFFFFFF;
	p2 =	slt.u32 s8, $0xFFFFF086  }
0x1c: {  	p1 =	slt.u32 s9, $0xF7A;
	s5 =	simm.s32 @!p2 $0x0  }
0x1d: {  	s5 =	simm.s32 @p1 $0x1;
	p0 =	seq.s32 s7, s2  }
0x1e: {  	s7 =	smul.u32 @!p0 $0xF7A, s2;
	p2 =	seq.s32 @!p0 s5, $0x0  }
0x1f: {  	s9 =	smul.u32 $0xF7A, s1;
	s8 =	simm.s32 @!p0 $0x1BF5;
	p2 =	por !p2, p0  }
0x20: {  	[sflag:s8] =	ssyncset.s32 @!p0 $0xFFFFF086;
	s6 =	sadd.s32 @!p0 s3, s7;
	s7 =	simm.s32 @!p0 $0x108  }
0x21: {  	s3 =	sadd.s32 s3, s9;
	s6 =	sadd.s32 @!p0 $0x88, s6;
	s7 =	simm.s32 @p2 $0x1082  }
0x22: {  	[simem:s7], [sflag:s8] =	dma.local @!p0 [hbm:s6], $0xF7A  }
0x23: {  	s9 =	sor.u32 $0xD0000000, s2;
	s6 =	simm.s32 $0x108;
	_ =	swait.ge @!p0 [sflag:s8], $0x0  }
0x24: {  	s3 =	sadd.s32 $0x88, s3;
	s6 =	simm.s32 @!p1 $0x1082;
	[sflag:s4] =	ssyncset.s32 $0xFFFFF086  }
0x25: {  	[simem:s6], [sflag:s4] =	dma.local [hbm:s3], $0xF7A  }
0x26: {  	[smem:$0x3F94] =	sst s1;
	(tag) =	ssettag s2;
	_ =	strace s9  }
0x27: {  	s1 =	sld [smem:$0x3FA4]  }
0x28: {  	s2 =	sld [smem:$0x3FA5]  }
0x29: {  	s4 =	sld [smem:$0x3FA7]  }
0x2a: {  	p0 =	seq.s32 s5, $0x0;
	s5 =	sld [smem:$0x3FA8]  }
0x2b: {  	s6 =	sld [smem:$0x3FA9]  }
0x2c: {  	s7 =	sld [smem:$0x3FAA]  }
0x2d: {  	s3 =	simm.s32 $0x108;
	s8 =	sld [smem:$0x3FAB]  }
0x2e: {  	s3 =	simm.s32 @!p0 $0x1082;
	s9 =	sld [smem:$0x3FAC]  }
0x2f: {  	lr =	sadd.s32 s0, s3;
	s0 =	sld [smem:$0x3FA3]  }
0x30: {  	s3 =	sld [smem:$0x3FA6]  }
0x31: {  	[smem:$0x3FAF] =	sst s10  }
0x32: {  	s10 =	sld [smem:$0x3FAD];
	_ =	sdelay $0x3  }
0x33: {  	p0 =	seq.s32 s10, $0x1;
	s10 =	sld [smem:$0x3FAF];
	_ =	sdelay $0x3  }
0x34: {  	[smem:$0x3FAF] =	sst s10  }
0x35: {  	s10 =	sld [smem:$0x3FAE];
	_ =	sdelay $0x3  }
0x36: {  	p1 =	seq.s32 s10, $0x1;
	s10 =	sld [smem:$0x3FAF];
	_ =	sdelay $0x3  }
0x37: {  	[smem:$0x3FAF] =	sst s10  }
0x38: {  	s10 =	sld [smem:$0x3FB0]  }
0x39: {  	_ = 	snop;
	(pc) =	sbr.ind lr, $3  }
0x3a: {  	_ = 	snop  }
0x3b: {  	_ = 	snop  }
0x3c: {  	p2 =	seq.s32 s10, $0x1;
	s10 =	sld [smem:$0x3FAF]  }
0x3d: {  	_ =	shalt  }
0x3e: {  	_ =	shalt  }
0x3f: {  	_ =	shalt  }
0x40: {  	_ =	shalt  }
0x41: {  	_ =	shalt  }
0x42: {  	_ =	shalt  }
0x43: {  	_ =	shalt  }
0x44: {  	_ =	shalt  }
0x45: {  	_ =	shalt  }
0x46: {  	_ =	shalt  }
0x47: {  	_ =	shalt  }
0x48: {  	_ =	shalt  }
0x49: {  	_ =	shalt  }
0x4a: {  	_ =	shalt  }
0x4b: {  	_ =	shalt  }
0x4c: {  	_ =	shalt  }
0x4d: {  	_ =	shalt  }
0x4e: {  	_ =	shalt  }
0x4f: {  	_ =	shalt  }
0x50: {  	_ =	shalt  }
0x51: {  	_ =	shalt  }
0x52: {  	_ =	shalt  }
0x53: {  	_ =	shalt  }
0x54: {  	_ =	shalt  }
0x55: {  	_ =	shalt  }
0x56: {  	_ =	shalt  }
0x57: {  	_ =	shalt  }
0x58: {  	_ =	shalt  }
0x59: {  	_ =	shalt  }
0x5a: {  	_ =	shalt  }
0x5b: {  	_ =	shalt  }
0x5c: {  	_ =	shalt  }
0x5d: {  	_ =	shalt  }
0x5e: {  	_ =	shalt  }
0x5f: {  	_ =	shalt  }
0x60: {  	_ =	shalt  }
0x61: {  	_ =	shalt  }
0x62: {  	_ =	shalt  }
0x63: {  	_ =	shalt  }
0x64: {  	_ =	shalt  }
0x65: {  	_ =	shalt  }
0x66: {  	_ =	shalt  }
0x67: {  	_ =	shalt  }
0x68: {  	_ =	shalt  }
0x69: {  	_ =	shalt  }
0x6a: {  	_ =	shalt  }
0x6b: {  	_ =	shalt  }
0x6c: {  	_ =	shalt  }
0x6d: {  	_ =	shalt  }
0x6e: {  	_ =	shalt  }
0x6f: {  	_ =	shalt  }
0x70: {  	_ =	shalt  }
0x71: {  	_ =	shalt  }
0x72: {  	_ =	shalt  }
0x73: {  	_ =	shalt  }
0x74: {  	_ =	shalt  }
0x75: {  	_ =	shalt  }
0x76: {  	_ =	shalt  }
0x77: {  	_ =	shalt  }
0x78: {  	_ =	shalt  }
0x79: {  	_ =	shalt  }
0x7a: {  	_ =	shalt  }
0x7b: {  	_ =	shalt  }
0x7c: {  	_ =	shalt  }
0x7d: {  	_ =	shalt  }
0x7e: {  	_ =	shalt  }
0x7f: {  	_ =	shalt  }
0x80: {  	_ =	shalt  }
0x81: {  	_ =	shalt  }
0x82: {  	_ =	shalt  }
0x83: {  	_ =	shalt  }
0x84: {  	_ =	shalt  }
0x85: {  	_ =	shalt  }
0x86: {  	_ =	shalt  }
0x87: {  	_ =	shalt  }
.Lfunc_end0:
.L_simem_size_0:
called_computation.1_lowered:
.L_overlay_start_0:
0x88: {  	s2 =	sld [smem:$0x3FD9]  }
0x89: {  	s3 =	sld [smem:$0x3FFE];
	_ =	sdelay $0x1  }
0x8a: {  	s1 =	srdreg.scid  }
0x8b: {  	s0 =	sand.u32 $0x1, s1  }
0x8c: {  	s16 =	sshll.u32 s0, $0xA;
	s2 =	sadd.s32 s3, s2  }
0x8d: {  	s2 =	sadd.s32 s2, s16  }
0x8e: {  	[smem:$0x3FBB] =	sst s2  }
0x8f: {  	_ = 	snop  }
0x90: {  	(tm) =	ssettm $0x1  }
0x91: {  	s17 =	sld [smem:$0x3FFB];
	_ =	sdelay $0x3  }
0x92: {  	_ =	strace s17  }
0x93: {  	s2 =	sld [smem:$0x3FFC];
	_ =	sdelay $0x3  }
0x94: {  	_ =	strace s2  }
0x95: {  	s2 =	sld [smem:$0x3FFD];
	_ =	sdelay $0x3  }
0x96: {  	_ =	strace s2  }
0x97: {  	_ =	strace $0x8FFFFFFF  }
0x98: {  	s18 =	sld [smem:$0x3FDB];
	_ =	sdelay $0x1  }
0x99: {  	s19 =	simm.s32 $_scs_section_size  }
0x9a: {  	s4 =	simm.s32 $_size__tile_overlayer_lowered;
	s5 =	simm.s32 $_tile_overlayer_lowered  }
0x9b: {  	s22 =	simm.s32 $0x1BFF;
	s21 =	sshll.u32 s5, $0x1;
	s2 =	sadd.s32 s19, s18  }
0x9c: {  	s6 =	simm.s32 $0x0;
	s20 =	sshll.u32 s4, $0x1;
	s4 =	sadd.s32 s21, s2  }
0x9d: {  	[timem:s6], [sflag:s22] =	dma.local [hbm:s4], s20  }
0x9e: {  	_ =	swait.ge [sflag:s22], s20  }
0x9f: {  	s3 =	ssub.s32 $0x0, s20;
	[sflag:s22] =	ssyncset.done $0x0  }
0xa0: {  	[sflag:s22] =	ssyncadd.s32 s3;
	_ =	sdelay $0x1  }
0xa1: {  	s23 =	simm.s32 $0x1B8B  }
0xa2: {  	_ =	swait.ge [sflag:s23], $0x1  }
0xa3: {  	[sflag:s23] =	ssyncset.done $0x0  }
0xa4: {  	s25 =	simm.s32 $0x1B8E;
	s24 =	sld [smem:$0x3FFE];
	[sflag:s23] =	ssyncadd.s32 $0xFFFFFFFF  }
0xa5: {  	s26 =	simm.s32 $execute0_lowered;
	[smem:$0x3FD2] =	sst s25  }
0xa6: {  	s4 =	sshll.u32 s26, $0x1;
	_ =	strace $0x80000049;
	[dreg:$0x1] =	wrdreg $0xFFFFFFFF  }
0xa7: {  	s28 =	simm.s32 $_size_execute0_lowered;
	s2 =	sadd.s32 s2, s4;
	[dreg:$0x0] =	wrdreg $0x0  }
0xa8: {  	s4 =	sshll.u32 s28, $0x1;
	[dreg:$0x2] =	wrdreg s2  }
0xa9: {  	[dreg:$0x3] =	wrdreg s4  }
0xaa: {  	[dreg:$0x4] =	wrdreg $0xC0  }
0xab: {  	_ =	task [dreg:s6], $0x5FFFF  }
0xac: {  	[dreg:$0x1] =	wrdreg $0xFFFFFFFF  }
0xad: {  	[dreg:$0x0] =	wrdreg $0x60  }
0xae: {  	[dreg:$0x2] =	wrdreg s24  }
0xaf: {  	[dreg:$0x3] =	wrdreg $0x9  }
0xb0: {  	_ =	task.clear_ibuf [dreg:s6], $0x4FFFF;
	_ =	strace $0x90000049  }
0xb1: {  	s29 =	simm.s32 $0x9;
	_ =	strace $0x8000004B  }
0xb2: {  	_ =	swait.ge [sflag:s29], $0x1  }
0xb3: {  	[sflag:s29] =	ssyncadd.s32 $0xFFFFFFFF  }
0xb4: {  	_ =	strace $0x9000004B  }
0xb5: {  	_ =	sfence  }
0xb6: {  	s30 =	sld [smem:$0x0];
	_ =	sdelay $0x2  }
0xb7: {  	s31 =	sshll.u32 s1, $0xD;
	s1 =	sshrl.u32 s1, $0x2  }
0xb8: {  	s3 =	sand.u32 $0x4000, s31;
	s1 =	sadd.s32 s1, s30  }
0xb9: {  	s0 =	sor.u32 s3, s0;
	s1 =	sshll.u32 s1, $0x11  }
0xba: {  	s0 =	sor.u32 s1, s0  }
0xbb: {  	s0 =	sadd.s32 $0x8F2B, s0  }
0xbc: {  	[sflag:s0] =	ssyncadd.remote.s32 $0x1  }
0xbd: {  	_ =	sfence.sel $0xFFFF  }
0xbe: {  	[dreg:$0x0] =	wrdreg $0xFFFFFFFF;
	(pc) =	sbr.abs _section_cstart, $3  }
0xbf: {  	[dreg:$0x1] =	wrdreg $0xFFFFFFFF  }
0xc0: {  	_ =	task.clear_ibuf [dreg:s6], $0x2FFFF;
	_ =	strace $0x9FFFFFFF  }
0xc1: {  	(tm) =	ssettm $0x7FFFFFFF  }
tec
execute0_lowered:
.L_overlay_start_1:
0x0: {  	(tag) =	ssettag $0x1  }
0x1: {  	s4 =	rddreg [dreg:$0x0]  }
0x2: {  	s0 =	stileid.u32;
	s1 =	rddreg [dreg:$0x1]  }
0x3: {  	s3 =	srdreg.scid;
	s12 =	simm.s32 $0x80;
	s13 =	simm.s32 $0x400  }
0x4: {  	s14 =	simm.s32 $0x3;
	s15 =	simm.s32 $0xB500;
	s16 =	simm.s32 $0x1  }
0x5: {  	s17 =	simm.s32 $0x2780;
	s18 =	simm.s32 $0x4F00;
	s19 =	simm.s32 $0x2  }
0x6: {  	s20 =	simm.s32 $0x0;
	s2 =	sshll.u32 s0, $0x1;
	s8 =	sshrl.u32 s0, $0x3  }
0x7: {  	s6 =	sand.u32 $0x1, s3;
	s5 =	sand.u32 $0xE, s2;
	s10 =	smul.u32 $0x4F000, s8  }
0x8: {  	s2 =	simm.s32 $0x0;
	s28 =	smul.u32 $0x4E200, s8;
	s25 =	sshrl.u32 s5, $0x3  }
0x9: {  	s7 =	sor.u32 s6, s5;
	s5 =	sshrl.u32 s5, $0x2;
	[smem:$0x7FF] =	sst s2  }
0xa: {  	s6 =	ssub.s32 $0x2, s6;
	s3 =	smul.u32 $0x13C00, s25;
	s9 =	sshll.u32 s7, $0x7  }
0xb: {  	s5 =	smul.u32 $0x13C00, s5;
	_ =	strace $0x8000004A;
	s7 =	sshll.u32 s7, $0x8  }
0xc: {  	s30 =	sshrl.u32 s6, $0x1;
	s31 =	sshrl.u32 s28, $0x3;
	s9 =	sand.u32 $0x380, s9  }
0xd: {  	s7 =	sand.u32 $0x300, s7;
	s11 =	ssub.s32 s6, s30;
	s6 =	sadd.s32 $0x3E80, s28  }
0xe: {  	s3 =	sor.u32 s3, s9;
	s5 =	sadd.s32 s10, s5;
	s10 =	smax.u32 s11, $0x1  }
0xf: {  	s11 =	simm.s32 $0x7680;
	s3 =	sshrl.u32 s3, $0x3;
	s5 =	sor.u32 s7, s5  }
0x10: {  	s26 =	sadd.s32 s3, s4;
	s3 =	sadd.s32 $0x3E00, s4;
	s5 =	sshrl.u32 s5, $0x3  }
0x11: {  	s7 =	sadd.s32 $0x7D00, s28;
	s29 =	sadd.s32 s5, s4;
	s4 =	sadd.s32 s3, s31  }
0x12: {  	v0 =	vimm.f32 $0.0e+00;
	s5 =	sadd.s32 $0x17800, s26;
	s8 =	sadd.s32 $0x1C800, s29;
	s9 =	sadd.s32 $0x1C810, s29  }
.LBB2_1:
0x13: {  	[tilespmem:s11], [sflag:$0x1] =	stream.linear.gather [hbm4b:s4+s2], $0x3E80, $0x38;
	[tilespmem:$0xF380] =	vst v63  }
0x14: {  	_ = 	snop  }
0x15: {  	[tilespmem:s2], [sflag:$0x3] =	stream.strided.gather [hbm4b:s5+s12], $0x2780, s13, s12, $0x38;
	[tilespmem:$0xF380] =	vst v63  }
0x16: {  	_ =	swait.ge [sflag:s14], $0x2780  }
0x17: {  	[sflag:s14] =	ssyncset.done $0x0  }
0x18: {  	s21 =	simm.s32 $0x27A0;
	[sflag:s14] =	ssyncadd.s32 $0xFFFFD880  }
0x19: {  	[tilespmem:s21+$0xFFFFFFE0] =	vst v0  }
0x1a: {  	[tilespmem:s21+$0x10] =	vst v0  }
0x1b: {  	s22 =	simm.s32 $0x0;
	[tilespmem:s21+$0x0] =	vst v0  }
.LBB2_2:
0x1c: {  	s22 =	sadd.s32 $0x4, s22  }
0x1d: {  	[tilespmem:s21+$0xFFFFFFF0] =	vst v0;
	s21 =	sadd.s32 $0x40, s21;
	p0 =	slt.u32 s22, $0x26C  }
.Ltmp0:
0x1e: {  	[tilespmem:s21+$0xFFFFFFE0] =	vst v0;
	(pc) =	sbr.rel @p0 .LBB2_2-.Ltmp0, $3  }
0x1f: {  	_ =	sdelay $0x1  }
0x20: {  	[tilespmem:s21+$0x10] =	vst v0  }
0x21: {  	[tilespmem:s21+$0x0] =	vst v0  }
0x22: {  	[tilespmem:s21+$0xFFFFFFF0] =	vst v0;
	s21 =	simm.s32 $0x0  }
.LBB2_4:
0x23: {  	p0 =	sne.s32 s21, $0x40  }
.Ltmp1:
0x24: {  	_ = 	snop;
	(pc) =	sbr.rel @p0 .LBB2_4-.Ltmp1, $3  }
0x25: {  	_ =	sdelay $0x1  }
0x26: {  	s22 =	sshra.s32 s21, $0x2  }
0x27: {  	s21 =	sadd.s32 $0x40, s21;
	[tilespmem:s22+$0x4E80] =	vst v0  }
0x28: {  	s21 =	simm.s32 $0x4F20  }
0x29: {  	[tilespmem:s21+$0xFFFFFFE0] =	vst v0  }
0x2a: {  	[tilespmem:s21+$0x10] =	vst v0  }
0x2b: {  	s22 =	simm.s32 $0x0;
	[tilespmem:s21+$0x0] =	vst v0  }
.LBB2_6:
0x2c: {  	s22 =	sadd.s32 $0x4, s22  }
0x2d: {  	[tilespmem:s21+$0xFFFFFFF0] =	vst v0;
	s21 =	sadd.s32 $0x40, s21;
	p0 =	slt.u32 s22, $0x26C  }
.Ltmp2:
0x2e: {  	[tilespmem:s21+$0xFFFFFFE0] =	vst v0;
	(pc) =	sbr.rel @p0 .LBB2_6-.Ltmp2, $3  }
0x2f: {  	_ =	sdelay $0x1  }
0x30: {  	[tilespmem:s21+$0x10] =	vst v0  }
0x31: {  	[tilespmem:s21+$0x0] =	vst v0  }
0x32: {  	[tilespmem:s21+$0xFFFFFFF0] =	vst v0;
	s21 =	simm.s32 $0x0;
	s22 =	simm.s32 $0x0  }
.LBB2_8:
0x33: {  	p0 =	sne.s32 s22, $0x40  }
.Ltmp3:
0x34: {  	_ = 	snop;
	(pc) =	sbr.rel @p0 .LBB2_8-.Ltmp3, $3  }
0x35: {  	_ =	sdelay $0x1  }
0x36: {  	s23 =	sshra.s32 s22, $0x2  }
0x37: {  	s22 =	sadd.s32 $0x40, s22;
	[tilespmem:s23+$0x7600] =	vst v0  }
.LBB2_9:
0x38: {  	s22 =	smul.u32 $0x7D00, s21;
	_ =	sdelay $0x1  }
0x39: {  	s23 =	sadd.s32 s22, s6  }
0x3a: {  	s23 =	sshrl.u32 s23, $0x3  }
0x3b: {  	s23 =	sadd.s32 s3, s23  }
0x3c: {  	[tilespmem:s15], [sflag:$0x2] =	stream.linear.gather [hbm4b:s23+s2], $0x3E80, $0x38;
	[tilespmem:$0xF380] =	vst v63  }
0x3d: {  	_ =	swait.ge [sflag:s16], $0x3E80  }
0x3e: {  	[sflag:s16] =	ssyncset.done $0x0  }
0x3f: {  	s31 =	simm.s32 $0x76C0;
	[sflag:s16] =	ssyncadd.s32 $0xFFFFC180  }
0x40: {  	v1 =	vld [tilespmem:s31+$0x30]  }
0x41: {  	v2 =	vld [tilespmem:s31+$0xFFFFFFD0]  }
0x42: {  	v3 =	vld [tilespmem:s31+$0xFFFFFFE0]  }
0x43: {  	v4 =	vld [tilespmem:s31+$0xFFFFFFF0]  }
0x44: {  	v5 =	vld [tilespmem:s31+$0x0]  }
0x45: {  	v6 =	vld [tilespmem:s31+$0x10];
	v7 =	vand.u32 $0xFFFF, v1  }
0x46: {  	v9 =	vld [tilespmem:s31+$0x20];
	v8 =	vand.u32 $0xFFFF, v2  }
0x47: {  	v12 =	vld [tilespmem:s31+$0xFFFFFFC0];
	v10 =	vand.u32 $0xFFFF, v3  }
0x48: {  	v11 =	vand.u32 $0xFFFF, v4  }
0x49: {  	v13 =	vand.u32 $0xFFFF, v5  }
0x4a: {  	v14 =	vand.u32 $0xFFFF, v6;
	v7 =	vld.idx.msk [tilespmem:v7+s2+$0x0], $0xffff  }
0x4b: {  	v15 =	vand.u32 $0xFFFF, v9;
	v8 =	vld.idx.msk [tilespmem:v8+s2+$0x0], $0xffff  }
0x4c: {  	v16 =	vand.u32 $0xFFFF, v12;
	v10 =	vld.idx.msk [tilespmem:v10+s2+$0x0], $0xffff  }
0x4d: {  	v1 =	vshrl.u32 v1, $0x10;
	v11 =	vld.idx.msk [tilespmem:v11+s2+$0x0], $0xffff  }
0x4e: {  	v13 =	vld.idx.msk [tilespmem:v13+s2+$0x0], $0xffff  }
0x4f: {  	v3 =	vshrl.u32 v3, $0x10;
	v14 =	vld.idx.msk [tilespmem:v14+s2+$0x0], $0xffff  }
0x50: {  	v2 =	vshrl.u32 v2, $0x10;
	v15 =	vld.idx.msk [tilespmem:v15+s2+$0x0], $0xffff  }
0x51: {  	v61 =	vld.idx.msk [tilespmem:v16+s2+$0x0], $0xffff;
	v17 =	vshll.u32 v7, $0x10  }
0x52: {  	v7 =	vand.u32 $0xFFFF0000, v7;
	[tilespmem:v1+s17+$0x0] =	vst.idx.add.f32.msk $0xffff, v17  }
0x53: {  	v62 =	vshll.u32 v10, $0x10;
	[tilespmem:v1+s18+$0x0] =	vst.idx.add.f32.msk $0xffff, v7;
	v1 =	vshrl.u32 v4, $0x10  }
0x54: {  	[tilespmem:v3+s17+$0x0] =	vst.idx.add.f32.msk $0xffff, v62;
	v4 =	vshll.u32 v8, $0x10  }
0x55: {  	v8 =	vand.u32 $0xFFFF0000, v8;
	[tilespmem:v2+s17+$0x0] =	vst.idx.add.f32.msk $0xffff, v4;
	v4 =	vshrl.u32 v12, $0x10  }
0x56: {  	[tilespmem:v2+s18+$0x0] =	vst.idx.add.f32.msk $0xffff, v8;
	v2 =	vand.u32 $0xFFFF0000, v10  }
0x57: {  	v5 =	vshrl.u32 v5, $0x10;
	v63 =	vshll.u32 v11, $0x10;
	[tilespmem:v3+s18+$0x0] =	vst.idx.add.f32.msk $0xffff, v2  }
0x58: {  	v2 =	vand.u32 $0xFFFF0000, v11;
	[tilespmem:v1+s17+$0x0] =	vst.idx.add.f32.msk $0xffff, v63  }
0x59: {  	v6 =	vshrl.u32 v6, $0x10;
	v3 =	vshll.u32 v61, $0x10;
	[tilespmem:v1+s18+$0x0] =	vst.idx.add.f32.msk $0xffff, v2  }
0x5a: {  	v1 =	vand.u32 $0xFFFF0000, v61;
	[tilespmem:v4+s17+$0x0] =	vst.idx.add.f32.msk $0xffff, v3  }
0x5b: {  	v2 =	vshll.u32 v13, $0x10;
	[tilespmem:v4+s18+$0x0] =	vst.idx.add.f32.msk $0xffff, v1  }
0x5c: {  	v1 =	vand.u32 $0xFFFF0000, v13;
	[tilespmem:v5+s17+$0x0] =	vst.idx.add.f32.msk $0xffff, v2  }
0x5d: {  	v2 =	vshll.u32 v14, $0x10;
	[tilespmem:v5+s18+$0x0] =	vst.idx.add.f32.msk $0xffff, v1  }
0x5e: {  	v4 =	vand.u32 $0xFFFF0000, v14;
	[tilespmem:v6+s17+$0x0] =	vst.idx.add.f32.msk $0xffff, v2  }
0x5f: {  	s24 =	simm.s32 $0x7740;
	s23 =	simm.s32 $0x0;
	v3 =	vshll.u32 v15, $0x10;
	v1 =	vshrl.u32 v9, $0x10;
	v2 =	vand.u32 $0xFFFF0000, v15;
	[tilespmem:v6+s18+$0x0] =	vst.idx.add.f32.msk $0xffff, v4  }
.LBB2_10:
0x60: {  	v4 =	vld [tilespmem:s24+$0x30]  }
0x61: {  	s23 =	sadd.s32 $0x8, s23;
	v5 =	vld [tilespmem:s24+$0xFFFFFFD0]  }
0x62: {  	p0 =	slt.u32 s23, $0x3E0;
	v6 =	vld [tilespmem:s24+$0xFFFFFFE0]  }
0x63: {  	v7 =	vld [tilespmem:s24+$0xFFFFFFF0]  }
0x64: {  	v8 =	vld [tilespmem:s24+$0x0]  }
0x65: {  	v9 =	vld [tilespmem:s24+$0x10];
	v10 =	vand.u32 $0xFFFF, v4  }
0x66: {  	v11 =	vshrl.u32 v5, $0x10;
	v5 =	vand.u32 $0xFFFF, v5;
	v12 =	vld [tilespmem:s24+$0x20]  }
0x67: {  	v13 =	vld [tilespmem:s24+$0xFFFFFFC0];
	v14 =	vshrl.u32 v6, $0x10;
	v6 =	vand.u32 $0xFFFF, v6  }
0x68: {  	v15 =	vshrl.u32 v7, $0x10;
	v7 =	vand.u32 $0xFFFF, v7;
	[tilespmem:v1+s17+$0x0] =	vst.idx.add.f32.msk $0xffff, v3  }
0x69: {  	v16 =	vshrl.u32 v8, $0x10;
	v3 =	vand.u32 $0xFFFF, v8;
	[tilespmem:v1+s18+$0x0] =	vst.idx.add.f32.msk $0xffff, v2  }
0x6a: {  	v8 =	vshrl.u32 v9, $0x10;
	v2 =	vand.u32 $0xFFFF, v9;
	v9 =	vld.idx.msk [tilespmem:v10+s2+$0x0], $0xffff  }
0x6b: {  	v5 =	vld.idx.msk [tilespmem:v5+s2+$0x0], $0xffff;
	v1 =	vshrl.u32 v12, $0x10;
	v10 =	vand.u32 $0xFFFF, v12  }
0x6c: {  	v4 =	vshrl.u32 v4, $0x10;
	v12 =	vshrl.u32 v13, $0x10;
	v13 =	vand.u32 $0xFFFF, v13;
	v6 =	vld.idx.msk [tilespmem:v6+s2+$0x0], $0xffff  }
0x6d: {  	v7 =	vld.idx.msk [tilespmem:v7+s2+$0x0], $0xffff  }
0x6e: {  	v3 =	vld.idx.msk [tilespmem:v3+s2+$0x0], $0xffff  }
0x6f: {  	v2 =	vld.idx.msk [tilespmem:v2+s2+$0x0], $0xffff  }
0x70: {  	v17 =	vshll.u32 v9, $0x10;
	v10 =	vld.idx.msk [tilespmem:v10+s2+$0x0], $0xffff  }
0x71: {  	v9 =	vand.u32 $0xFFFF0000, v9;
	v18 =	vshll.u32 v5, $0x10;
	v5 =	vand.u32 $0xFFFF0000, v5;
	[tilespmem:v4+s17+$0x0] =	vst.idx.add.f32.msk $0xffff, v17  }
0x72: {  	v17 =	vshll.u32 v6, $0x10;
	v6 =	vand.u32 $0xFFFF0000, v6;
	[tilespmem:v4+s18+$0x0] =	vst.idx.add.f32.msk $0xffff, v9  }
0x73: {  	v9 =	vshll.u32 v7, $0x10;
	v7 =	vand.u32 $0xFFFF0000, v7;
	v4 =	vld.idx.msk [tilespmem:v13+s2+$0x0], $0xffff  }
0x74: {  	v13 =	vshll.u32 v3, $0x10;
	[tilespmem:v11+s17+$0x0] =	vst.idx.add.f32.msk $0xffff, v18;
	v18 =	vand.u32 $0xFFFF0000, v3  }
0x75: {  	[tilespmem:v11+s18+$0x0] =	vst.idx.add.f32.msk $0xffff, v5;
	v5 =	vshll.u32 v2, $0x10;
	v11 =	vand.u32 $0xFFFF0000, v2  }
0x76: {  	v3 =	vshll.u32 v10, $0x10;
	v2 =	vand.u32 $0xFFFF0000, v10;
	[tilespmem:v14+s17+$0x0] =	vst.idx.add.f32.msk $0xffff, v17  }
0x77: {  	[tilespmem:v14+s18+$0x0] =	vst.idx.add.f32.msk $0xffff, v6  }
0x78: {  	[tilespmem:v15+s17+$0x0] =	vst.idx.add.f32.msk $0xffff, v9  }
0x79: {  	v6 =	vshll.u32 v4, $0x10;
	v4 =	vand.u32 $0xFFFF0000, v4;
	[tilespmem:v15+s18+$0x0] =	vst.idx.add.f32.msk $0xffff, v7  }
0x7a: {  	[tilespmem:v12+s17+$0x0] =	vst.idx.add.f32.msk $0xffff, v6  }
.Ltmp4:
0x7b: {  	[tilespmem:v12+s18+$0x0] =	vst.idx.add.f32.msk $0xffff, v4;
	(pc) =	sbr.rel @p0 .LBB2_10-.Ltmp4, $4  }
0x7c: {  	[tilespmem:v16+s17+$0x0] =	vst.idx.add.f32.msk $0xffff, v13  }
0x7d: {  	[tilespmem:v16+s18+$0x0] =	vst.idx.add.f32.msk $0xffff, v18  }
0x7e: {  	[tilespmem:v8+s17+$0x0] =	vst.idx.add.f32.msk $0xffff, v5  }
0x7f: {  	s24 =	sadd.s32 $0x80, s24;
	[tilespmem:v8+s18+$0x0] =	vst.idx.add.f32.msk $0xffff, v11  }
0x80: {  	_ =	sdelay $0x1  }
0x81: {  	p0 =	seq.s32 s21, $0x9  }
0x82: {  	s22 =	sadd.s32 @!p0 s22, s7  }
0x83: {  	[tilespmem:v1+s17+$0x0] =	vst.idx.add.f32.msk $0xffff, v3;
	s22 =	sshrl.u32 @!p0 s22, $0x3  }
0x84: {  	[tilespmem:v1+s18+$0x0] =	vst.idx.add.f32.msk $0xffff, v2;
	s23 =	simm.s32 @!p0 $0x0;
	s24 =	simm.s32 @!p0 $0x7680;
	s22 =	sadd.s32 @!p0 s3, s22  }
0x85: {  	[tilespmem:s24], [sflag:$0x1] =	stream.linear.gather @!p0 [hbm4b:s22+s23], $0x3E80, $0x38;
	[tilespmem:$0xF380] =	vst v63  }
0x86: {  	_ =	swait.ge [sflag:s19], $0x3E80  }
0x87: {  	[sflag:s19] =	ssyncset.done $0x0  }
0x88: {  	s31 =	simm.s32 $0xB540;
	[sflag:s19] =	ssyncadd.s32 $0xFFFFC180  }
0x89: {  	v1 =	vld [tilespmem:s31+$0x30]  }
0x8a: {  	v2 =	vld [tilespmem:s31+$0xFFFFFFD0]  }
0x8b: {  	v3 =	vld [tilespmem:s31+$0xFFFFFFE0]  }
0x8c: {  	v4 =	vld [tilespmem:s31+$0xFFFFFFF0]  }
0x8d: {  	v5 =	vld [tilespmem:s31+$0x0]  }
0x8e: {  	v6 =	vld [tilespmem:s31+$0x10];
	v7 =	vand.u32 $0xFFFF, v1  }
0x8f: {  	v9 =	vld [tilespmem:s31+$0x20];
	v8 =	vand.u32 $0xFFFF, v2  }
0x90: {  	v12 =	vld [tilespmem:s31+$0xFFFFFFC0];
	v10 =	vand.u32 $0xFFFF, v3  }
0x91: {  	v11 =	vand.u32 $0xFFFF, v4  }
0x92: {  	v13 =	vand.u32 $0xFFFF, v5  }
0x93: {  	v14 =	vand.u32 $0xFFFF, v6;
	v7 =	vld.idx.msk [tilespmem:v7+s2+$0x0], $0xffff  }
0x94: {  	v15 =	vand.u32 $0xFFFF, v9;
	v8 =	vld.idx.msk [tilespmem:v8+s2+$0x0], $0xffff  }
0x95: {  	v16 =	vand.u32 $0xFFFF, v12;
	v10 =	vld.idx.msk [tilespmem:v10+s2+$0x0], $0xffff  }
0x96: {  	v1 =	vshrl.u32 v1, $0x10;
	v11 =	vld.idx.msk [tilespmem:v11+s2+$0x0], $0xffff  }
0x97: {  	v13 =	vld.idx.msk [tilespmem:v13+s2+$0x0], $0xffff  }
0x98: {  	v3 =	vshrl.u32 v3, $0x10;
	v14 =	vld.idx.msk [tilespmem:v14+s2+$0x0], $0xffff  }
0x99: {  	v2 =	vshrl.u32 v2, $0x10;
	v15 =	vld.idx.msk [tilespmem:v15+s2+$0x0], $0xffff  }
0x9a: {  	v61 =	vld.idx.msk [tilespmem:v16+s2+$0x0], $0xffff;
	v17 =	vshll.u32 v7, $0x10  }
0x9b: {  	v7 =	vand.u32 $0xFFFF0000, v7;
	[tilespmem:v1+s17+$0x0] =	vst.idx.add.f32.msk $0xffff, v17  }
0x9c: {  	v62 =	vshll.u32 v10, $0x10;
	[tilespmem:v1+s18+$0x0] =	vst.idx.add.f32.msk $0xffff, v7;
	v1 =	vshrl.u32 v4, $0x10  }
0x9d: {  	[tilespmem:v3+s17+$0x0] =	vst.idx.add.f32.msk $0xffff, v62;
	v4 =	vshll.u32 v8, $0x10  }
0x9e: {  	v8 =	vand.u32 $0xFFFF0000, v8;
	[tilespmem:v2+s17+$0x0] =	vst.idx.add.f32.msk $0xffff, v4;
	v4 =	vshrl.u32 v12, $0x10  }
0x9f: {  	[tilespmem:v2+s18+$0x0] =	vst.idx.add.f32.msk $0xffff, v8;
	v2 =	vand.u32 $0xFFFF0000, v10  }
0xa0: {  	v5 =	vshrl.u32 v5, $0x10;
	v63 =	vshll.u32 v11, $0x10;
	[tilespmem:v3+s18+$0x0] =	vst.idx.add.f32.msk $0xffff, v2  }
0xa1: {  	v2 =	vand.u32 $0xFFFF0000, v11;
	[tilespmem:v1+s17+$0x0] =	vst.idx.add.f32.msk $0xffff, v63  }
0xa2: {  	v6 =	vshrl.u32 v6, $0x10;
	v3 =	vshll.u32 v61, $0x10;
	[tilespmem:v1+s18+$0x0] =	vst.idx.add.f32.msk $0xffff, v2  }
0xa3: {  	v1 =	vand.u32 $0xFFFF0000, v61;
	[tilespmem:v4+s17+$0x0] =	vst.idx.add.f32.msk $0xffff, v3  }
0xa4: {  	v2 =	vshll.u32 v13, $0x10;
	[tilespmem:v4+s18+$0x0] =	vst.idx.add.f32.msk $0xffff, v1  }
0xa5: {  	v1 =	vand.u32 $0xFFFF0000, v13;
	[tilespmem:v5+s17+$0x0] =	vst.idx.add.f32.msk $0xffff, v2  }
0xa6: {  	v2 =	vshll.u32 v14, $0x10;
	[tilespmem:v5+s18+$0x0] =	vst.idx.add.f32.msk $0xffff, v1  }
0xa7: {  	v4 =	vand.u32 $0xFFFF0000, v14;
	[tilespmem:v6+s17+$0x0] =	vst.idx.add.f32.msk $0xffff, v2  }
0xa8: {  	s22 =	simm.s32 $0x0;
	s23 =	simm.s32 $0xB5C0;
	v3 =	vshll.u32 v15, $0x10;
	v1 =	vshrl.u32 v9, $0x10;
	v2 =	vand.u32 $0xFFFF0000, v15;
	[tilespmem:v6+s18+$0x0] =	vst.idx.add.f32.msk $0xffff, v4  }
.LBB2_12:
0xa9: {  	v4 =	vld [tilespmem:s23+$0x30]  }
0xaa: {  	s22 =	sadd.s32 $0x8, s22;
	v5 =	vld [tilespmem:s23+$0xFFFFFFD0]  }
0xab: {  	p0 =	slt.u32 s22, $0x3E0;
	v6 =	vld [tilespmem:s23+$0xFFFFFFE0]  }
0xac: {  	v7 =	vld [tilespmem:s23+$0xFFFFFFF0]  }
0xad: {  	v8 =	vld [tilespmem:s23+$0x0]  }
0xae: {  	v9 =	vld [tilespmem:s23+$0x10];
	v10 =	vand.u32 $0xFFFF, v4  }
0xaf: {  	v11 =	vshrl.u32 v5, $0x10;
	v5 =	vand.u32 $0xFFFF, v5;
	v12 =	vld [tilespmem:s23+$0x20]  }
0xb0: {  	v13 =	vld [tilespmem:s23+$0xFFFFFFC0];
	v14 =	vshrl.u32 v6, $0x10;
	v6 =	vand.u32 $0xFFFF, v6  }
0xb1: {  	v15 =	vshrl.u32 v7, $0x10;
	v7 =	vand.u32 $0xFFFF, v7;
	[tilespmem:v1+s17+$0x0] =	vst.idx.add.f32.msk $0xffff, v3  }
0xb2: {  	v16 =	vshrl.u32 v8, $0x10;
	v3 =	vand.u32 $0xFFFF, v8;
	[tilespmem:v1+s18+$0x0] =	vst.idx.add.f32.msk $0xffff, v2  }
0xb3: {  	v8 =	vshrl.u32 v9, $0x10;
	v2 =	vand.u32 $0xFFFF, v9;
	v9 =	vld.idx.msk [tilespmem:v10+s2+$0x0], $0xffff  }
0xb4: {  	v5 =	vld.idx.msk [tilespmem:v5+s2+$0x0], $0xffff;
	v1 =	vshrl.u32 v12, $0x10;
	v10 =	vand.u32 $0xFFFF, v12  }
0xb5: {  	v4 =	vshrl.u32 v4, $0x10;
	v12 =	vshrl.u32 v13, $0x10;
	v13 =	vand.u32 $0xFFFF, v13;
	v6 =	vld.idx.msk [tilespmem:v6+s2+$0x0], $0xffff  }
0xb6: {  	v7 =	vld.idx.msk [tilespmem:v7+s2+$0x0], $0xffff  }
0xb7: {  	v3 =	vld.idx.msk [tilespmem:v3+s2+$0x0], $0xffff  }
0xb8: {  	v2 =	vld.idx.msk [tilespmem:v2+s2+$0x0], $0xffff  }
0xb9: {  	v17 =	vshll.u32 v9, $0x10;
	v10 =	vld.idx.msk [tilespmem:v10+s2+$0x0], $0xffff  }
0xba: {  	v9 =	vand.u32 $0xFFFF0000, v9;
	v18 =	vshll.u32 v5, $0x10;
	v5 =	vand.u32 $0xFFFF0000, v5;
	[tilespmem:v4+s17+$0x0] =	vst.idx.add.f32.msk $0xffff, v17  }
0xbb: {  	v17 =	vshll.u32 v6, $0x10;
	v6 =	vand.u32 $0xFFFF0000, v6;
	[tilespmem:v4+s18+$0x0] =	vst.idx.add.f32.msk $0xffff, v9  }
0xbc: {  	v9 =	vshll.u32 v7, $0x10;
	v7 =	vand.u32 $0xFFFF0000, v7;
	v4 =	vld.idx.msk [tilespmem:v13+s2+$0x0], $0xffff  }
0xbd: {  	v13 =	vshll.u32 v3, $0x10;
	[tilespmem:v11+s17+$0x0] =	vst.idx.add.f32.msk $0xffff, v18;
	v18 =	vand.u32 $0xFFFF0000, v3  }
0xbe: {  	[tilespmem:v11+s18+$0x0] =	vst.idx.add.f32.msk $0xffff, v5;
	v5 =	vshll.u32 v2, $0x10;
	v11 =	vand.u32 $0xFFFF0000, v2  }
0xbf: {  	v3 =	vshll.u32 v10, $0x10;
	v2 =	vand.u32 $0xFFFF0000, v10;
	[tilespmem:v14+s17+$0x0] =	vst.idx.add.f32.msk $0xffff, v17  }
0xc0: {  	[tilespmem:v14+s18+$0x0] =	vst.idx.add.f32.msk $0xffff, v6  }
0xc1: {  	[tilespmem:v15+s17+$0x0] =	vst.idx.add.f32.msk $0xffff, v9  }
0xc2: {  	v6 =	vshll.u32 v4, $0x10;
	v4 =	vand.u32 $0xFFFF0000, v4;
	[tilespmem:v15+s18+$0x0] =	vst.idx.add.f32.msk $0xffff, v7  }
0xc3: {  	[tilespmem:v12+s17+$0x0] =	vst.idx.add.f32.msk $0xffff, v6  }
.Ltmp5:
0xc4: {  	[tilespmem:v12+s18+$0x0] =	vst.idx.add.f32.msk $0xffff, v4;
	(pc) =	sbr.rel @p0 .LBB2_12-.Ltmp5, $4  }
0xc5: {  	[tilespmem:v16+s17+$0x0] =	vst.idx.add.f32.msk $0xffff, v13  }
0xc6: {  	[tilespmem:v16+s18+$0x0] =	vst.idx.add.f32.msk $0xffff, v18  }
0xc7: {  	[tilespmem:v8+s17+$0x0] =	vst.idx.add.f32.msk $0xffff, v5  }
0xc8: {  	s23 =	sadd.s32 $0x80, s23;
	[tilespmem:v8+s18+$0x0] =	vst.idx.add.f32.msk $0xffff, v11  }
0xc9: {  	s21 =	sadd.s32 $0x1, s21  }
0xca: {  	p0 =	sne.s32 s21, $0xA  }
.Ltmp6:
0xcb: {  	_ = 	snop;
	(pc) =	sbr.rel @p0 .LBB2_9-.Ltmp6, $3  }
0xcc: {  	_ =	sdelay $0x1  }
0xcd: {  	[tilespmem:v1+s17+$0x0] =	vst.idx.add.f32.msk $0xffff, v3  }
0xce: {  	[tilespmem:v1+s18+$0x0] =	vst.idx.add.f32.msk $0xffff, v2  }
0xcf: {  	[hbm4b:s8+s12] =	stream.strided.scatter [tilespmem:s17], [sflag:$0x3], $0x2780, s13, s12, $0x38;
	[tilespmem:$0xF380] =	vst v63  }
0xd0: {  	s20 =	sadd.s32 $0x1, s20;
	_ =	swait.ge [sflag:s14], $0x2780  }
0xd1: {  	p0 =	sne.s32 s20, s10;
	[sflag:s14] =	ssyncset.done $0x0  }
.Ltmp7:
0xd2: {  	[sflag:s14] =	ssyncadd.s32 $0xFFFFD880;
	(pc) =	sbr.rel @p0 .LBB2_1-.Ltmp7, $4  }
0xd3: {  	[hbm4b:s9+s12] =	stream.strided.scatter [tilespmem:s18], [sflag:$0x3], $0x2780, s13, s12, $0x38;
	[tilespmem:$0xF380] =	vst v63  }
0xd4: {  	_ =	swait.ge [sflag:s14], $0x2780  }
0xd5: {  	[sflag:s14] =	ssyncset.done $0x0  }
0xd6: {  	[sflag:s14] =	ssyncadd.s32 $0xFFFFD880  }
0xd7: {  	_ =	sfence.sel $0x180000  }
0xd8: {  	[bflag:$0x0] =	sbarrier.arrive $0xFFFF  }
0xd9: {  	p0 =	sne.s32 s0, $0x0;
	_ =	strace $0x9000004A  }
0xda: {  	s0 =	sadd.s32 @!p0 $0x100000, s1;
	[bflag:$0x2] =	sbarrier.arrive $0xFFFF  }
0xdb: {  	[sflag:s0] =	ssyncadd.tile.s32 @!p0 $0x1;
	_ =	shalt  }
.Lfunc_end2:
_tile_overlayer_lowered:
.L_overlay_start_2:
0xdc: {  	(tag) =	ssettag $0x2  }
0xdd: {  	s0 =	rddreg [dreg:$0x0];
	s2 =	stileid.u32  }
0xde: {  	s1 =	rddreg [dreg:$0x1];
	p0 =	sne.s32 s2, $0x0  }
0xdf: {  	s3 =	rddreg [dreg:$0x2];
	[bflag:$0x3] =	sbarrier.arrive $0xFFFF;
	s2 =	simm.s32 @!p0 $0x1C03  }
0xe0: {  	[timem:s3], [sflag:s2] =	dma.local @!p0 [hbm:s0], s1  }
0xe1: {  	s0 =	simm.s32 @!p0 $0x3  }
0xe2: {  	_ =	swait.ge @!p0 [sflag:s0], s1  }
0xe3: {  	s1 =	ssub.s32 @!p0 $0x0, s1;
	[sflag:s0] =	ssyncset.done @!p0 $0x0  }
0xe4: {  	[sflag:s0] =	ssyncadd.s32 @!p0 s1  }
0xe5: {  	[bflag:$0x3] =	sbarrier.arrive $0xFFFF  }
0xe6: {  	_ =	shalt  }

// kernel: kernel.16.cloned.1.call-start
scs
__scs_entry_jumppad:
0x0: {  	(pc) =	sbr.rel $0x88, $3  }
0x1: {  	(tag) =	ssettag $0x0;
	lr =	simm.s32 $0x1  }
0x2: {  	[smem:$0x3F94] =	sst lr;
	_ =	strace $0xD0000000  }
0x3: {  	_ = 	snop  }
0x4: {  	_ = 	snop  }
0x5: {  	_ = 	snop  }
0x6: {  	_ = 	snop  }
0x7: {  	_ = 	snop  }
__scs_overlays_trampoline_lowered:
0x8: {  	[smem:$0x3FA3] =	sst s0  }
0x9: {  	[smem:$0x3FA4] =	sst s1  }
0xa: {  	[smem:$0x3FA5] =	sst s2  }
0xb: {  	[smem:$0x3FA6] =	sst s3  }
0xc: {  	[smem:$0x3FA7] =	sst s4  }
0xd: {  	[smem:$0x3FA8] =	sst s5  }
0xe: {  	[smem:$0x3FA9] =	sst s6  }
0xf: {  	[smem:$0x3FAA] =	sst s7  }
0x10: {  	[smem:$0x3FAB] =	sst s8  }
0x11: {  	[smem:$0x3FAC] =	sst s9;
	s0 =	simm.s32 @!p0 $0x0  }
0x12: {  	s1 =	sld [smem:$0x3F92];
	s0 =	simm.s32 @p0 $0x1  }
0x13: {  	[smem:$0x3FAD] =	sst s0;
	s0 =	simm.s32 @!p1 $0x0  }
0x14: {  	s2 =	sld [smem:$0x3F91];
	s0 =	simm.s32 @p1 $0x1  }
0x15: {  	[smem:$0x3FAE] =	sst s0;
	s0 =	simm.s32 @!p2 $0x0  }
0x16: {  	s3 =	sld [smem:$0x3FDB];
	s0 =	simm.s32 @p2 $0x1  }
0x17: {  	s4 =	simm.s32 $0x1BF5;
	[smem:$0x3FB0] =	sst s0  }
0x18: {  	s0 =	sld [smem:$0x3F93];
	_ =	swait.ge [sflag:s4], $0x0  }
0x19: {  	s7 =	sld [smem:$0x3F94]  }
0x1a: {  	s8 =	sadd.s32 $0xFFFFE003, lr  }
0x1b: {  	s9 =	sadd.s32 $0xFFFFFEF7, lr;
	s5 =	simm.s32 $0xFFFFFFFF;
	p2 =	slt.u32 s8, $0xFFFFF086  }
0x1c: {  	p1 =	slt.u32 s9, $0xF7A;
	s5 =	simm.s32 @!p2 $0x0  }
0x1d: {  	s5 =	simm.s32 @p1 $0x1;
	p0 =	seq.s32 s7, s2  }
0x1e: {  	s7 =	smul.u32 @!p0 $0xF7A, s2;
	p2 =	seq.s32 @!p0 s5, $0x0  }
0x1f: {  	s9 =	smul.u32 $0xF7A, s1;
	s8 =	simm.s32 @!p0 $0x1BF5;
	p2 =	por !p2, p0  }
0x20: {  	[sflag:s8] =	ssyncset.s32 @!p0 $0xFFFFF086;
	s6 =	sadd.s32 @!p0 s3, s7;
	s7 =	simm.s32 @!p0 $0x108  }
0x21: {  	s3 =	sadd.s32 s3, s9;
	s6 =	sadd.s32 @!p0 $0x88, s6;
	s7 =	simm.s32 @p2 $0x1082  }
0x22: {  	[simem:s7], [sflag:s8] =	dma.local @!p0 [hbm:s6], $0xF7A  }
0x23: {  	s9 =	sor.u32 $0xD0000000, s2;
	s6 =	simm.s32 $0x108;
	_ =	swait.ge @!p0 [sflag:s8], $0x0  }
0x24: {  	s3 =	sadd.s32 $0x88, s3;
	s6 =	simm.s32 @!p1 $0x1082;
	[sflag:s4] =	ssyncset.s32 $0xFFFFF086  }
0x25: {  	[simem:s6], [sflag:s4] =	dma.local [hbm:s3], $0xF7A  }
0x26: {  	[smem:$0x3F94] =	sst s1;
	(tag) =	ssettag s2;
	_ =	strace s9  }
0x27: {  	s1 =	sld [smem:$0x3FA4]  }
0x28: {  	s2 =	sld [smem:$0x3FA5]  }
0x29: {  	s4 =	sld [smem:$0x3FA7]  }
0x2a: {  	p0 =	seq.s32 s5, $0x0;
	s5 =	sld [smem:$0x3FA8]  }
0x2b: {  	s6 =	sld [smem:$0x3FA9]  }
0x2c: {  	s7 =	sld [smem:$0x3FAA]  }
0x2d: {  	s3 =	simm.s32 $0x108;
	s8 =	sld [smem:$0x3FAB]  }
0x2e: {  	s3 =	simm.s32 @!p0 $0x1082;
	s9 =	sld [smem:$0x3FAC]  }
0x2f: {  	lr =	sadd.s32 s0, s3;
	s0 =	sld [smem:$0x3FA3]  }
0x30: {  	s3 =	sld [smem:$0x3FA6]  }
0x31: {  	[smem:$0x3FAF] =	sst s10  }
0x32: {  	s10 =	sld [smem:$0x3FAD];
	_ =	sdelay $0x3  }
0x33: {  	p0 =	seq.s32 s10, $0x1;
	s10 =	sld [smem:$0x3FAF];
	_ =	sdelay $0x3  }
0x34: {  	[smem:$0x3FAF] =	sst s10  }
0x35: {  	s10 =	sld [smem:$0x3FAE];
	_ =	sdelay $0x3  }
0x36: {  	p1 =	seq.s32 s10, $0x1;
	s10 =	sld [smem:$0x3FAF];
	_ =	sdelay $0x3  }
0x37: {  	[smem:$0x3FAF] =	sst s10  }
0x38: {  	s10 =	sld [smem:$0x3FB0]  }
0x39: {  	_ = 	snop;
	(pc) =	sbr.ind lr, $3  }
0x3a: {  	_ = 	snop  }
0x3b: {  	_ = 	snop  }
0x3c: {  	p2 =	seq.s32 s10, $0x1;
	s10 =	sld [smem:$0x3FAF]  }
0x3d: {  	_ =	shalt  }
0x3e: {  	_ =	shalt  }
0x3f: {  	_ =	shalt  }
0x40: {  	_ =	shalt  }
0x41: {  	_ =	shalt  }
0x42: {  	_ =	shalt  }
0x43: {  	_ =	shalt  }
0x44: {  	_ =	shalt  }
0x45: {  	_ =	shalt  }
0x46: {  	_ =	shalt  }
0x47: {  	_ =	shalt  }
0x48: {  	_ =	shalt  }
0x49: {  	_ =	shalt  }
0x4a: {  	_ =	shalt  }
0x4b: {  	_ =	shalt  }
0x4c: {  	_ =	shalt  }
0x4d: {  	_ =	shalt  }
0x4e: {  	_ =	shalt  }
0x4f: {  	_ =	shalt  }
0x50: {  	_ =	shalt  }
0x51: {  	_ =	shalt  }
0x52: {  	_ =	shalt  }
0x53: {  	_ =	shalt  }
0x54: {  	_ =	shalt  }
0x55: {  	_ =	shalt  }
0x56: {  	_ =	shalt  }
0x57: {  	_ =	shalt  }
0x58: {  	_ =	shalt  }
0x59: {  	_ =	shalt  }
0x5a: {  	_ =	shalt  }
0x5b: {  	_ =	shalt  }
0x5c: {  	_ =	shalt  }
0x5d: {  	_ =	shalt  }
0x5e: {  	_ =	shalt  }
0x5f: {  	_ =	shalt  }
0x60: {  	_ =	shalt  }
0x61: {  	_ =	shalt  }
0x62: {  	_ =	shalt  }
0x63: {  	_ =	shalt  }
0x64: {  	_ =	shalt  }
0x65: {  	_ =	shalt  }
0x66: {  	_ =	shalt  }
0x67: {  	_ =	shalt  }
0x68: {  	_ =	shalt  }
0x69: {  	_ =	shalt  }
0x6a: {  	_ =	shalt  }
0x6b: {  	_ =	shalt  }
0x6c: {  	_ =	shalt  }
0x6d: {  	_ =	shalt  }
0x6e: {  	_ =	shalt  }
0x6f: {  	_ =	shalt  }
0x70: {  	_ =	shalt  }
0x71: {  	_ =	shalt  }
0x72: {  	_ =	shalt  }
0x73: {  	_ =	shalt  }
0x74: {  	_ =	shalt  }
0x75: {  	_ =	shalt  }
0x76: {  	_ =	shalt  }
0x77: {  	_ =	shalt  }
0x78: {  	_ =	shalt  }
0x79: {  	_ =	shalt  }
0x7a: {  	_ =	shalt  }
0x7b: {  	_ =	shalt  }
0x7c: {  	_ =	shalt  }
0x7d: {  	_ =	shalt  }
0x7e: {  	_ =	shalt  }
0x7f: {  	_ =	shalt  }
0x80: {  	_ =	shalt  }
0x81: {  	_ =	shalt  }
0x82: {  	_ =	shalt  }
0x83: {  	_ =	shalt  }
0x84: {  	_ =	shalt  }
0x85: {  	_ =	shalt  }
0x86: {  	_ =	shalt  }
0x87: {  	_ =	shalt  }
.Lfunc_end0:
.L_simem_size_0:
called_computation.2_lowered:
.L_overlay_start_0:
0x88: {  	s2 =	sld [smem:$0x3FD9]  }
0x89: {  	s3 =	sld [smem:$0x3FFE];
	_ =	sdelay $0x1  }
0x8a: {  	s1 =	srdreg.scid  }
0x8b: {  	s0 =	sand.u32 $0x1, s1  }
0x8c: {  	s16 =	sshll.u32 s0, $0xA;
	s2 =	sadd.s32 s3, s2  }
0x8d: {  	s2 =	sadd.s32 s2, s16  }
0x8e: {  	[smem:$0x3FBB] =	sst s2  }
0x8f: {  	_ = 	snop  }
0x90: {  	(tm) =	ssettm $0x1  }
0x91: {  	s17 =	sld [smem:$0x3FFB];
	_ =	sdelay $0x3  }
0x92: {  	_ =	strace s17  }
0x93: {  	s2 =	sld [smem:$0x3FFC];
	_ =	sdelay $0x3  }
0x94: {  	_ =	strace s2  }
0x95: {  	s2 =	sld [smem:$0x3FFD];
	_ =	sdelay $0x3  }
0x96: {  	_ =	strace s2  }
0x97: {  	_ =	strace $0x8FFFFFFF  }
0x98: {  	s18 =	sld [smem:$0x3FDB];
	_ =	sdelay $0x1  }
0x99: {  	s19 =	simm.s32 $_scs_section_size  }
0x9a: {  	s4 =	simm.s32 $_size__tile_overlayer_lowered;
	s5 =	simm.s32 $_tile_overlayer_lowered  }
0x9b: {  	s22 =	simm.s32 $0x1BFF;
	s21 =	sshll.u32 s5, $0x1;
	s2 =	sadd.s32 s19, s18  }
0x9c: {  	s6 =	simm.s32 $0x0;
	s20 =	sshll.u32 s4, $0x1;
	s4 =	sadd.s32 s21, s2  }
0x9d: {  	[timem:s6], [sflag:s22] =	dma.local [hbm:s4], s20  }
0x9e: {  	_ =	swait.ge [sflag:s22], s20  }
0x9f: {  	s3 =	ssub.s32 $0x0, s20;
	[sflag:s22] =	ssyncset.done $0x0  }
0xa0: {  	[sflag:s22] =	ssyncadd.s32 s3;
	_ =	sdelay $0x1  }
0xa1: {  	s23 =	simm.s32 $0x1B8B  }
0xa2: {  	_ =	swait.ge [sflag:s23], $0x1  }
0xa3: {  	[sflag:s23] =	ssyncset.done $0x0  }
0xa4: {  	s25 =	simm.s32 $0x1B8E;
	s24 =	sld [smem:$0x3FFE];
	[sflag:s23] =	ssyncadd.s32 $0xFFFFFFFF  }
0xa5: {  	s26 =	simm.s32 $execute0_lowered;
	[smem:$0x3FD2] =	sst s25  }
0xa6: {  	s4 =	sshll.u32 s26, $0x1;
	_ =	strace $0x8000004C;
	[dreg:$0x1] =	wrdreg $0xFFFFFFFF  }
0xa7: {  	s28 =	simm.s32 $_size_execute0_lowered;
	s2 =	sadd.s32 s2, s4;
	[dreg:$0x0] =	wrdreg $0x0  }
0xa8: {  	s4 =	sshll.u32 s28, $0x1;
	[dreg:$0x2] =	wrdreg s2  }
0xa9: {  	[dreg:$0x3] =	wrdreg s4  }
0xaa: {  	[dreg:$0x4] =	wrdreg $0xC0  }
0xab: {  	_ =	task [dreg:s6], $0x5FFFF  }
0xac: {  	[dreg:$0x1] =	wrdreg $0xFFFFFFFF  }
0xad: {  	[dreg:$0x0] =	wrdreg $0x60  }
0xae: {  	[dreg:$0x2] =	wrdreg s24  }
0xaf: {  	[dreg:$0x3] =	wrdreg $0x9  }
0xb0: {  	_ =	task.clear_ibuf [dreg:s6], $0x4FFFF;
	_ =	strace $0x9000004C  }
0xb1: {  	s29 =	simm.s32 $0x9;
	_ =	strace $0x8000004E  }
0xb2: {  	_ =	swait.ge [sflag:s29], $0x1  }
0xb3: {  	[sflag:s29] =	ssyncadd.s32 $0xFFFFFFFF  }
0xb4: {  	_ =	strace $0x9000004E  }
0xb5: {  	_ =	sfence  }
0xb6: {  	s30 =	sld [smem:$0x0];
	_ =	sdelay $0x2  }
0xb7: {  	s31 =	sshll.u32 s1, $0xD;
	s1 =	sshrl.u32 s1, $0x2  }
0xb8: {  	s3 =	sand.u32 $0x4000, s31;
	s1 =	sadd.s32 s1, s30  }
0xb9: {  	s0 =	sor.u32 s3, s0;
	s1 =	sshll.u32 s1, $0x11  }
0xba: {  	s0 =	sor.u32 s1, s0  }
0xbb: {  	s0 =	sadd.s32 $0x8F2B, s0  }
0xbc: {  	[sflag:s0] =	ssyncadd.remote.s32 $0x1  }
0xbd: {  	_ =	sfence.sel $0xFFFF  }
0xbe: {  	[dreg:$0x0] =	wrdreg $0xFFFFFFFF;
	(pc) =	sbr.abs _section_cstart, $3  }
0xbf: {  	[dreg:$0x1] =	wrdreg $0xFFFFFFFF  }
0xc0: {  	_ =	task.clear_ibuf [dreg:s6], $0x2FFFF;
	_ =	strace $0x9FFFFFFF  }
0xc1: {  	(tm) =	ssettm $0x7FFFFFFF  }
tec
execute0_lowered:
.L_overlay_start_1:
0x0: {  	(tag) =	ssettag $0x1  }
0x1: {  	s4 =	rddreg [dreg:$0x0]  }
0x2: {  	s0 =	stileid.u32;
	s1 =	rddreg [dreg:$0x1]  }
0x3: {  	s3 =	srdreg.scid;
	s12 =	simm.s32 $0x80;
	s13 =	simm.s32 $0x400  }
0x4: {  	s14 =	simm.s32 $0x3;
	s15 =	simm.s32 $0xB500;
	s16 =	simm.s32 $0x1  }
0x5: {  	s17 =	simm.s32 $0x2780;
	s18 =	simm.s32 $0x4F00;
	s19 =	simm.s32 $0x2  }
0x6: {  	s20 =	simm.s32 $0x0;
	s2 =	sshll.u32 s0, $0x1;
	s8 =	sshrl.u32 s0, $0x3  }
0x7: {  	s6 =	sand.u32 $0x1, s3;
	s5 =	sand.u32 $0xE, s2;
	s10 =	smul.u32 $0x4F000, s8  }
0x8: {  	s2 =	simm.s32 $0x0;
	s28 =	smul.u32 $0x4E200, s8;
	s25 =	sshrl.u32 s5, $0x3  }
0x9: {  	s7 =	sor.u32 s6, s5;
	s5 =	sshrl.u32 s5, $0x2;
	[smem:$0x7FF] =	sst s2  }
0xa: {  	s6 =	ssub.s32 $0x2, s6;
	s3 =	smul.u32 $0x13C00, s25;
	s9 =	sshll.u32 s7, $0x7  }
0xb: {  	s5 =	smul.u32 $0x13C00, s5;
	_ =	strace $0x8000004D;
	s7 =	sshll.u32 s7, $0x8  }
0xc: {  	s30 =	sshrl.u32 s6, $0x1;
	s31 =	sshrl.u32 s28, $0x3;
	s9 =	sand.u32 $0x380, s9  }
0xd: {  	s7 =	sand.u32 $0x300, s7;
	s11 =	ssub.s32 s6, s30;
	s6 =	sadd.s32 $0x3E80, s28  }
0xe: {  	s3 =	sor.u32 s3, s9;
	s5 =	sadd.s32 s10, s5;
	s10 =	smax.u32 s11, $0x1  }
0xf: {  	s11 =	simm.s32 $0x7680;
	s3 =	sshrl.u32 s3, $0x3;
	s5 =	sor.u32 s7, s5  }
0x10: {  	s26 =	sadd.s32 s3, s4;
	s3 =	sadd.s32 $0x3E00, s4;
	s5 =	sshrl.u32 s5, $0x3  }
0x11: {  	s7 =	sadd.s32 $0x7D00, s28;
	s29 =	sadd.s32 s5, s4;
	s4 =	sadd.s32 s3, s31  }
0x12: {  	v0 =	vimm.f32 $0.0e+00;
	s5 =	sadd.s32 $0x17800, s26;
	s8 =	sadd.s32 $0x1C800, s29;
	s9 =	sadd.s32 $0x1C810, s29  }
.LBB2_1:
0x13: {  	[tilespmem:s11], [sflag:$0x1] =	stream.linear.gather [hbm4b:s4+s2], $0x3E80, $0x38;
	[tilespmem:$0xF380] =	vst v63  }
0x14: {  	_ = 	snop  }
0x15: {  	[tilespmem:s2], [sflag:$0x3] =	stream.strided.gather [hbm4b:s5+s12], $0x2780, s13, s12, $0x38;
	[tilespmem:$0xF380] =	vst v63  }
0x16: {  	_ =	swait.ge [sflag:s14], $0x2780  }
0x17: {  	[sflag:s14] =	ssyncset.done $0x0  }
0x18: {  	s21 =	simm.s32 $0x27A0;
	[sflag:s14] =	ssyncadd.s32 $0xFFFFD880  }
0x19: {  	[tilespmem:s21+$0xFFFFFFE0] =	vst v0  }
0x1a: {  	[tilespmem:s21+$0x10] =	vst v0  }
0x1b: {  	s22 =	simm.s32 $0x0;
	[tilespmem:s21+$0x0] =	vst v0  }
.LBB2_2:
0x1c: {  	s22 =	sadd.s32 $0x4, s22  }
0x1d: {  	[tilespmem:s21+$0xFFFFFFF0] =	vst v0;
	s21 =	sadd.s32 $0x40, s21;
	p0 =	slt.u32 s22, $0x26C  }
.Ltmp0:
0x1e: {  	[tilespmem:s21+$0xFFFFFFE0] =	vst v0;
	(pc) =	sbr.rel @p0 .LBB2_2-.Ltmp0, $3  }
0x1f: {  	_ =	sdelay $0x1  }
0x20: {  	[tilespmem:s21+$0x10] =	vst v0  }
0x21: {  	[tilespmem:s21+$0x0] =	vst v0  }
0x22: {  	[tilespmem:s21+$0xFFFFFFF0] =	vst v0;
	s21 =	simm.s32 $0x0  }
.LBB2_4:
0x23: {  	p0 =	sne.s32 s21, $0x40  }
.Ltmp1:
0x24: {  	_ = 	snop;
	(pc) =	sbr.rel @p0 .LBB2_4-.Ltmp1, $3  }
0x25: {  	_ =	sdelay $0x1  }
0x26: {  	s22 =	sshra.s32 s21, $0x2  }
0x27: {  	s21 =	sadd.s32 $0x40, s21;
	[tilespmem:s22+$0x4E80] =	vst v0  }
0x28: {  	s21 =	simm.s32 $0x4F20  }
0x29: {  	[tilespmem:s21+$0xFFFFFFE0] =	vst v0  }
0x2a: {  	[tilespmem:s21+$0x10] =	vst v0  }
0x2b: {  	s22 =	simm.s32 $0x0;
	[tilespmem:s21+$0x0] =	vst v0  }
.LBB2_6:
0x2c: {  	s22 =	sadd.s32 $0x4, s22  }
0x2d: {  	[tilespmem:s21+$0xFFFFFFF0] =	vst v0;
	s21 =	sadd.s32 $0x40, s21;
	p0 =	slt.u32 s22, $0x26C  }
.Ltmp2:
0x2e: {  	[tilespmem:s21+$0xFFFFFFE0] =	vst v0;
	(pc) =	sbr.rel @p0 .LBB2_6-.Ltmp2, $3  }
0x2f: {  	_ =	sdelay $0x1  }
0x30: {  	[tilespmem:s21+$0x10] =	vst v0  }
0x31: {  	[tilespmem:s21+$0x0] =	vst v0  }
0x32: {  	[tilespmem:s21+$0xFFFFFFF0] =	vst v0;
	s21 =	simm.s32 $0x0;
	s22 =	simm.s32 $0x0  }
.LBB2_8:
0x33: {  	p0 =	sne.s32 s22, $0x40  }
.Ltmp3:
0x34: {  	_ = 	snop;
	(pc) =	sbr.rel @p0 .LBB2_8-.Ltmp3, $3  }
0x35: {  	_ =	sdelay $0x1  }
0x36: {  	s23 =	sshra.s32 s22, $0x2  }
0x37: {  	s22 =	sadd.s32 $0x40, s22;
	[tilespmem:s23+$0x7600] =	vst v0  }
.LBB2_9:
0x38: {  	s22 =	smul.u32 $0x7D00, s21;
	_ =	sdelay $0x1  }
0x39: {  	s23 =	sadd.s32 s22, s6  }
0x3a: {  	s23 =	sshrl.u32 s23, $0x3  }
0x3b: {  	s23 =	sadd.s32 s3, s23  }
0x3c: {  	[tilespmem:s15], [sflag:$0x2] =	stream.linear.gather [hbm4b:s23+s2], $0x3E80, $0x38;
	[tilespmem:$0xF380] =	vst v63  }
0x3d: {  	_ =	swait.ge [sflag:s16], $0x3E80  }
0x3e: {  	[sflag:s16] =	ssyncset.done $0x0  }
0x3f: {  	s31 =	simm.s32 $0x76C0;
	[sflag:s16] =	ssyncadd.s32 $0xFFFFC180  }
0x40: {  	v1 =	vld [tilespmem:s31+$0x30]  }
0x41: {  	v2 =	vld [tilespmem:s31+$0xFFFFFFD0]  }
0x42: {  	v3 =	vld [tilespmem:s31+$0xFFFFFFE0]  }
0x43: {  	v4 =	vld [tilespmem:s31+$0xFFFFFFF0]  }
0x44: {  	v5 =	vld [tilespmem:s31+$0x0]  }
0x45: {  	v6 =	vld [tilespmem:s31+$0x10];
	v7 =	vand.u32 $0xFFFF, v1  }
0x46: {  	v9 =	vld [tilespmem:s31+$0x20];
	v8 =	vand.u32 $0xFFFF, v2  }
0x47: {  	v12 =	vld [tilespmem:s31+$0xFFFFFFC0];
	v10 =	vand.u32 $0xFFFF, v3  }
0x48: {  	v11 =	vand.u32 $0xFFFF, v4  }
0x49: {  	v13 =	vand.u32 $0xFFFF, v5  }
0x4a: {  	v14 =	vand.u32 $0xFFFF, v6;
	v7 =	vld.idx.msk [tilespmem:v7+s2+$0x0], $0xffff  }
0x4b: {  	v15 =	vand.u32 $0xFFFF, v9;
	v8 =	vld.idx.msk [tilespmem:v8+s2+$0x0], $0xffff  }
0x4c: {  	v16 =	vand.u32 $0xFFFF, v12;
	v10 =	vld.idx.msk [tilespmem:v10+s2+$0x0], $0xffff  }
0x4d: {  	v1 =	vshrl.u32 v1, $0x10;
	v11 =	vld.idx.msk [tilespmem:v11+s2+$0x0], $0xffff  }
0x4e: {  	v13 =	vld.idx.msk [tilespmem:v13+s2+$0x0], $0xffff  }
0x4f: {  	v3 =	vshrl.u32 v3, $0x10;
	v14 =	vld.idx.msk [tilespmem:v14+s2+$0x0], $0xffff  }
0x50: {  	v2 =	vshrl.u32 v2, $0x10;
	v15 =	vld.idx.msk [tilespmem:v15+s2+$0x0], $0xffff  }
0x51: {  	v61 =	vld.idx.msk [tilespmem:v16+s2+$0x0], $0xffff;
	v17 =	vshll.u32 v7, $0x10  }
0x52: {  	v7 =	vand.u32 $0xFFFF0000, v7;
	[tilespmem:v1+s17+$0x0] =	vst.idx.add.f32.msk $0xffff, v17  }
0x53: {  	v62 =	vshll.u32 v10, $0x10;
	[tilespmem:v1+s18+$0x0] =	vst.idx.add.f32.msk $0xffff, v7;
	v1 =	vshrl.u32 v4, $0x10  }
0x54: {  	[tilespmem:v3+s17+$0x0] =	vst.idx.add.f32.msk $0xffff, v62;
	v4 =	vshll.u32 v8, $0x10  }
0x55: {  	v8 =	vand.u32 $0xFFFF0000, v8;
	[tilespmem:v2+s17+$0x0] =	vst.idx.add.f32.msk $0xffff, v4;
	v4 =	vshrl.u32 v12, $0x10  }
0x56: {  	[tilespmem:v2+s18+$0x0] =	vst.idx.add.f32.msk $0xffff, v8;
	v2 =	vand.u32 $0xFFFF0000, v10  }
0x57: {  	v5 =	vshrl.u32 v5, $0x10;
	v63 =	vshll.u32 v11, $0x10;
	[tilespmem:v3+s18+$0x0] =	vst.idx.add.f32.msk $0xffff, v2  }
0x58: {  	v2 =	vand.u32 $0xFFFF0000, v11;
	[tilespmem:v1+s17+$0x0] =	vst.idx.add.f32.msk $0xffff, v63  }
0x59: {  	v6 =	vshrl.u32 v6, $0x10;
	v3 =	vshll.u32 v61, $0x10;
	[tilespmem:v1+s18+$0x0] =	vst.idx.add.f32.msk $0xffff, v2  }
0x5a: {  	v1 =	vand.u32 $0xFFFF0000, v61;
	[tilespmem:v4+s17+$0x0] =	vst.idx.add.f32.msk $0xffff, v3  }
0x5b: {  	v2 =	vshll.u32 v13, $0x10;
	[tilespmem:v4+s18+$0x0] =	vst.idx.add.f32.msk $0xffff, v1  }
0x5c: {  	v1 =	vand.u32 $0xFFFF0000, v13;
	[tilespmem:v5+s17+$0x0] =	vst.idx.add.f32.msk $0xffff, v2  }
0x5d: {  	v2 =	vshll.u32 v14, $0x10;
	[tilespmem:v5+s18+$0x0] =	vst.idx.add.f32.msk $0xffff, v1  }
0x5e: {  	v4 =	vand.u32 $0xFFFF0000, v14;
	[tilespmem:v6+s17+$0x0] =	vst.idx.add.f32.msk $0xffff, v2  }
0x5f: {  	s24 =	simm.s32 $0x7740;
	s23 =	simm.s32 $0x0;
	v3 =	vshll.u32 v15, $0x10;
	v1 =	vshrl.u32 v9, $0x10;
	v2 =	vand.u32 $0xFFFF0000, v15;
	[tilespmem:v6+s18+$0x0] =	vst.idx.add.f32.msk $0xffff, v4  }
.LBB2_10:
0x60: {  	v4 =	vld [tilespmem:s24+$0x30]  }
0x61: {  	s23 =	sadd.s32 $0x8, s23;
	v5 =	vld [tilespmem:s24+$0xFFFFFFD0]  }
0x62: {  	p0 =	slt.u32 s23, $0x3E0;
	v6 =	vld [tilespmem:s24+$0xFFFFFFE0]  }
0x63: {  	v7 =	vld [tilespmem:s24+$0xFFFFFFF0]  }
0x64: {  	v8 =	vld [tilespmem:s24+$0x0]  }
0x65: {  	v9 =	vld [tilespmem:s24+$0x10];
	v10 =	vand.u32 $0xFFFF, v4  }
0x66: {  	v11 =	vshrl.u32 v5, $0x10;
	v5 =	vand.u32 $0xFFFF, v5;
	v12 =	vld [tilespmem:s24+$0x20]  }
0x67: {  	v13 =	vld [tilespmem:s24+$0xFFFFFFC0];
	v14 =	vshrl.u32 v6, $0x10;
	v6 =	vand.u32 $0xFFFF, v6  }
0x68: {  	v15 =	vshrl.u32 v7, $0x10;
	v7 =	vand.u32 $0xFFFF, v7;
	[tilespmem:v1+s17+$0x0] =	vst.idx.add.f32.msk $0xffff, v3  }
0x69: {  	v16 =	vshrl.u32 v8, $0x10;
	v3 =	vand.u32 $0xFFFF, v8;
	[tilespmem:v1+s18+$0x0] =	vst.idx.add.f32.msk $0xffff, v2  }
0x6a: {  	v8 =	vshrl.u32 v9, $0x10;
	v2 =	vand.u32 $0xFFFF, v9;
	v9 =	vld.idx.msk [tilespmem:v10+s2+$0x0], $0xffff  }
0x6b: {  	v5 =	vld.idx.msk [tilespmem:v5+s2+$0x0], $0xffff;
	v1 =	vshrl.u32 v12, $0x10;
	v10 =	vand.u32 $0xFFFF, v12  }
0x6c: {  	v4 =	vshrl.u32 v4, $0x10;
	v12 =	vshrl.u32 v13, $0x10;
	v13 =	vand.u32 $0xFFFF, v13;
	v6 =	vld.idx.msk [tilespmem:v6+s2+$0x0], $0xffff  }
0x6d: {  	v7 =	vld.idx.msk [tilespmem:v7+s2+$0x0], $0xffff  }
0x6e: {  	v3 =	vld.idx.msk [tilespmem:v3+s2+$0x0], $0xffff  }
0x6f: {  	v2 =	vld.idx.msk [tilespmem:v2+s2+$0x0], $0xffff  }
0x70: {  	v17 =	vshll.u32 v9, $0x10;
	v10 =	vld.idx.msk [tilespmem:v10+s2+$0x0], $0xffff  }
0x71: {  	v9 =	vand.u32 $0xFFFF0000, v9;
	v18 =	vshll.u32 v5, $0x10;
	v5 =	vand.u32 $0xFFFF0000, v5;
	[tilespmem:v4+s17+$0x0] =	vst.idx.add.f32.msk $0xffff, v17  }
0x72: {  	v17 =	vshll.u32 v6, $0x10;
	v6 =	vand.u32 $0xFFFF0000, v6;
	[tilespmem:v4+s18+$0x0] =	vst.idx.add.f32.msk $0xffff, v9  }
0x73: {  	v9 =	vshll.u32 v7, $0x10;
	v7 =	vand.u32 $0xFFFF0000, v7;
	v4 =	vld.idx.msk [tilespmem:v13+s2+$0x0], $0xffff  }
0x74: {  	v13 =	vshll.u32 v3, $0x10;
	[tilespmem:v11+s17+$0x0] =	vst.idx.add.f32.msk $0xffff, v18;
	v18 =	vand.u32 $0xFFFF0000, v3  }
0x75: {  	[tilespmem:v11+s18+$0x0] =	vst.idx.add.f32.msk $0xffff, v5;
	v5 =	vshll.u32 v2, $0x10;
	v11 =	vand.u32 $0xFFFF0000, v2  }
0x76: {  	v3 =	vshll.u32 v10, $0x10;
	v2 =	vand.u32 $0xFFFF0000, v10;
	[tilespmem:v14+s17+$0x0] =	vst.idx.add.f32.msk $0xffff, v17  }
0x77: {  	[tilespmem:v14+s18+$0x0] =	vst.idx.add.f32.msk $0xffff, v6  }
0x78: {  	[tilespmem:v15+s17+$0x0] =	vst.idx.add.f32.msk $0xffff, v9  }
0x79: {  	v6 =	vshll.u32 v4, $0x10;
	v4 =	vand.u32 $0xFFFF0000, v4;
	[tilespmem:v15+s18+$0x0] =	vst.idx.add.f32.msk $0xffff, v7  }
0x7a: {  	[tilespmem:v12+s17+$0x0] =	vst.idx.add.f32.msk $0xffff, v6  }
.Ltmp4:
0x7b: {  	[tilespmem:v12+s18+$0x0] =	vst.idx.add.f32.msk $0xffff, v4;
	(pc) =	sbr.rel @p0 .LBB2_10-.Ltmp4, $4  }
0x7c: {  	[tilespmem:v16+s17+$0x0] =	vst.idx.add.f32.msk $0xffff, v13  }
0x7d: {  	[tilespmem:v16+s18+$0x0] =	vst.idx.add.f32.msk $0xffff, v18  }
0x7e: {  	[tilespmem:v8+s17+$0x0] =	vst.idx.add.f32.msk $0xffff, v5  }
0x7f: {  	s24 =	sadd.s32 $0x80, s24;
	[tilespmem:v8+s18+$0x0] =	vst.idx.add.f32.msk $0xffff, v11  }
0x80: {  	_ =	sdelay $0x1  }
0x81: {  	p0 =	seq.s32 s21, $0x9  }
0x82: {  	s22 =	sadd.s32 @!p0 s22, s7  }
0x83: {  	[tilespmem:v1+s17+$0x0] =	vst.idx.add.f32.msk $0xffff, v3;
	s22 =	sshrl.u32 @!p0 s22, $0x3  }
0x84: {  	[tilespmem:v1+s18+$0x0] =	vst.idx.add.f32.msk $0xffff, v2;
	s23 =	simm.s32 @!p0 $0x0;
	s24 =	simm.s32 @!p0 $0x7680;
	s22 =	sadd.s32 @!p0 s3, s22  }
0x85: {  	[tilespmem:s24], [sflag:$0x1] =	stream.linear.gather @!p0 [hbm4b:s22+s23], $0x3E80, $0x38;
	[tilespmem:$0xF380] =	vst v63  }
0x86: {  	_ =	swait.ge [sflag:s19], $0x3E80  }
0x87: {  	[sflag:s19] =	ssyncset.done $0x0  }
0x88: {  	s31 =	simm.s32 $0xB540;
	[sflag:s19] =	ssyncadd.s32 $0xFFFFC180  }
0x89: {  	v1 =	vld [tilespmem:s31+$0x30]  }
0x8a: {  	v2 =	vld [tilespmem:s31+$0xFFFFFFD0]  }
0x8b: {  	v3 =	vld [tilespmem:s31+$0xFFFFFFE0]  }
0x8c: {  	v4 =	vld [tilespmem:s31+$0xFFFFFFF0]  }
0x8d: {  	v5 =	vld [tilespmem:s31+$0x0]  }
0x8e: {  	v6 =	vld [tilespmem:s31+$0x10];
	v7 =	vand.u32 $0xFFFF, v1  }
0x8f: {  	v9 =	vld [tilespmem:s31+$0x20];
	v8 =	vand.u32 $0xFFFF, v2  }
0x90: {  	v12 =	vld [tilespmem:s31+$0xFFFFFFC0];
	v10 =	vand.u32 $0xFFFF, v3  }
0x91: {  	v11 =	vand.u32 $0xFFFF, v4  }
0x92: {  	v13 =	vand.u32 $0xFFFF, v5  }
0x93: {  	v14 =	vand.u32 $0xFFFF, v6;
	v7 =	vld.idx.msk [tilespmem:v7+s2+$0x0], $0xffff  }
0x94: {  	v15 =	vand.u32 $0xFFFF, v9;
	v8 =	vld.idx.msk [tilespmem:v8+s2+$0x0], $0xffff  }
0x95: {  	v16 =	vand.u32 $0xFFFF, v12;
	v10 =	vld.idx.msk [tilespmem:v10+s2+$0x0], $0xffff  }
0x96: {  	v1 =	vshrl.u32 v1, $0x10;
	v11 =	vld.idx.msk [tilespmem:v11+s2+$0x0], $0xffff  }
0x97: {  	v13 =	vld.idx.msk [tilespmem:v13+s2+$0x0], $0xffff  }
0x98: {  	v3 =	vshrl.u32 v3, $0x10;
	v14 =	vld.idx.msk [tilespmem:v14+s2+$0x0], $0xffff  }
0x99: {  	v2 =	vshrl.u32 v2, $0x10;
	v15 =	vld.idx.msk [tilespmem:v15+s2+$0x0], $0xffff  }
0x9a: {  	v61 =	vld.idx.msk [tilespmem:v16+s2+$0x0], $0xffff;
	v17 =	vshll.u32 v7, $0x10  }
0x9b: {  	v7 =	vand.u32 $0xFFFF0000, v7;
	[tilespmem:v1+s17+$0x0] =	vst.idx.add.f32.msk $0xffff, v17  }
0x9c: {  	v62 =	vshll.u32 v10, $0x10;
	[tilespmem:v1+s18+$0x0] =	vst.idx.add.f32.msk $0xffff, v7;
	v1 =	vshrl.u32 v4, $0x10  }
0x9d: {  	[tilespmem:v3+s17+$0x0] =	vst.idx.add.f32.msk $0xffff, v62;
	v4 =	vshll.u32 v8, $0x10  }
0x9e: {  	v8 =	vand.u32 $0xFFFF0000, v8;
	[tilespmem:v2+s17+$0x0] =	vst.idx.add.f32.msk $0xffff, v4;
	v4 =	vshrl.u32 v12, $0x10  }
0x9f: {  	[tilespmem:v2+s18+$0x0] =	vst.idx.add.f32.msk $0xffff, v8;
	v2 =	vand.u32 $0xFFFF0000, v10  }
0xa0: {  	v5 =	vshrl.u32 v5, $0x10;
	v63 =	vshll.u32 v11, $0x10;
	[tilespmem:v3+s18+$0x0] =	vst.idx.add.f32.msk $0xffff, v2  }
0xa1: {  	v2 =	vand.u32 $0xFFFF0000, v11;
	[tilespmem:v1+s17+$0x0] =	vst.idx.add.f32.msk $0xffff, v63  }
0xa2: {  	v6 =	vshrl.u32 v6, $0x10;
	v3 =	vshll.u32 v61, $0x10;
	[tilespmem:v1+s18+$0x0] =	vst.idx.add.f32.msk $0xffff, v2  }
0xa3: {  	v1 =	vand.u32 $0xFFFF0000, v61;
	[tilespmem:v4+s17+$0x0] =	vst.idx.add.f32.msk $0xffff, v3  }
0xa4: {  	v2 =	vshll.u32 v13, $0x10;
	[tilespmem:v4+s18+$0x0] =	vst.idx.add.f32.msk $0xffff, v1  }
0xa5: {  	v1 =	vand.u32 $0xFFFF0000, v13;
	[tilespmem:v5+s17+$0x0] =	vst.idx.add.f32.msk $0xffff, v2  }
0xa6: {  	v2 =	vshll.u32 v14, $0x10;
	[tilespmem:v5+s18+$0x0] =	vst.idx.add.f32.msk $0xffff, v1  }
0xa7: {  	v4 =	vand.u32 $0xFFFF0000, v14;
	[tilespmem:v6+s17+$0x0] =	vst.idx.add.f32.msk $0xffff, v2  }
0xa8: {  	s22 =	simm.s32 $0x0;
	s23 =	simm.s32 $0xB5C0;
	v3 =	vshll.u32 v15, $0x10;
	v1 =	vshrl.u32 v9, $0x10;
	v2 =	vand.u32 $0xFFFF0000, v15;
	[tilespmem:v6+s18+$0x0] =	vst.idx.add.f32.msk $0xffff, v4  }
.LBB2_12:
0xa9: {  	v4 =	vld [tilespmem:s23+$0x30]  }
0xaa: {  	s22 =	sadd.s32 $0x8, s22;
	v5 =	vld [tilespmem:s23+$0xFFFFFFD0]  }
0xab: {  	p0 =	slt.u32 s22, $0x3E0;
	v6 =	vld [tilespmem:s23+$0xFFFFFFE0]  }
0xac: {  	v7 =	vld [tilespmem:s23+$0xFFFFFFF0]  }
0xad: {  	v8 =	vld [tilespmem:s23+$0x0]  }
0xae: {  	v9 =	vld [tilespmem:s23+$0x10];
	v10 =	vand.u32 $0xFFFF, v4  }
0xaf: {  	v11 =	vshrl.u32 v5, $0x10;
	v5 =	vand.u32 $0xFFFF, v5;
	v12 =	vld [tilespmem:s23+$0x20]  }
0xb0: {  	v13 =	vld [tilespmem:s23+$0xFFFFFFC0];
	v14 =	vshrl.u32 v6, $0x10;
	v6 =	vand.u32 $0xFFFF, v6  }
0xb1: {  	v15 =	vshrl.u32 v7, $0x10;
	v7 =	vand.u32 $0xFFFF, v7;
	[tilespmem:v1+s17+$0x0] =	vst.idx.add.f32.msk $0xffff, v3  }
0xb2: {  	v16 =	vshrl.u32 v8, $0x10;
	v3 =	vand.u32 $0xFFFF, v8;
	[tilespmem:v1+s18+$0x0] =	vst.idx.add.f32.msk $0xffff, v2  }
0xb3: {  	v8 =	vshrl.u32 v9, $0x10;
	v2 =	vand.u32 $0xFFFF, v9;
	v9 =	vld.idx.msk [tilespmem:v10+s2+$0x0], $0xffff  }
0xb4: {  	v5 =	vld.idx.msk [tilespmem:v5+s2+$0x0], $0xffff;
	v1 =	vshrl.u32 v12, $0x10;
	v10 =	vand.u32 $0xFFFF, v12  }
0xb5: {  	v4 =	vshrl.u32 v4, $0x10;
	v12 =	vshrl.u32 v13, $0x10;
	v13 =	vand.u32 $0xFFFF, v13;
	v6 =	vld.idx.msk [tilespmem:v6+s2+$0x0], $0xffff  }
0xb6: {  	v7 =	vld.idx.msk [tilespmem:v7+s2+$0x0], $0xffff  }
0xb7: {  	v3 =	vld.idx.msk [tilespmem:v3+s2+$0x0], $0xffff  }
0xb8: {  	v2 =	vld.idx.msk [tilespmem:v2+s2+$0x0], $0xffff  }
0xb9: {  	v17 =	vshll.u32 v9, $0x10;
	v10 =	vld.idx.msk [tilespmem:v10+s2+$0x0], $0xffff  }
0xba: {  	v9 =	vand.u32 $0xFFFF0000, v9;
	v18 =	vshll.u32 v5, $0x10;
	v5 =	vand.u32 $0xFFFF0000, v5;
	[tilespmem:v4+s17+$0x0] =	vst.idx.add.f32.msk $0xffff, v17  }
0xbb: {  	v17 =	vshll.u32 v6, $0x10;
	v6 =	vand.u32 $0xFFFF0000, v6;
	[tilespmem:v4+s18+$0x0] =	vst.idx.add.f32.msk $0xffff, v9  }
0xbc: {  	v9 =	vshll.u32 v7, $0x10;
	v7 =	vand.u32 $0xFFFF0000, v7;
	v4 =	vld.idx.msk [tilespmem:v13+s2+$0x0], $0xffff  }
0xbd: {  	v13 =	vshll.u32 v3, $0x10;
	[tilespmem:v11+s17+$0x0] =	vst.idx.add.f32.msk $0xffff, v18;
	v18 =	vand.u32 $0xFFFF0000, v3  }
0xbe: {  	[tilespmem:v11+s18+$0x0] =	vst.idx.add.f32.msk $0xffff, v5;
	v5 =	vshll.u32 v2, $0x10;
	v11 =	vand.u32 $0xFFFF0000, v2  }
0xbf: {  	v3 =	vshll.u32 v10, $0x10;
	v2 =	vand.u32 $0xFFFF0000, v10;
	[tilespmem:v14+s17+$0x0] =	vst.idx.add.f32.msk $0xffff, v17  }
0xc0: {  	[tilespmem:v14+s18+$0x0] =	vst.idx.add.f32.msk $0xffff, v6  }
0xc1: {  	[tilespmem:v15+s17+$0x0] =	vst.idx.add.f32.msk $0xffff, v9  }
0xc2: {  	v6 =	vshll.u32 v4, $0x10;
	v4 =	vand.u32 $0xFFFF0000, v4;
	[tilespmem:v15+s18+$0x0] =	vst.idx.add.f32.msk $0xffff, v7  }
0xc3: {  	[tilespmem:v12+s17+$0x0] =	vst.idx.add.f32.msk $0xffff, v6  }
.Ltmp5:
0xc4: {  	[tilespmem:v12+s18+$0x0] =	vst.idx.add.f32.msk $0xffff, v4;
	(pc) =	sbr.rel @p0 .LBB2_12-.Ltmp5, $4  }
0xc5: {  	[tilespmem:v16+s17+$0x0] =	vst.idx.add.f32.msk $0xffff, v13  }
0xc6: {  	[tilespmem:v16+s18+$0x0] =	vst.idx.add.f32.msk $0xffff, v18  }
0xc7: {  	[tilespmem:v8+s17+$0x0] =	vst.idx.add.f32.msk $0xffff, v5  }
0xc8: {  	s23 =	sadd.s32 $0x80, s23;
	[tilespmem:v8+s18+$0x0] =	vst.idx.add.f32.msk $0xffff, v11  }
0xc9: {  	s21 =	sadd.s32 $0x1, s21  }
0xca: {  	p0 =	sne.s32 s21, $0xA  }
.Ltmp6:
0xcb: {  	_ = 	snop;
	(pc) =	sbr.rel @p0 .LBB2_9-.Ltmp6, $3  }
0xcc: {  	_ =	sdelay $0x1  }
0xcd: {  	[tilespmem:v1+s17+$0x0] =	vst.idx.add.f32.msk $0xffff, v3  }
0xce: {  	[tilespmem:v1+s18+$0x0] =	vst.idx.add.f32.msk $0xffff, v2  }
0xcf: {  	[hbm4b:s8+s12] =	stream.strided.scatter [tilespmem:s17], [sflag:$0x3], $0x2780, s13, s12, $0x38;
	[tilespmem:$0xF380] =	vst v63  }
0xd0: {  	s20 =	sadd.s32 $0x1, s20;
	_ =	swait.ge [sflag:s14], $0x2780  }
0xd1: {  	p0 =	sne.s32 s20, s10;
	[sflag:s14] =	ssyncset.done $0x0  }
.Ltmp7:
0xd2: {  	[sflag:s14] =	ssyncadd.s32 $0xFFFFD880;
	(pc) =	sbr.rel @p0 .LBB2_1-.Ltmp7, $4  }
0xd3: {  	[hbm4b:s9+s12] =	stream.strided.scatter [tilespmem:s18], [sflag:$0x3], $0x2780, s13, s12, $0x38;
	[tilespmem:$0xF380] =	vst v63  }
0xd4: {  	_ =	swait.ge [sflag:s14], $0x2780  }
0xd5: {  	[sflag:s14] =	ssyncset.done $0x0  }
0xd6: {  	[sflag:s14] =	ssyncadd.s32 $0xFFFFD880  }
0xd7: {  	_ =	sfence.sel $0x180000  }
0xd8: {  	[bflag:$0x0] =	sbarrier.arrive $0xFFFF  }
0xd9: {  	p0 =	sne.s32 s0, $0x0;
	_ =	strace $0x9000004D  }
0xda: {  	s0 =	sadd.s32 @!p0 $0x100000, s1;
	[bflag:$0x2] =	sbarrier.arrive $0xFFFF  }
0xdb: {  	[sflag:s0] =	ssyncadd.tile.s32 @!p0 $0x1;
	_ =	shalt  }
.Lfunc_end2:
_tile_overlayer_lowered:
.L_overlay_start_2:
0xdc: {  	(tag) =	ssettag $0x2  }
0xdd: {  	s0 =	rddreg [dreg:$0x0];
	s2 =	stileid.u32  }
0xde: {  	s1 =	rddreg [dreg:$0x1];
	p0 =	sne.s32 s2, $0x0  }
0xdf: {  	s3 =	rddreg [dreg:$0x2];
	[bflag:$0x3] =	sbarrier.arrive $0xFFFF;
	s2 =	simm.s32 @!p0 $0x1C03  }
0xe0: {  	[timem:s3], [sflag:s2] =	dma.local @!p0 [hbm:s0], s1  }
0xe1: {  	s0 =	simm.s32 @!p0 $0x3  }
0xe2: {  	_ =	swait.ge @!p0 [sflag:s0], s1  }
0xe3: {  	s1 =	ssub.s32 @!p0 $0x0, s1;
	[sflag:s0] =	ssyncset.done @!p0 $0x0  }
0xe4: {  	[sflag:s0] =	ssyncadd.s32 @!p0 s1  }
0xe5: {  	[bflag:$0x3] =	sbarrier.arrive $0xFFFF  }
0xe6: {  	_ =	shalt  }

// kernel: kernel.19.cloned.1.call-start
scs
__scs_entry_jumppad:
0x0: {  	(pc) =	sbr.rel $0x88, $3  }
0x1: {  	(tag) =	ssettag $0x0;
	lr =	simm.s32 $0x1  }
0x2: {  	[smem:$0x3F94] =	sst lr;
	_ =	strace $0xD0000000  }
0x3: {  	_ = 	snop  }
0x4: {  	_ = 	snop  }
0x5: {  	_ = 	snop  }
0x6: {  	_ = 	snop  }
0x7: {  	_ = 	snop  }
__scs_overlays_trampoline_lowered:
0x8: {  	[smem:$0x3FA3] =	sst s0  }
0x9: {  	[smem:$0x3FA4] =	sst s1  }
0xa: {  	[smem:$0x3FA5] =	sst s2  }
0xb: {  	[smem:$0x3FA6] =	sst s3  }
0xc: {  	[smem:$0x3FA7] =	sst s4  }
0xd: {  	[smem:$0x3FA8] =	sst s5  }
0xe: {  	[smem:$0x3FA9] =	sst s6  }
0xf: {  	[smem:$0x3FAA] =	sst s7  }
0x10: {  	[smem:$0x3FAB] =	sst s8  }
0x11: {  	[smem:$0x3FAC] =	sst s9;
	s0 =	simm.s32 @!p0 $0x0  }
0x12: {  	s1 =	sld [smem:$0x3F92];
	s0 =	simm.s32 @p0 $0x1  }
0x13: {  	[smem:$0x3FAD] =	sst s0;
	s0 =	simm.s32 @!p1 $0x0  }
0x14: {  	s2 =	sld [smem:$0x3F91];
	s0 =	simm.s32 @p1 $0x1  }
0x15: {  	[smem:$0x3FAE] =	sst s0;
	s0 =	simm.s32 @!p2 $0x0  }
0x16: {  	s3 =	sld [smem:$0x3FDB];
	s0 =	simm.s32 @p2 $0x1  }
0x17: {  	s4 =	simm.s32 $0x1BF5;
	[smem:$0x3FB0] =	sst s0  }
0x18: {  	s0 =	sld [smem:$0x3F93];
	_ =	swait.ge [sflag:s4], $0x0  }
0x19: {  	s7 =	sld [smem:$0x3F94]  }
0x1a: {  	s8 =	sadd.s32 $0xFFFFE003, lr  }
0x1b: {  	s9 =	sadd.s32 $0xFFFFFEF7, lr;
	s5 =	simm.s32 $0xFFFFFFFF;
	p2 =	slt.u32 s8, $0xFFFFF086  }
0x1c: {  	p1 =	slt.u32 s9, $0xF7A;
	s5 =	simm.s32 @!p2 $0x0  }
0x1d: {  	s5 =	simm.s32 @p1 $0x1;
	p0 =	seq.s32 s7, s2  }
0x1e: {  	s7 =	smul.u32 @!p0 $0xF7A, s2;
	p2 =	seq.s32 @!p0 s5, $0x0  }
0x1f: {  	s9 =	smul.u32 $0xF7A, s1;
	s8 =	simm.s32 @!p0 $0x1BF5;
	p2 =	por !p2, p0  }
0x20: {  	[sflag:s8] =	ssyncset.s32 @!p0 $0xFFFFF086;
	s6 =	sadd.s32 @!p0 s3, s7;
	s7 =	simm.s32 @!p0 $0x108  }
0x21: {  	s3 =	sadd.s32 s3, s9;
	s6 =	sadd.s32 @!p0 $0x88, s6;
	s7 =	simm.s32 @p2 $0x1082  }
0x22: {  	[simem:s7], [sflag:s8] =	dma.local @!p0 [hbm:s6], $0xF7A  }
0x23: {  	s9 =	sor.u32 $0xD0000000, s2;
	s6 =	simm.s32 $0x108;
	_ =	swait.ge @!p0 [sflag:s8], $0x0  }
0x24: {  	s3 =	sadd.s32 $0x88, s3;
	s6 =	simm.s32 @!p1 $0x1082;
	[sflag:s4] =	ssyncset.s32 $0xFFFFF086  }
0x25: {  	[simem:s6], [sflag:s4] =	dma.local [hbm:s3], $0xF7A  }
0x26: {  	[smem:$0x3F94] =	sst s1;
	(tag) =	ssettag s2;
	_ =	strace s9  }
0x27: {  	s1 =	sld [smem:$0x3FA4]  }
0x28: {  	s2 =	sld [smem:$0x3FA5]  }
0x29: {  	s4 =	sld [smem:$0x3FA7]  }
0x2a: {  	p0 =	seq.s32 s5, $0x0;
	s5 =	sld [smem:$0x3FA8]  }
0x2b: {  	s6 =	sld [smem:$0x3FA9]  }
0x2c: {  	s7 =	sld [smem:$0x3FAA]  }
0x2d: {  	s3 =	simm.s32 $0x108;
	s8 =	sld [smem:$0x3FAB]  }
0x2e: {  	s3 =	simm.s32 @!p0 $0x1082;
	s9 =	sld [smem:$0x3FAC]  }
0x2f: {  	lr =	sadd.s32 s0, s3;
	s0 =	sld [smem:$0x3FA3]  }
0x30: {  	s3 =	sld [smem:$0x3FA6]  }
0x31: {  	[smem:$0x3FAF] =	sst s10  }
0x32: {  	s10 =	sld [smem:$0x3FAD];
	_ =	sdelay $0x3  }
0x33: {  	p0 =	seq.s32 s10, $0x1;
	s10 =	sld [smem:$0x3FAF];
	_ =	sdelay $0x3  }
0x34: {  	[smem:$0x3FAF] =	sst s10  }
0x35: {  	s10 =	sld [smem:$0x3FAE];
	_ =	sdelay $0x3  }
0x36: {  	p1 =	seq.s32 s10, $0x1;
	s10 =	sld [smem:$0x3FAF];
	_ =	sdelay $0x3  }
0x37: {  	[smem:$0x3FAF] =	sst s10  }
0x38: {  	s10 =	sld [smem:$0x3FB0]  }
0x39: {  	_ = 	snop;
	(pc) =	sbr.ind lr, $3  }
0x3a: {  	_ = 	snop  }
0x3b: {  	_ = 	snop  }
0x3c: {  	p2 =	seq.s32 s10, $0x1;
	s10 =	sld [smem:$0x3FAF]  }
0x3d: {  	_ =	shalt  }
0x3e: {  	_ =	shalt  }
0x3f: {  	_ =	shalt  }
0x40: {  	_ =	shalt  }
0x41: {  	_ =	shalt  }
0x42: {  	_ =	shalt  }
0x43: {  	_ =	shalt  }
0x44: {  	_ =	shalt  }
0x45: {  	_ =	shalt  }
0x46: {  	_ =	shalt  }
0x47: {  	_ =	shalt  }
0x48: {  	_ =	shalt  }
0x49: {  	_ =	shalt  }
0x4a: {  	_ =	shalt  }
0x4b: {  	_ =	shalt  }
0x4c: {  	_ =	shalt  }
0x4d: {  	_ =	shalt  }
0x4e: {  	_ =	shalt  }
0x4f: {  	_ =	shalt  }
0x50: {  	_ =	shalt  }
0x51: {  	_ =	shalt  }
0x52: {  	_ =	shalt  }
0x53: {  	_ =	shalt  }
0x54: {  	_ =	shalt  }
0x55: {  	_ =	shalt  }
0x56: {  	_ =	shalt  }
0x57: {  	_ =	shalt  }
0x58: {  	_ =	shalt  }
0x59: {  	_ =	shalt  }
0x5a: {  	_ =	shalt  }
0x5b: {  	_ =	shalt  }
0x5c: {  	_ =	shalt  }
0x5d: {  	_ =	shalt  }
0x5e: {  	_ =	shalt  }
0x5f: {  	_ =	shalt  }
0x60: {  	_ =	shalt  }
0x61: {  	_ =	shalt  }
0x62: {  	_ =	shalt  }
0x63: {  	_ =	shalt  }
0x64: {  	_ =	shalt  }
0x65: {  	_ =	shalt  }
0x66: {  	_ =	shalt  }
0x67: {  	_ =	shalt  }
0x68: {  	_ =	shalt  }
0x69: {  	_ =	shalt  }
0x6a: {  	_ =	shalt  }
0x6b: {  	_ =	shalt  }
0x6c: {  	_ =	shalt  }
0x6d: {  	_ =	shalt  }
0x6e: {  	_ =	shalt  }
0x6f: {  	_ =	shalt  }
0x70: {  	_ =	shalt  }
0x71: {  	_ =	shalt  }
0x72: {  	_ =	shalt  }
0x73: {  	_ =	shalt  }
0x74: {  	_ =	shalt  }
0x75: {  	_ =	shalt  }
0x76: {  	_ =	shalt  }
0x77: {  	_ =	shalt  }
0x78: {  	_ =	shalt  }
0x79: {  	_ =	shalt  }
0x7a: {  	_ =	shalt  }
0x7b: {  	_ =	shalt  }
0x7c: {  	_ =	shalt  }
0x7d: {  	_ =	shalt  }
0x7e: {  	_ =	shalt  }
0x7f: {  	_ =	shalt  }
0x80: {  	_ =	shalt  }
0x81: {  	_ =	shalt  }
0x82: {  	_ =	shalt  }
0x83: {  	_ =	shalt  }
0x84: {  	_ =	shalt  }
0x85: {  	_ =	shalt  }
0x86: {  	_ =	shalt  }
0x87: {  	_ =	shalt  }
.Lfunc_end0:
.L_simem_size_0:
called_computation.3_lowered:
.L_overlay_start_0:
0x88: {  	s2 =	sld [smem:$0x3FD9]  }
0x89: {  	s3 =	sld [smem:$0x3FFE];
	_ =	sdelay $0x1  }
0x8a: {  	s1 =	srdreg.scid  }
0x8b: {  	s0 =	sand.u32 $0x1, s1  }
0x8c: {  	s16 =	sshll.u32 s0, $0xA;
	s2 =	sadd.s32 s3, s2  }
0x8d: {  	s2 =	sadd.s32 s2, s16  }
0x8e: {  	[smem:$0x3FBB] =	sst s2  }
0x8f: {  	_ = 	snop  }
0x90: {  	(tm) =	ssettm $0x1  }
0x91: {  	s17 =	sld [smem:$0x3FFB];
	_ =	sdelay $0x3  }
0x92: {  	_ =	strace s17  }
0x93: {  	s2 =	sld [smem:$0x3FFC];
	_ =	sdelay $0x3  }
0x94: {  	_ =	strace s2  }
0x95: {  	s2 =	sld [smem:$0x3FFD];
	_ =	sdelay $0x3  }
0x96: {  	_ =	strace s2  }
0x97: {  	_ =	strace $0x8FFFFFFF  }
0x98: {  	s18 =	sld [smem:$0x3FDB];
	_ =	sdelay $0x1  }
0x99: {  	s19 =	simm.s32 $_scs_section_size  }
0x9a: {  	s4 =	simm.s32 $_size__tile_overlayer_lowered;
	s5 =	simm.s32 $_tile_overlayer_lowered  }
0x9b: {  	s22 =	simm.s32 $0x1BFF;
	s21 =	sshll.u32 s5, $0x1;
	s2 =	sadd.s32 s19, s18  }
0x9c: {  	s6 =	simm.s32 $0x0;
	s20 =	sshll.u32 s4, $0x1;
	s4 =	sadd.s32 s21, s2  }
0x9d: {  	[timem:s6], [sflag:s22] =	dma.local [hbm:s4], s20  }
0x9e: {  	_ =	swait.ge [sflag:s22], s20  }
0x9f: {  	s3 =	ssub.s32 $0x0, s20;
	[sflag:s22] =	ssyncset.done $0x0  }
0xa0: {  	[sflag:s22] =	ssyncadd.s32 s3;
	_ =	sdelay $0x1  }
0xa1: {  	s23 =	simm.s32 $0x1B8B  }
0xa2: {  	_ =	swait.ge [sflag:s23], $0x1  }
0xa3: {  	[sflag:s23] =	ssyncset.done $0x0  }
0xa4: {  	s25 =	simm.s32 $0x1B8E;
	s24 =	sld [smem:$0x3FFE];
	[sflag:s23] =	ssyncadd.s32 $0xFFFFFFFF  }
0xa5: {  	s26 =	simm.s32 $execute0_lowered;
	[smem:$0x3FD2] =	sst s25  }
0xa6: {  	s4 =	sshll.u32 s26, $0x1;
	_ =	strace $0x8000004F;
	[dreg:$0x1] =	wrdreg $0xFFFFFFFF  }
0xa7: {  	s28 =	simm.s32 $_size_execute0_lowered;
	s2 =	sadd.s32 s2, s4;
	[dreg:$0x0] =	wrdreg $0x0  }
0xa8: {  	s4 =	sshll.u32 s28, $0x1;
	[dreg:$0x2] =	wrdreg s2  }
0xa9: {  	[dreg:$0x3] =	wrdreg s4  }
0xaa: {  	[dreg:$0x4] =	wrdreg $0xC0  }
0xab: {  	_ =	task [dreg:s6], $0x5FFFF  }
0xac: {  	[dreg:$0x1] =	wrdreg $0xFFFFFFFF  }
0xad: {  	[dreg:$0x0] =	wrdreg $0x60  }
0xae: {  	[dreg:$0x2] =	wrdreg s24  }
0xaf: {  	[dreg:$0x3] =	wrdreg $0x9  }
0xb0: {  	_ =	task.clear_ibuf [dreg:s6], $0x4FFFF;
	_ =	strace $0x9000004F  }
0xb1: {  	s29 =	simm.s32 $0x9;
	_ =	strace $0x80000051  }
0xb2: {  	_ =	swait.ge [sflag:s29], $0x1  }
0xb3: {  	[sflag:s29] =	ssyncadd.s32 $0xFFFFFFFF  }
0xb4: {  	_ =	strace $0x90000051  }
0xb5: {  	_ =	sfence  }
0xb6: {  	s30 =	sld [smem:$0x0];
	_ =	sdelay $0x2  }
0xb7: {  	s31 =	sshll.u32 s1, $0xD;
	s1 =	sshrl.u32 s1, $0x2  }
0xb8: {  	s3 =	sand.u32 $0x4000, s31;
	s1 =	sadd.s32 s1, s30  }
0xb9: {  	s0 =	sor.u32 s3, s0;
	s1 =	sshll.u32 s1, $0x11  }
0xba: {  	s0 =	sor.u32 s1, s0  }
0xbb: {  	s0 =	sadd.s32 $0x8F2B, s0  }
0xbc: {  	[sflag:s0] =	ssyncadd.remote.s32 $0x1  }
0xbd: {  	_ =	sfence.sel $0xFFFF  }
0xbe: {  	[dreg:$0x0] =	wrdreg $0xFFFFFFFF;
	(pc) =	sbr.abs _section_cstart, $3  }
0xbf: {  	[dreg:$0x1] =	wrdreg $0xFFFFFFFF  }
0xc0: {  	_ =	task.clear_ibuf [dreg:s6], $0x2FFFF;
	_ =	strace $0x9FFFFFFF  }
0xc1: {  	(tm) =	ssettm $0x7FFFFFFF  }
tec
execute0_lowered:
.L_overlay_start_1:
0x0: {  	(tag) =	ssettag $0x1  }
0x1: {  	s0 =	stileid.u32  }
0x2: {  	s1 =	srdreg.scid;
	s8 =	rddreg [dreg:$0x0]  }
0x3: {  	s17 =	simm.s32 $0x3;
	s18 =	simm.s32 $0x1;
	s19 =	simm.s32 $0x2780  }
0x4: {  	s20 =	simm.s32 $0x4F00;
	s21 =	simm.s32 $0x2;
	s22 =	simm.s32 $0x0  }
0x5: {  	s2 =	sshll.u32 s0, $0x1;
	s5 =	sand.u32 $0x1, s1;
	s1 =	rddreg [dreg:$0x1]  }
0x6: {  	s4 =	sadd.s32 $0x3E00, s8;
	s6 =	sadd.s32 $0x1A000, s8;
	s3 =	sand.u32 $0xE, s2  }
0x7: {  	p0 =	sgt.u32 s0, $0x7;
	s2 =	simm.s32 $0x0;
	s9 =	sor.u32 s5, s3  }
0x8: {  	s7 =	ssub.s32 $0x2, s5;
	[smem:$0x7FF] =	sst s2;
	s10 =	smul.u32 $0x3, s9  }
0x9: {  	s3 =	sadd.s32 $0x17800, s8;
	s12 =	sshrl.u32 s7, $0x1;
	s5 =	smul.u32 $0x9C40, s9  }
0xa: {  	s8 =	sadd.s32 $0x17810, s8;
	_ =	strace $0x80000050;
	s14 =	ssub.s32 s7, s12  }
0xb: {  	s15 =	smul.u32 $0x180, s9;
	s11 =	sadd.s32 $0x2, s10;
	s26 =	sshrl.u32 s5, $0x3  }
0xc: {  	s29 =	sshrl.u32 s10, $0x3;
	s9 =	sadd.s32 $0x3E80, s5;
	s13 =	sshrl.u32 s11, $0x3  }
0xd: {  	s15 =	sand.u32 $0x380, s15;
	s10 =	sadd.s32 $0x1, s10;
	s28 =	smul.u32 $0x13C00, s13  }
0xe: {  	s7 =	sadd.s32 s4, s26;
	s11 =	sshll.u32 s11, $0x7;
	s13 =	smul.u32 $0x13C00, s29  }
.Ltmp0:
0xf: {  	s30 =	sshrl.u32 s10, $0x3;
	s16 =	sshll.u32 s10, $0x7;
	(pc) =	sbr.rel .LBB2_1-.Ltmp0, $4  }
0x10: {  	s11 =	sand.u32 $0x380, s11;
	s13 =	sor.u32 s15, s13;
	s15 =	smul.u32 $0x13C00, s30  }
0x11: {  	s31 =	sand.u32 $0x380, s16;
	s16 =	simm.s32 $0x400;
	s13 =	sshrl.u32 s13, $0x3  }
0x12: {  	s10 =	sor.u32 s11, s28;
	s11 =	sadd.s32 s6, s13;
	s12 =	sor.u32 s31, s15  }
0x13: {  	v0 =	vimm.f32 $0.0e+00;
	s13 =	smax.u32 s14, $0x1;
	s14 =	simm.s32 $0x7680;
	s15 =	simm.s32 $0x80  }
.LBB2_35:
0x14: {  	s23 =	simm.s32 $0x2780;
	s24 =	smov.u32 s10  }
.LBB2_36:
0x15: {  	s22 =	sadd.s32 $0x1, s22  }
0x16: {  	s24 =	sshrl.u32 s24, $0x3;
	p1 =	sne.s32 s22, s13  }
.Ltmp1:
0x17: {  	s24 =	sadd.s32 s6, s24;
	(pc) =	sbr.rel @!p1 .LBB2_37-.Ltmp1, $4  }
0x18: {  	[hbm4b:s24+s15] =	stream.strided.scatter [tilespmem:s23], [sflag:$0x3], $0x2780, s16, s15, $0x38;
	[tilespmem:$0xB580] =	vst v63  }
0x19: {  	_ =	swait.ge [sflag:s17], $0x2780  }
0x1a: {  	[sflag:s17] =	ssyncset.done $0x0  }
0x1b: {  	[sflag:s17] =	ssyncadd.s32 $0xFFFFD880  }
.LBB2_1:
.Ltmp2:
0x1c: {  	(pc) =	sbr.rel @p0 .LBB2_21-.Ltmp2, $2  }
0x1d: {  	_ =	sdelay $0x2  }
0x1e: {  	[tilespmem:s14], [sflag:$0x1] =	stream.linear.gather [hbm4b:s7+s2], $0x1F40, $0x38;
	[tilespmem:$0xB580] =	vst v63  }
0x1f: {  	[tilespmem:s2], [sflag:$0x3] =	stream.strided.gather [hbm4b:s3+s15], $0x2780, s16, s15, $0x38;
	[tilespmem:$0xB580] =	vst v63  }
0x20: {  	_ =	swait.ge [sflag:s17], $0x2780  }
0x21: {  	[sflag:s17] =	ssyncset.done $0x0  }
0x22: {  	s23 =	simm.s32 $0x27A0;
	[sflag:s17] =	ssyncadd.s32 $0xFFFFD880  }
0x23: {  	[tilespmem:s23+$0xFFFFFFE0] =	vst v0  }
0x24: {  	[tilespmem:s23+$0x10] =	vst v0  }
0x25: {  	s24 =	simm.s32 $0x0;
	[tilespmem:s23+$0x0] =	vst v0  }
.LBB2_3:
0x26: {  	s24 =	sadd.s32 $0x4, s24  }
0x27: {  	[tilespmem:s23+$0xFFFFFFF0] =	vst v0;
	s23 =	sadd.s32 $0x40, s23;
	p1 =	slt.u32 s24, $0x26C  }
.Ltmp3:
0x28: {  	[tilespmem:s23+$0xFFFFFFE0] =	vst v0;
	(pc) =	sbr.rel @p1 .LBB2_3-.Ltmp3, $3  }
0x29: {  	_ =	sdelay $0x1  }
0x2a: {  	[tilespmem:s23+$0x10] =	vst v0  }
0x2b: {  	[tilespmem:s23+$0x0] =	vst v0  }
0x2c: {  	[tilespmem:s23+$0xFFFFFFF0] =	vst v0;
	s23 =	simm.s32 $0x0  }
.LBB2_5:
0x2d: {  	p1 =	sne.s32 s23, $0x40  }
.Ltmp4:
0x2e: {  	_ = 	snop;
	(pc) =	sbr.rel @p1 .LBB2_5-.Ltmp4, $3  }
0x2f: {  	_ =	sdelay $0x1  }
0x30: {  	s24 =	sshra.s32 s23, $0x2  }
0x31: {  	s23 =	sadd.s32 $0x40, s23;
	[tilespmem:s24+$0x4E80] =	vst v0  }
0x32: {  	s23 =	simm.s32 $0x4F20  }
0x33: {  	[tilespmem:s23+$0xFFFFFFE0] =	vst v0  }
0x34: {  	[tilespmem:s23+$0x10] =	vst v0  }
0x35: {  	s24 =	simm.s32 $0x0;
	[tilespmem:s23+$0x0] =	vst v0  }
.LBB2_7:
0x36: {  	s24 =	sadd.s32 $0x4, s24  }
0x37: {  	[tilespmem:s23+$0xFFFFFFF0] =	vst v0;
	s23 =	sadd.s32 $0x40, s23;
	p1 =	slt.u32 s24, $0x26C  }
.Ltmp5:
0x38: {  	[tilespmem:s23+$0xFFFFFFE0] =	vst v0;
	(pc) =	sbr.rel @p1 .LBB2_7-.Ltmp5, $3  }
0x39: {  	_ =	sdelay $0x1  }
0x3a: {  	[tilespmem:s23+$0x10] =	vst v0  }
0x3b: {  	[tilespmem:s23+$0x0] =	vst v0  }
0x3c: {  	[tilespmem:s23+$0xFFFFFFF0] =	vst v0;
	s23 =	simm.s32 $0x0;
	s24 =	simm.s32 $0x0  }
.LBB2_9:
0x3d: {  	p1 =	sne.s32 s24, $0x40  }
.Ltmp6:
0x3e: {  	_ = 	snop;
	(pc) =	sbr.rel @p1 .LBB2_9-.Ltmp6, $3  }
0x3f: {  	_ =	sdelay $0x1  }
0x40: {  	s25 =	sshra.s32 s24, $0x2  }
0x41: {  	s24 =	sadd.s32 $0x40, s24;
	[tilespmem:s25+$0x7600] =	vst v0  }
.Ltmp7:
0x42: {  	_ = 	snop;
	(pc) =	sbr.rel .LBB2_10-.Ltmp7, $1  }
0x43: {  	_ =	sdelay $0x3  }
.LBB2_19:
0x44: {  	s23 =	sadd.s32 $0x1, s23  }
0x45: {  	p1 =	sne.s32 s23, $0x3  }
.Ltmp8:
0x46: {  	_ = 	snop;
	(pc) =	sbr.rel @!p1 .LBB2_20-.Ltmp8, $1  }
0x47: {  	_ =	sdelay $0x3  }
.LBB2_10:
0x48: {  	s24 =	sshllo.u32 s23, $0x1  }
0x49: {  	p1 =	sgt.u32 s24, $0x4  }
0x4a: {  	s24 =	smul.u32 @!p1 $0x1F40, s24;
	_ =	sdelay $0x1  }
0x4b: {  	s24 =	sadd.s32 @!p1 s5, s24  }
0x4c: {  	s24 =	sshrl.u32 @!p1 s24, $0x3  }
0x4d: {  	s25 =	simm.s32 @!p1 $0x0;
	s26 =	simm.s32 @!p1 $0x9600;
	s24 =	sadd.s32 @!p1 s4, s24  }
0x4e: {  	[tilespmem:s26], [sflag:$0x2] =	stream.linear.gather @!p1 [hbm4b:s24+s25], $0x1F40, $0x38;
	[tilespmem:$0xB580] =	vst v63  }
0x4f: {  	_ =	swait.ge [sflag:s18], $0x1F40  }
0x50: {  	[sflag:s18] =	ssyncset.done $0x0  }
0x51: {  	s31 =	simm.s32 $0x76C0;
	[sflag:s18] =	ssyncadd.s32 $0xFFFFE0C0  }
0x52: {  	v1 =	vld [tilespmem:s31+$0x30]  }
0x53: {  	v2 =	vld [tilespmem:s31+$0xFFFFFFD0]  }
0x54: {  	v3 =	vld [tilespmem:s31+$0xFFFFFFE0]  }
0x55: {  	v4 =	vld [tilespmem:s31+$0xFFFFFFF0]  }
0x56: {  	v5 =	vld [tilespmem:s31+$0x0]  }
0x57: {  	v6 =	vld [tilespmem:s31+$0x10];
	v7 =	vand.u32 $0xFFFF, v1  }
0x58: {  	v9 =	vld [tilespmem:s31+$0x20];
	v8 =	vand.u32 $0xFFFF, v2  }
0x59: {  	v12 =	vld [tilespmem:s31+$0xFFFFFFC0];
	v10 =	vand.u32 $0xFFFF, v3  }
0x5a: {  	v11 =	vand.u32 $0xFFFF, v4  }
0x5b: {  	s24 =	simm.s32 $0x0;
	v13 =	vand.u32 $0xFFFF, v5  }
0x5c: {  	v14 =	vand.u32 $0xFFFF, v6;
	v7 =	vld.idx.msk [tilespmem:v7+s24+$0x0], $0xffff  }
0x5d: {  	v15 =	vand.u32 $0xFFFF, v9;
	v8 =	vld.idx.msk [tilespmem:v8+s24+$0x0], $0xffff  }
0x5e: {  	v16 =	vand.u32 $0xFFFF, v12;
	v10 =	vld.idx.msk [tilespmem:v10+s24+$0x0], $0xffff  }
0x5f: {  	v1 =	vshrl.u32 v1, $0x10;
	v11 =	vld.idx.msk [tilespmem:v11+s24+$0x0], $0xffff  }
0x60: {  	v13 =	vld.idx.msk [tilespmem:v13+s24+$0x0], $0xffff  }
0x61: {  	v3 =	vshrl.u32 v3, $0x10;
	v14 =	vld.idx.msk [tilespmem:v14+s24+$0x0], $0xffff  }
0x62: {  	v2 =	vshrl.u32 v2, $0x10;
	v15 =	vld.idx.msk [tilespmem:v15+s24+$0x0], $0xffff  }
0x63: {  	v61 =	vld.idx.msk [tilespmem:v16+s24+$0x0], $0xffff;
	v17 =	vshll.u32 v7, $0x10  }
0x64: {  	v7 =	vand.u32 $0xFFFF0000, v7;
	[tilespmem:v1+s19+$0x0] =	vst.idx.add.f32.msk $0xffff, v17  }
0x65: {  	v62 =	vshll.u32 v10, $0x10;
	[tilespmem:v1+s20+$0x0] =	vst.idx.add.f32.msk $0xffff, v7;
	v1 =	vshrl.u32 v4, $0x10  }
0x66: {  	[tilespmem:v3+s19+$0x0] =	vst.idx.add.f32.msk $0xffff, v62;
	v4 =	vshll.u32 v8, $0x10  }
0x67: {  	v8 =	vand.u32 $0xFFFF0000, v8;
	[tilespmem:v2+s19+$0x0] =	vst.idx.add.f32.msk $0xffff, v4;
	v4 =	vshrl.u32 v12, $0x10  }
0x68: {  	[tilespmem:v2+s20+$0x0] =	vst.idx.add.f32.msk $0xffff, v8;
	v2 =	vand.u32 $0xFFFF0000, v10  }
0x69: {  	v5 =	vshrl.u32 v5, $0x10;
	v63 =	vshll.u32 v11, $0x10;
	[tilespmem:v3+s20+$0x0] =	vst.idx.add.f32.msk $0xffff, v2  }
0x6a: {  	v2 =	vand.u32 $0xFFFF0000, v11;
	[tilespmem:v1+s19+$0x0] =	vst.idx.add.f32.msk $0xffff, v63  }
0x6b: {  	v6 =	vshrl.u32 v6, $0x10;
	v3 =	vshll.u32 v61, $0x10;
	[tilespmem:v1+s20+$0x0] =	vst.idx.add.f32.msk $0xffff, v2  }
0x6c: {  	v1 =	vand.u32 $0xFFFF0000, v61;
	[tilespmem:v4+s19+$0x0] =	vst.idx.add.f32.msk $0xffff, v3  }
0x6d: {  	v2 =	vshll.u32 v13, $0x10;
	[tilespmem:v4+s20+$0x0] =	vst.idx.add.f32.msk $0xffff, v1  }
0x6e: {  	v1 =	vand.u32 $0xFFFF0000, v13;
	[tilespmem:v5+s19+$0x0] =	vst.idx.add.f32.msk $0xffff, v2  }
0x6f: {  	v2 =	vshll.u32 v14, $0x10;
	[tilespmem:v5+s20+$0x0] =	vst.idx.add.f32.msk $0xffff, v1  }
0x70: {  	v4 =	vand.u32 $0xFFFF0000, v14;
	[tilespmem:v6+s19+$0x0] =	vst.idx.add.f32.msk $0xffff, v2  }
0x71: {  	s25 =	simm.s32 $0x0;
	s26 =	simm.s32 $0x7740;
	v3 =	vshll.u32 v15, $0x10;
	v1 =	vshrl.u32 v9, $0x10;
	v2 =	vand.u32 $0xFFFF0000, v15;
	[tilespmem:v6+s20+$0x0] =	vst.idx.add.f32.msk $0xffff, v4  }
.LBB2_11:
0x72: {  	v4 =	vld [tilespmem:s26+$0x30]  }
0x73: {  	s25 =	sadd.s32 $0x8, s25;
	v5 =	vld [tilespmem:s26+$0xFFFFFFD0]  }
0x74: {  	p2 =	slt.u32 s25, $0x1E8;
	v6 =	vld [tilespmem:s26+$0xFFFFFFE0]  }
0x75: {  	v7 =	vld [tilespmem:s26+$0xFFFFFFF0]  }
0x76: {  	v8 =	vld [tilespmem:s26+$0x0]  }
0x77: {  	v9 =	vld [tilespmem:s26+$0x10];
	v10 =	vand.u32 $0xFFFF, v4  }
0x78: {  	v11 =	vshrl.u32 v5, $0x10;
	v5 =	vand.u32 $0xFFFF, v5;
	v12 =	vld [tilespmem:s26+$0x20]  }
0x79: {  	v13 =	vld [tilespmem:s26+$0xFFFFFFC0];
	v14 =	vshrl.u32 v6, $0x10;
	v6 =	vand.u32 $0xFFFF, v6  }
0x7a: {  	v15 =	vshrl.u32 v7, $0x10;
	v7 =	vand.u32 $0xFFFF, v7;
	[tilespmem:v1+s19+$0x0] =	vst.idx.add.f32.msk $0xffff, v3  }
0x7b: {  	v16 =	vshrl.u32 v8, $0x10;
	v3 =	vand.u32 $0xFFFF, v8;
	[tilespmem:v1+s20+$0x0] =	vst.idx.add.f32.msk $0xffff, v2  }
0x7c: {  	v8 =	vshrl.u32 v9, $0x10;
	v2 =	vand.u32 $0xFFFF, v9;
	v9 =	vld.idx.msk [tilespmem:v10+s24+$0x0], $0xffff  }
0x7d: {  	v5 =	vld.idx.msk [tilespmem:v5+s24+$0x0], $0xffff;
	v1 =	vshrl.u32 v12, $0x10;
	v10 =	vand.u32 $0xFFFF, v12  }
0x7e: {  	v4 =	vshrl.u32 v4, $0x10;
	v12 =	vshrl.u32 v13, $0x10;
	v13 =	vand.u32 $0xFFFF, v13;
	v6 =	vld.idx.msk [tilespmem:v6+s24+$0x0], $0xffff  }
0x7f: {  	v7 =	vld.idx.msk [tilespmem:v7+s24+$0x0], $0xffff  }
0x80: {  	v3 =	vld.idx.msk [tilespmem:v3+s24+$0x0], $0xffff  }
0x81: {  	v2 =	vld.idx.msk [tilespmem:v2+s24+$0x0], $0xffff  }
0x82: {  	v17 =	vshll.u32 v9, $0x10;
	v10 =	vld.idx.msk [tilespmem:v10+s24+$0x0], $0xffff  }
0x83: {  	v9 =	vand.u32 $0xFFFF0000, v9;
	v18 =	vshll.u32 v5, $0x10;
	v5 =	vand.u32 $0xFFFF0000, v5;
	[tilespmem:v4+s19+$0x0] =	vst.idx.add.f32.msk $0xffff, v17  }
0x84: {  	v17 =	vshll.u32 v6, $0x10;
	v6 =	vand.u32 $0xFFFF0000, v6;
	[tilespmem:v4+s20+$0x0] =	vst.idx.add.f32.msk $0xffff, v9  }
0x85: {  	v9 =	vshll.u32 v7, $0x10;
	v7 =	vand.u32 $0xFFFF0000, v7;
	v4 =	vld.idx.msk [tilespmem:v13+s24+$0x0], $0xffff  }
0x86: {  	v13 =	vshll.u32 v3, $0x10;
	[tilespmem:v11+s19+$0x0] =	vst.idx.add.f32.msk $0xffff, v18;
	v18 =	vand.u32 $0xFFFF0000, v3  }
0x87: {  	[tilespmem:v11+s20+$0x0] =	vst.idx.add.f32.msk $0xffff, v5;
	v5 =	vshll.u32 v2, $0x10;
	v11 =	vand.u32 $0xFFFF0000, v2  }
0x88: {  	v3 =	vshll.u32 v10, $0x10;
	v2 =	vand.u32 $0xFFFF0000, v10;
	[tilespmem:v14+s19+$0x0] =	vst.idx.add.f32.msk $0xffff, v17  }
0x89: {  	[tilespmem:v14+s20+$0x0] =	vst.idx.add.f32.msk $0xffff, v6  }
0x8a: {  	[tilespmem:v15+s19+$0x0] =	vst.idx.add.f32.msk $0xffff, v9  }
0x8b: {  	v6 =	vshll.u32 v4, $0x10;
	v4 =	vand.u32 $0xFFFF0000, v4;
	[tilespmem:v15+s20+$0x0] =	vst.idx.add.f32.msk $0xffff, v7  }
0x8c: {  	[tilespmem:v12+s19+$0x0] =	vst.idx.add.f32.msk $0xffff, v6  }
.Ltmp9:
0x8d: {  	[tilespmem:v12+s20+$0x0] =	vst.idx.add.f32.msk $0xffff, v4;
	(pc) =	sbr.rel @p2 .LBB2_11-.Ltmp9, $4  }
0x8e: {  	[tilespmem:v16+s19+$0x0] =	vst.idx.add.f32.msk $0xffff, v13  }
0x8f: {  	[tilespmem:v16+s20+$0x0] =	vst.idx.add.f32.msk $0xffff, v18  }
0x90: {  	[tilespmem:v8+s19+$0x0] =	vst.idx.add.f32.msk $0xffff, v5  }
0x91: {  	s26 =	sadd.s32 $0x80, s26;
	[tilespmem:v8+s20+$0x0] =	vst.idx.add.f32.msk $0xffff, v11  }
0x92: {  	_ =	sdelay $0x3  }
0x93: {  	[tilespmem:v1+s19+$0x0] =	vst.idx.add.f32.msk $0xffff, v3  }
0x94: {  	[tilespmem:v1+s20+$0x0] =	vst.idx.add.f32.msk $0xffff, v2  }
.LBB2_13:
0x95: {  	s25 =	sshra.s32 s24, $0x2  }
0x96: {  	v1 =	vld [tilespmem:s25+$0x9580];
	_ =	sdelay $0x4  }
0x97: {  	v2 =	vand.u32 $0xFFFF, v1;
	_ =	sdelay $0x4  }
0x98: {  	v2 =	vld.idx.msk [tilespmem:v2+s2+$0x0], $0xffff  }
0x99: {  	v1 =	vshrl.u32 v1, $0x10  }
0x9a: {  	p2 =	sne.s32 s24, $0xC0  }
.Ltmp10:
0x9b: {  	_ = 	snop;
	(pc) =	sbr.rel @p2 .LBB2_13-.Ltmp10, $4  }
0x9c: {  	_ = 	snop  }
0x9d: {  	v3 =	vshll.u32 v2, $0x10  }
0x9e: {  	v2 =	vand.u32 $0xFFFF0000, v2;
	[tilespmem:v1+s19+$0x0] =	vst.idx.add.f32.msk $0xffff, v3  }
0x9f: {  	s24 =	sadd.s32 $0x40, s24;
	[tilespmem:v1+s20+$0x0] =	vst.idx.add.f32.msk $0xffff, v2  }
0xa0: {  	p2 =	seq.s32 s23, $0x2  }
0xa1: {  	s24 =	smul.u32 @!p2 $0x3E80, s23  }
.Ltmp11:
0xa2: {  	_ = 	snop;
	(pc) =	sbr.rel @p1 .LBB2_19-.Ltmp11, $4  }
0xa3: {  	s24 =	sadd.s32 @!p2 s24, s9  }
0xa4: {  	s24 =	sshrl.u32 @!p2 s24, $0x3  }
0xa5: {  	s25 =	simm.s32 @!p2 $0x0;
	s26 =	simm.s32 @!p2 $0x7680;
	s24 =	sadd.s32 @!p2 s4, s24  }
0xa6: {  	[tilespmem:s26], [sflag:$0x1] =	stream.linear.gather @!p2 [hbm4b:s24+s25], $0x1F40, $0x38;
	[tilespmem:$0xB580] =	vst v63  }
0xa7: {  	_ =	swait.ge [sflag:s21], $0x1F40  }
0xa8: {  	[sflag:s21] =	ssyncset.done $0x0  }
0xa9: {  	s24 =	simm.s32 $0x9640;
	[sflag:s21] =	ssyncadd.s32 $0xFFFFE0C0  }
0xaa: {  	v1 =	vld [tilespmem:s24+$0x30]  }
0xab: {  	v2 =	vld [tilespmem:s24+$0xFFFFFFD0]  }
0xac: {  	v3 =	vld [tilespmem:s24+$0xFFFFFFE0]  }
0xad: {  	v4 =	vld [tilespmem:s24+$0xFFFFFFF0]  }
0xae: {  	v5 =	vld [tilespmem:s24+$0x0]  }
0xaf: {  	v6 =	vld [tilespmem:s24+$0x10];
	v7 =	vand.u32 $0xFFFF, v1  }
0xb0: {  	v9 =	vld [tilespmem:s24+$0x20];
	v8 =	vand.u32 $0xFFFF, v2  }
0xb1: {  	v12 =	vld [tilespmem:s24+$0xFFFFFFC0];
	v10 =	vand.u32 $0xFFFF, v3  }
0xb2: {  	v11 =	vand.u32 $0xFFFF, v4  }
0xb3: {  	s24 =	simm.s32 $0x0;
	v13 =	vand.u32 $0xFFFF, v5  }
0xb4: {  	v14 =	vand.u32 $0xFFFF, v6;
	v7 =	vld.idx.msk [tilespmem:v7+s24+$0x0], $0xffff  }
0xb5: {  	v15 =	vand.u32 $0xFFFF, v9;
	v8 =	vld.idx.msk [tilespmem:v8+s24+$0x0], $0xffff  }
0xb6: {  	v16 =	vand.u32 $0xFFFF, v12;
	v10 =	vld.idx.msk [tilespmem:v10+s24+$0x0], $0xffff  }
0xb7: {  	v1 =	vshrl.u32 v1, $0x10;
	v11 =	vld.idx.msk [tilespmem:v11+s24+$0x0], $0xffff  }
0xb8: {  	v13 =	vld.idx.msk [tilespmem:v13+s24+$0x0], $0xffff  }
0xb9: {  	v3 =	vshrl.u32 v3, $0x10;
	v14 =	vld.idx.msk [tilespmem:v14+s24+$0x0], $0xffff  }
0xba: {  	v2 =	vshrl.u32 v2, $0x10;
	v15 =	vld.idx.msk [tilespmem:v15+s24+$0x0], $0xffff  }
0xbb: {  	v61 =	vld.idx.msk [tilespmem:v16+s24+$0x0], $0xffff;
	v17 =	vshll.u32 v7, $0x10  }
0xbc: {  	v7 =	vand.u32 $0xFFFF0000, v7;
	[tilespmem:v1+s19+$0x0] =	vst.idx.add.f32.msk $0xffff, v17  }
0xbd: {  	v62 =	vshll.u32 v10, $0x10;
	[tilespmem:v1+s20+$0x0] =	vst.idx.add.f32.msk $0xffff, v7;
	v1 =	vshrl.u32 v4, $0x10  }
0xbe: {  	[tilespmem:v3+s19+$0x0] =	vst.idx.add.f32.msk $0xffff, v62;
	v4 =	vshll.u32 v8, $0x10  }
0xbf: {  	v8 =	vand.u32 $0xFFFF0000, v8;
	[tilespmem:v2+s19+$0x0] =	vst.idx.add.f32.msk $0xffff, v4;
	v4 =	vshrl.u32 v12, $0x10  }
0xc0: {  	[tilespmem:v2+s20+$0x0] =	vst.idx.add.f32.msk $0xffff, v8;
	v2 =	vand.u32 $0xFFFF0000, v10  }
0xc1: {  	v5 =	vshrl.u32 v5, $0x10;
	v63 =	vshll.u32 v11, $0x10;
	[tilespmem:v3+s20+$0x0] =	vst.idx.add.f32.msk $0xffff, v2  }
0xc2: {  	v2 =	vand.u32 $0xFFFF0000, v11;
	[tilespmem:v1+s19+$0x0] =	vst.idx.add.f32.msk $0xffff, v63  }
0xc3: {  	v6 =	vshrl.u32 v6, $0x10;
	v3 =	vshll.u32 v61, $0x10;
	[tilespmem:v1+s20+$0x0] =	vst.idx.add.f32.msk $0xffff, v2  }
0xc4: {  	v1 =	vand.u32 $0xFFFF0000, v61;
	[tilespmem:v4+s19+$0x0] =	vst.idx.add.f32.msk $0xffff, v3  }
0xc5: {  	v2 =	vshll.u32 v13, $0x10;
	[tilespmem:v4+s20+$0x0] =	vst.idx.add.f32.msk $0xffff, v1  }
0xc6: {  	v1 =	vand.u32 $0xFFFF0000, v13;
	[tilespmem:v5+s19+$0x0] =	vst.idx.add.f32.msk $0xffff, v2  }
0xc7: {  	v2 =	vshll.u32 v14, $0x10;
	[tilespmem:v5+s20+$0x0] =	vst.idx.add.f32.msk $0xffff, v1  }
0xc8: {  	v4 =	vand.u32 $0xFFFF0000, v14;
	[tilespmem:v6+s19+$0x0] =	vst.idx.add.f32.msk $0xffff, v2  }
0xc9: {  	s25 =	simm.s32 $0x0;
	s26 =	simm.s32 $0x96C0;
	v3 =	vshll.u32 v15, $0x10;
	v1 =	vshrl.u32 v9, $0x10;
	v2 =	vand.u32 $0xFFFF0000, v15;
	[tilespmem:v6+s20+$0x0] =	vst.idx.add.f32.msk $0xffff, v4  }
.LBB2_16:
0xca: {  	v4 =	vld [tilespmem:s26+$0x30]  }
0xcb: {  	s25 =	sadd.s32 $0x8, s25;
	v5 =	vld [tilespmem:s26+$0xFFFFFFD0]  }
0xcc: {  	p1 =	slt.u32 s25, $0x1E8;
	v6 =	vld [tilespmem:s26+$0xFFFFFFE0]  }
0xcd: {  	v7 =	vld [tilespmem:s26+$0xFFFFFFF0]  }
0xce: {  	v8 =	vld [tilespmem:s26+$0x0]  }
0xcf: {  	v9 =	vld [tilespmem:s26+$0x10];
	v10 =	vand.u32 $0xFFFF, v4  }
0xd0: {  	v11 =	vshrl.u32 v5, $0x10;
	v5 =	vand.u32 $0xFFFF, v5;
	v12 =	vld [tilespmem:s26+$0x20]  }
0xd1: {  	v13 =	vld [tilespmem:s26+$0xFFFFFFC0];
	v14 =	vshrl.u32 v6, $0x10;
	v6 =	vand.u32 $0xFFFF, v6  }
0xd2: {  	v15 =	vshrl.u32 v7, $0x10;
	v7 =	vand.u32 $0xFFFF, v7;
	[tilespmem:v1+s19+$0x0] =	vst.idx.add.f32.msk $0xffff, v3  }
0xd3: {  	v16 =	vshrl.u32 v8, $0x10;
	v3 =	vand.u32 $0xFFFF, v8;
	[tilespmem:v1+s20+$0x0] =	vst.idx.add.f32.msk $0xffff, v2  }
0xd4: {  	v8 =	vshrl.u32 v9, $0x10;
	v2 =	vand.u32 $0xFFFF, v9;
	v9 =	vld.idx.msk [tilespmem:v10+s24+$0x0], $0xffff  }
0xd5: {  	v5 =	vld.idx.msk [tilespmem:v5+s24+$0x0], $0xffff;
	v1 =	vshrl.u32 v12, $0x10;
	v10 =	vand.u32 $0xFFFF, v12  }
0xd6: {  	v4 =	vshrl.u32 v4, $0x10;
	v12 =	vshrl.u32 v13, $0x10;
	v13 =	vand.u32 $0xFFFF, v13;
	v6 =	vld.idx.msk [tilespmem:v6+s24+$0x0], $0xffff  }
0xd7: {  	v7 =	vld.idx.msk [tilespmem:v7+s24+$0x0], $0xffff  }
0xd8: {  	v3 =	vld.idx.msk [tilespmem:v3+s24+$0x0], $0xffff  }
0xd9: {  	v2 =	vld.idx.msk [tilespmem:v2+s24+$0x0], $0xffff  }
0xda: {  	v17 =	vshll.u32 v9, $0x10;
	v10 =	vld.idx.msk [tilespmem:v10+s24+$0x0], $0xffff  }
0xdb: {  	v9 =	vand.u32 $0xFFFF0000, v9;
	v18 =	vshll.u32 v5, $0x10;
	v5 =	vand.u32 $0xFFFF0000, v5;
	[tilespmem:v4+s19+$0x0] =	vst.idx.add.f32.msk $0xffff, v17  }
0xdc: {  	v17 =	vshll.u32 v6, $0x10;
	v6 =	vand.u32 $0xFFFF0000, v6;
	[tilespmem:v4+s20+$0x0] =	vst.idx.add.f32.msk $0xffff, v9  }
0xdd: {  	v9 =	vshll.u32 v7, $0x10;
	v7 =	vand.u32 $0xFFFF0000, v7;
	v4 =	vld.idx.msk [tilespmem:v13+s24+$0x0], $0xffff  }
0xde: {  	v13 =	vshll.u32 v3, $0x10;
	[tilespmem:v11+s19+$0x0] =	vst.idx.add.f32.msk $0xffff, v18;
	v18 =	vand.u32 $0xFFFF0000, v3  }
0xdf: {  	[tilespmem:v11+s20+$0x0] =	vst.idx.add.f32.msk $0xffff, v5;
	v5 =	vshll.u32 v2, $0x10;
	v11 =	vand.u32 $0xFFFF0000, v2  }
0xe0: {  	v3 =	vshll.u32 v10, $0x10;
	v2 =	vand.u32 $0xFFFF0000, v10;
	[tilespmem:v14+s19+$0x0] =	vst.idx.add.f32.msk $0xffff, v17  }
0xe1: {  	[tilespmem:v14+s20+$0x0] =	vst.idx.add.f32.msk $0xffff, v6  }
0xe2: {  	[tilespmem:v15+s19+$0x0] =	vst.idx.add.f32.msk $0xffff, v9  }
0xe3: {  	v6 =	vshll.u32 v4, $0x10;
	v4 =	vand.u32 $0xFFFF0000, v4;
	[tilespmem:v15+s20+$0x0] =	vst.idx.add.f32.msk $0xffff, v7  }
0xe4: {  	[tilespmem:v12+s19+$0x0] =	vst.idx.add.f32.msk $0xffff, v6  }
.Ltmp12:
0xe5: {  	[tilespmem:v12+s20+$0x0] =	vst.idx.add.f32.msk $0xffff, v4;
	(pc) =	sbr.rel @p1 .LBB2_16-.Ltmp12, $4  }
0xe6: {  	[tilespmem:v16+s19+$0x0] =	vst.idx.add.f32.msk $0xffff, v13  }
0xe7: {  	[tilespmem:v16+s20+$0x0] =	vst.idx.add.f32.msk $0xffff, v18  }
0xe8: {  	[tilespmem:v8+s19+$0x0] =	vst.idx.add.f32.msk $0xffff, v5  }
0xe9: {  	s26 =	sadd.s32 $0x80, s26;
	[tilespmem:v8+s20+$0x0] =	vst.idx.add.f32.msk $0xffff, v11  }
0xea: {  	_ =	sdelay $0x3  }
0xeb: {  	[tilespmem:v1+s19+$0x0] =	vst.idx.add.f32.msk $0xffff, v3  }
0xec: {  	[tilespmem:v1+s20+$0x0] =	vst.idx.add.f32.msk $0xffff, v2  }
.LBB2_18:
0xed: {  	s25 =	sshra.s32 s24, $0x2  }
0xee: {  	v1 =	vld [tilespmem:s25+$0xB500];
	_ =	sdelay $0x4  }
0xef: {  	v2 =	vand.u32 $0xFFFF, v1;
	_ =	sdelay $0x4  }
0xf0: {  	v2 =	vld.idx.msk [tilespmem:v2+s2+$0x0], $0xffff  }
0xf1: {  	v1 =	vshrl.u32 v1, $0x10  }
0xf2: {  	p1 =	sne.s32 s24, $0xC0  }
.Ltmp13:
0xf3: {  	_ = 	snop;
	(pc) =	sbr.rel @p1 .LBB2_18-.Ltmp13, $4  }
0xf4: {  	_ = 	snop  }
0xf5: {  	v3 =	vshll.u32 v2, $0x10  }
0xf6: {  	v2 =	vand.u32 $0xFFFF0000, v2;
	[tilespmem:v1+s19+$0x0] =	vst.idx.add.f32.msk $0xffff, v3  }
0xf7: {  	s24 =	sadd.s32 $0x40, s24;
	[tilespmem:v1+s20+$0x0] =	vst.idx.add.f32.msk $0xffff, v2  }
.Ltmp14:
0xf8: {  	_ = 	snop;
	(pc) =	sbr.rel .LBB2_19-.Ltmp14, $1  }
0xf9: {  	_ =	sdelay $0x3  }
.LBB2_21:
0xfa: {  	[tilespmem:s2], [sflag:$0x3] =	stream.strided.gather [hbm4b:s8+s15], $0x2780, s16, s15, $0x38;
	[tilespmem:$0xB580] =	vst v63  }
0xfb: {  	_ =	swait.ge [sflag:s17], $0x2780  }
0xfc: {  	[sflag:s17] =	ssyncset.done $0x0  }
0xfd: {  	s23 =	simm.s32 $0x27A0;
	[sflag:s17] =	ssyncadd.s32 $0xFFFFD880  }
0xfe: {  	[tilespmem:s23+$0xFFFFFFE0] =	vst v0  }
0xff: {  	[tilespmem:s23+$0x10] =	vst v0  }
0x100: {  	s24 =	simm.s32 $0x0;
	[tilespmem:s23+$0x0] =	vst v0  }
.LBB2_22:
0x101: {  	s24 =	sadd.s32 $0x4, s24  }
0x102: {  	[tilespmem:s23+$0xFFFFFFF0] =	vst v0;
	s23 =	sadd.s32 $0x40, s23;
	p1 =	slt.u32 s24, $0x26C  }
.Ltmp15:
0x103: {  	[tilespmem:s23+$0xFFFFFFE0] =	vst v0;
	(pc) =	sbr.rel @p1 .LBB2_22-.Ltmp15, $3  }
0x104: {  	_ =	sdelay $0x1  }
0x105: {  	[tilespmem:s23+$0x10] =	vst v0  }
0x106: {  	[tilespmem:s23+$0x0] =	vst v0  }
0x107: {  	[tilespmem:s23+$0xFFFFFFF0] =	vst v0;
	s23 =	simm.s32 $0x0;
	s24 =	simm.s32 $0x0  }
.LBB2_24:
0x108: {  	p1 =	sne.s32 s24, $0x40  }
.Ltmp16:
0x109: {  	_ = 	snop;
	(pc) =	sbr.rel @p1 .LBB2_24-.Ltmp16, $3  }
0x10a: {  	_ =	sdelay $0x1  }
0x10b: {  	s25 =	sshra.s32 s24, $0x2  }
0x10c: {  	s24 =	sadd.s32 $0x40, s24;
	[tilespmem:s25+$0x4E80] =	vst v0  }
.Ltmp17:
0x10d: {  	_ = 	snop;
	(pc) =	sbr.rel .LBB2_25-.Ltmp17, $1  }
0x10e: {  	_ =	sdelay $0x3  }
.LBB2_34:
0x10f: {  	s23 =	sadd.s32 $0x1, s23  }
0x110: {  	p1 =	sne.s32 s23, $0x3  }
.Ltmp18:
0x111: {  	_ = 	snop;
	(pc) =	sbr.rel @!p1 .LBB2_35-.Ltmp18, $1  }
0x112: {  	_ =	sdelay $0x3  }
.LBB2_25:
0x113: {  	s24 =	sshllo.u32 s23, $0x1  }
0x114: {  	p1 =	sgt.u32 s24, $0x4  }
0x115: {  	s24 =	smul.u32 @!p1 $0x1F40, s24;
	_ =	sdelay $0x1  }
0x116: {  	s24 =	sadd.s32 @!p1 s5, s24  }
0x117: {  	s24 =	sshrl.u32 @!p1 s24, $0x3  }
0x118: {  	s25 =	simm.s32 @!p1 $0x0;
	s26 =	simm.s32 @!p1 $0x9600;
	s24 =	sadd.s32 @!p1 s4, s24  }
0x119: {  	[tilespmem:s26], [sflag:$0x2] =	stream.linear.gather @!p1 [hbm4b:s24+s25], $0x1F40, $0x38;
	[tilespmem:$0xB580] =	vst v63  }
0x11a: {  	_ =	swait.ge [sflag:s18], $0x1F40  }
0x11b: {  	[sflag:s18] =	ssyncset.done $0x0  }
0x11c: {  	s31 =	simm.s32 $0x76C0;
	[sflag:s18] =	ssyncadd.s32 $0xFFFFE0C0  }
0x11d: {  	v1 =	vld [tilespmem:s31+$0x30]  }
0x11e: {  	v2 =	vld [tilespmem:s31+$0xFFFFFFD0]  }
0x11f: {  	v3 =	vld [tilespmem:s31+$0xFFFFFFE0]  }
0x120: {  	v4 =	vld [tilespmem:s31+$0xFFFFFFF0]  }
0x121: {  	v5 =	vld [tilespmem:s31+$0x0]  }
0x122: {  	v6 =	vld [tilespmem:s31+$0x10];
	v7 =	vand.u32 $0xFFFF, v1  }
0x123: {  	v11 =	vld [tilespmem:s31+$0x20];
	v8 =	vand.u32 $0xFFFF, v2  }
0x124: {  	v10 =	vand.u32 $0xFFFF, v3  }
0x125: {  	v9 =	vld [tilespmem:s31+$0xFFFFFFC0];
	v12 =	vand.u32 $0xFFFF, v4  }
0x126: {  	s24 =	simm.s32 $0x0;
	v13 =	vand.u32 $0xFFFF, v5  }
0x127: {  	v14 =	vand.u32 $0xFFFF, v6;
	v7 =	vld.idx.msk [tilespmem:v7+s24+$0x0], $0xffff  }
0x128: {  	v16 =	vand.u32 $0xFFFF, v11;
	v8 =	vld.idx.msk [tilespmem:v8+s24+$0x0], $0xffff  }
0x129: {  	v1 =	vshrl.u32 v1, $0x10;
	v10 =	vld.idx.msk [tilespmem:v10+s24+$0x0], $0xffff  }
0x12a: {  	v15 =	vand.u32 $0xFFFF, v9;
	v12 =	vld.idx.msk [tilespmem:v12+s24+$0x0], $0xffff  }
0x12b: {  	v2 =	vshrl.u32 v2, $0x10;
	v13 =	vld.idx.msk [tilespmem:v13+s24+$0x0], $0xffff  }
0x12c: {  	v17 =	vshrl.u32 v3, $0x10;
	v3 =	vld.idx.msk [tilespmem:v14+s24+$0x0], $0xffff  }
0x12d: {  	v63 =	vshrl.u32 v4, $0x10;
	v4 =	vld.idx.msk [tilespmem:v16+s24+$0x0], $0xffff  }
0x12e: {  	[tilespmem:v1+s19+$0x0] =	vst.idx.add.f32.msk $0xffff, v7;
	v1 =	vshrl.u32 v5, $0x10  }
0x12f: {  	v5 =	vld.idx.msk [tilespmem:v15+s24+$0x0], $0xffff;
	v7 =	vshrl.u32 v9, $0x10  }
0x130: {  	[tilespmem:v2+s19+$0x0] =	vst.idx.add.f32.msk $0xffff, v8  }
0x131: {  	[tilespmem:v17+s19+$0x0] =	vst.idx.add.f32.msk $0xffff, v10  }
0x132: {  	[tilespmem:v63+s19+$0x0] =	vst.idx.add.f32.msk $0xffff, v12  }
0x133: {  	[tilespmem:v1+s19+$0x0] =	vst.idx.add.f32.msk $0xffff, v13  }
0x134: {  	s25 =	simm.s32 $0x0;
	s26 =	simm.s32 $0x7740;
	v2 =	vshrl.u32 v11, $0x10;
	v1 =	vshrl.u32 v6, $0x10;
	[tilespmem:v7+s19+$0x0] =	vst.idx.add.f32.msk $0xffff, v5  }
.LBB2_26:
0x135: {  	v5 =	vld [tilespmem:s26+$0x30];
	s25 =	sadd.s32 $0x8, s25  }
0x136: {  	v6 =	vld [tilespmem:s26+$0xFFFFFFD0];
	p2 =	slt.u32 s25, $0x1E8  }
0x137: {  	v7 =	vld [tilespmem:s26+$0xFFFFFFE0]  }
0x138: {  	v8 =	vld [tilespmem:s26+$0xFFFFFFF0]  }
0x139: {  	v9 =	vld [tilespmem:s26+$0x0]  }
0x13a: {  	v10 =	vld [tilespmem:s26+$0x10];
	v11 =	vand.u32 $0xFFFF, v5  }
0x13b: {  	v12 =	vshrl.u32 v6, $0x10;
	v6 =	vand.u32 $0xFFFF, v6;
	v13 =	vld [tilespmem:s26+$0x20]  }
0x13c: {  	v14 =	vld [tilespmem:s26+$0xFFFFFFC0];
	v15 =	vshrl.u32 v7, $0x10;
	v7 =	vand.u32 $0xFFFF, v7  }
0x13d: {  	v16 =	vshrl.u32 v8, $0x10;
	v8 =	vand.u32 $0xFFFF, v8;
	[tilespmem:v1+s19+$0x0] =	vst.idx.add.f32.msk $0xffff, v3  }
0x13e: {  	v17 =	vshrl.u32 v9, $0x10;
	v3 =	vand.u32 $0xFFFF, v9;
	[tilespmem:v2+s19+$0x0] =	vst.idx.add.f32.msk $0xffff, v4  }
0x13f: {  	v1 =	vshrl.u32 v10, $0x10;
	v4 =	vand.u32 $0xFFFF, v10;
	v9 =	vld.idx.msk [tilespmem:v11+s24+$0x0], $0xffff  }
0x140: {  	v5 =	vshrl.u32 v5, $0x10;
	v6 =	vld.idx.msk [tilespmem:v6+s24+$0x0], $0xffff;
	v2 =	vshrl.u32 v13, $0x10;
	v10 =	vand.u32 $0xFFFF, v13  }
0x141: {  	v11 =	vshrl.u32 v14, $0x10;
	v13 =	vand.u32 $0xFFFF, v14;
	v7 =	vld.idx.msk [tilespmem:v7+s24+$0x0], $0xffff  }
0x142: {  	v8 =	vld.idx.msk [tilespmem:v8+s24+$0x0], $0xffff  }
0x143: {  	v14 =	vld.idx.msk [tilespmem:v3+s24+$0x0], $0xffff  }
0x144: {  	v3 =	vld.idx.msk [tilespmem:v4+s24+$0x0], $0xffff  }
0x145: {  	[tilespmem:v5+s19+$0x0] =	vst.idx.add.f32.msk $0xffff, v9  }
0x146: {  	v5 =	vld.idx.msk [tilespmem:v13+s24+$0x0], $0xffff  }
0x147: {  	v4 =	vld.idx.msk [tilespmem:v10+s24+$0x0], $0xffff  }
.Ltmp19:
0x148: {  	[tilespmem:v12+s19+$0x0] =	vst.idx.add.f32.msk $0xffff, v6;
	(pc) =	sbr.rel @p2 .LBB2_26-.Ltmp19, $4  }
0x149: {  	[tilespmem:v15+s19+$0x0] =	vst.idx.add.f32.msk $0xffff, v7  }
0x14a: {  	[tilespmem:v16+s19+$0x0] =	vst.idx.add.f32.msk $0xffff, v8  }
0x14b: {  	[tilespmem:v17+s19+$0x0] =	vst.idx.add.f32.msk $0xffff, v14  }
0x14c: {  	s26 =	sadd.s32 $0x80, s26;
	[tilespmem:v11+s19+$0x0] =	vst.idx.add.f32.msk $0xffff, v5  }
0x14d: {  	_ =	sdelay $0x3  }
0x14e: {  	[tilespmem:v1+s19+$0x0] =	vst.idx.add.f32.msk $0xffff, v3  }
0x14f: {  	[tilespmem:v2+s19+$0x0] =	vst.idx.add.f32.msk $0xffff, v4  }
.LBB2_28:
0x150: {  	s25 =	sshra.s32 s24, $0x2  }
0x151: {  	v1 =	vld [tilespmem:s25+$0x9580];
	_ =	sdelay $0x4  }
0x152: {  	v2 =	vand.u32 $0xFFFF, v1;
	_ =	sdelay $0x4  }
0x153: {  	p2 =	sne.s32 s24, $0xC0;
	v1 =	vshrl.u32 v1, $0x10;
	v2 =	vld.idx.msk [tilespmem:v2+s2+$0x0], $0xffff  }
.Ltmp20:
0x154: {  	_ = 	snop;
	(pc) =	sbr.rel @p2 .LBB2_28-.Ltmp20, $2  }
0x155: {  	_ =	sdelay $0x2  }
0x156: {  	s24 =	sadd.s32 $0x40, s24;
	[tilespmem:v1+s19+$0x0] =	vst.idx.add.f32.msk $0xffff, v2  }
0x157: {  	p2 =	seq.s32 s23, $0x2  }
0x158: {  	s24 =	smul.u32 @!p2 $0x3E80, s23  }
.Ltmp21:
0x159: {  	_ = 	snop;
	(pc) =	sbr.rel @p1 .LBB2_34-.Ltmp21, $4  }
0x15a: {  	s24 =	sadd.s32 @!p2 s24, s9  }
0x15b: {  	s24 =	sshrl.u32 @!p2 s24, $0x3  }
0x15c: {  	s25 =	simm.s32 @!p2 $0x0;
	s26 =	simm.s32 @!p2 $0x7680;
	s24 =	sadd.s32 @!p2 s4, s24  }
0x15d: {  	[tilespmem:s26], [sflag:$0x1] =	stream.linear.gather @!p2 [hbm4b:s24+s25], $0x1F40, $0x38;
	[tilespmem:$0xB580] =	vst v63  }
0x15e: {  	_ =	swait.ge [sflag:s21], $0x1F40  }
0x15f: {  	[sflag:s21] =	ssyncset.done $0x0  }
0x160: {  	s24 =	simm.s32 $0x9640;
	[sflag:s21] =	ssyncadd.s32 $0xFFFFE0C0  }
0x161: {  	v1 =	vld [tilespmem:s24+$0x30]  }
0x162: {  	v2 =	vld [tilespmem:s24+$0xFFFFFFD0]  }
0x163: {  	v3 =	vld [tilespmem:s24+$0xFFFFFFE0]  }
0x164: {  	v4 =	vld [tilespmem:s24+$0xFFFFFFF0]  }
0x165: {  	v5 =	vld [tilespmem:s24+$0x0]  }
0x166: {  	v6 =	vld [tilespmem:s24+$0x10];
	v7 =	vand.u32 $0xFFFF, v1  }
0x167: {  	v11 =	vld [tilespmem:s24+$0x20];
	v8 =	vand.u32 $0xFFFF, v2  }
0x168: {  	v10 =	vand.u32 $0xFFFF, v3  }
0x169: {  	v9 =	vld [tilespmem:s24+$0xFFFFFFC0];
	v12 =	vand.u32 $0xFFFF, v4  }
0x16a: {  	s24 =	simm.s32 $0x0;
	v13 =	vand.u32 $0xFFFF, v5  }
0x16b: {  	v14 =	vand.u32 $0xFFFF, v6;
	v7 =	vld.idx.msk [tilespmem:v7+s24+$0x0], $0xffff  }
0x16c: {  	v16 =	vand.u32 $0xFFFF, v11;
	v8 =	vld.idx.msk [tilespmem:v8+s24+$0x0], $0xffff  }
0x16d: {  	v1 =	vshrl.u32 v1, $0x10;
	v10 =	vld.idx.msk [tilespmem:v10+s24+$0x0], $0xffff  }
0x16e: {  	v15 =	vand.u32 $0xFFFF, v9;
	v12 =	vld.idx.msk [tilespmem:v12+s24+$0x0], $0xffff  }
0x16f: {  	v2 =	vshrl.u32 v2, $0x10;
	v13 =	vld.idx.msk [tilespmem:v13+s24+$0x0], $0xffff  }
0x170: {  	v17 =	vshrl.u32 v3, $0x10;
	v3 =	vld.idx.msk [tilespmem:v14+s24+$0x0], $0xffff  }
0x171: {  	v63 =	vshrl.u32 v4, $0x10;
	v4 =	vld.idx.msk [tilespmem:v16+s24+$0x0], $0xffff  }
0x172: {  	[tilespmem:v1+s19+$0x0] =	vst.idx.add.f32.msk $0xffff, v7;
	v1 =	vshrl.u32 v5, $0x10  }
0x173: {  	v5 =	vld.idx.msk [tilespmem:v15+s24+$0x0], $0xffff;
	v7 =	vshrl.u32 v9, $0x10  }
0x174: {  	[tilespmem:v2+s19+$0x0] =	vst.idx.add.f32.msk $0xffff, v8  }
0x175: {  	[tilespmem:v17+s19+$0x0] =	vst.idx.add.f32.msk $0xffff, v10  }
0x176: {  	[tilespmem:v63+s19+$0x0] =	vst.idx.add.f32.msk $0xffff, v12  }
0x177: {  	[tilespmem:v1+s19+$0x0] =	vst.idx.add.f32.msk $0xffff, v13  }
0x178: {  	s25 =	simm.s32 $0x0;
	s26 =	simm.s32 $0x96C0;
	v2 =	vshrl.u32 v11, $0x10;
	v1 =	vshrl.u32 v6, $0x10;
	[tilespmem:v7+s19+$0x0] =	vst.idx.add.f32.msk $0xffff, v5  }
.LBB2_31:
0x179: {  	v5 =	vld [tilespmem:s26+$0x30];
	s25 =	sadd.s32 $0x8, s25  }
0x17a: {  	v6 =	vld [tilespmem:s26+$0xFFFFFFD0];
	p1 =	slt.u32 s25, $0x1E8  }
0x17b: {  	v7 =	vld [tilespmem:s26+$0xFFFFFFE0]  }
0x17c: {  	v8 =	vld [tilespmem:s26+$0xFFFFFFF0]  }
0x17d: {  	v9 =	vld [tilespmem:s26+$0x0]  }
0x17e: {  	v10 =	vld [tilespmem:s26+$0x10];
	v11 =	vand.u32 $0xFFFF, v5  }
0x17f: {  	v12 =	vshrl.u32 v6, $0x10;
	v6 =	vand.u32 $0xFFFF, v6;
	v13 =	vld [tilespmem:s26+$0x20]  }
0x180: {  	v14 =	vld [tilespmem:s26+$0xFFFFFFC0];
	v15 =	vshrl.u32 v7, $0x10;
	v7 =	vand.u32 $0xFFFF, v7  }
0x181: {  	v16 =	vshrl.u32 v8, $0x10;
	v8 =	vand.u32 $0xFFFF, v8;
	[tilespmem:v1+s19+$0x0] =	vst.idx.add.f32.msk $0xffff, v3  }
0x182: {  	v17 =	vshrl.u32 v9, $0x10;
	v3 =	vand.u32 $0xFFFF, v9;
	[tilespmem:v2+s19+$0x0] =	vst.idx.add.f32.msk $0xffff, v4  }
0x183: {  	v1 =	vshrl.u32 v10, $0x10;
	v4 =	vand.u32 $0xFFFF, v10;
	v9 =	vld.idx.msk [tilespmem:v11+s24+$0x0], $0xffff  }
0x184: {  	v5 =	vshrl.u32 v5, $0x10;
	v6 =	vld.idx.msk [tilespmem:v6+s24+$0x0], $0xffff;
	v2 =	vshrl.u32 v13, $0x10;
	v10 =	vand.u32 $0xFFFF, v13  }
0x185: {  	v11 =	vshrl.u32 v14, $0x10;
	v13 =	vand.u32 $0xFFFF, v14;
	v7 =	vld.idx.msk [tilespmem:v7+s24+$0x0], $0xffff  }
0x186: {  	v8 =	vld.idx.msk [tilespmem:v8+s24+$0x0], $0xffff  }
0x187: {  	v14 =	vld.idx.msk [tilespmem:v3+s24+$0x0], $0xffff  }
0x188: {  	v3 =	vld.idx.msk [tilespmem:v4+s24+$0x0], $0xffff  }
0x189: {  	[tilespmem:v5+s19+$0x0] =	vst.idx.add.f32.msk $0xffff, v9  }
0x18a: {  	v5 =	vld.idx.msk [tilespmem:v13+s24+$0x0], $0xffff  }
0x18b: {  	v4 =	vld.idx.msk [tilespmem:v10+s24+$0x0], $0xffff  }
.Ltmp22:
0x18c: {  	[tilespmem:v12+s19+$0x0] =	vst.idx.add.f32.msk $0xffff, v6;
	(pc) =	sbr.rel @p1 .LBB2_31-.Ltmp22, $4  }
0x18d: {  	[tilespmem:v15+s19+$0x0] =	vst.idx.add.f32.msk $0xffff, v7  }
0x18e: {  	[tilespmem:v16+s19+$0x0] =	vst.idx.add.f32.msk $0xffff, v8  }
0x18f: {  	[tilespmem:v17+s19+$0x0] =	vst.idx.add.f32.msk $0xffff, v14  }
0x190: {  	s26 =	sadd.s32 $0x80, s26;
	[tilespmem:v11+s19+$0x0] =	vst.idx.add.f32.msk $0xffff, v5  }
0x191: {  	_ =	sdelay $0x3  }
0x192: {  	[tilespmem:v1+s19+$0x0] =	vst.idx.add.f32.msk $0xffff, v3  }
0x193: {  	[tilespmem:v2+s19+$0x0] =	vst.idx.add.f32.msk $0xffff, v4  }
.LBB2_33:
0x194: {  	s25 =	sshra.s32 s24, $0x2  }
0x195: {  	v1 =	vld [tilespmem:s25+$0xB500];
	_ =	sdelay $0x4  }
0x196: {  	v2 =	vand.u32 $0xFFFF, v1;
	_ =	sdelay $0x4  }
0x197: {  	p1 =	sne.s32 s24, $0xC0;
	v1 =	vshrl.u32 v1, $0x10;
	v2 =	vld.idx.msk [tilespmem:v2+s2+$0x0], $0xffff  }
.Ltmp23:
0x198: {  	_ = 	snop;
	(pc) =	sbr.rel @p1 .LBB2_33-.Ltmp23, $2  }
0x199: {  	_ =	sdelay $0x2  }
0x19a: {  	s24 =	sadd.s32 $0x40, s24;
	[tilespmem:v1+s19+$0x0] =	vst.idx.add.f32.msk $0xffff, v2  }
.Ltmp24:
0x19b: {  	_ = 	snop;
	(pc) =	sbr.rel .LBB2_34-.Ltmp24, $1  }
0x19c: {  	_ =	sdelay $0x3  }
.LBB2_20:
.Ltmp25:
0x19d: {  	(pc) =	sbr.rel .LBB2_36-.Ltmp25, $4  }
0x19e: {  	[hbm4b:s11+s15] =	stream.strided.scatter [tilespmem:s19], [sflag:$0x3], $0x2780, s16, s15, $0x38;
	[tilespmem:$0xB580] =	vst v63  }
0x19f: {  	_ =	swait.ge [sflag:s17], $0x2780  }
0x1a0: {  	[sflag:s17] =	ssyncset.done $0x0  }
0x1a1: {  	s23 =	simm.s32 $0x4F00;
	s24 =	smov.u32 s12;
	[sflag:s17] =	ssyncadd.s32 $0xFFFFD880  }
.LBB2_37:
0x1a2: {  	_ =	sfence.sel $0x180000  }
0x1a3: {  	[bflag:$0x0] =	sbarrier.arrive $0xFFFF  }
0x1a4: {  	p0 =	sne.s32 s0, $0x0;
	_ =	strace $0x90000050  }
0x1a5: {  	s0 =	sadd.s32 @!p0 $0x100000, s1;
	[bflag:$0x2] =	sbarrier.arrive $0xFFFF  }
0x1a6: {  	[sflag:s0] =	ssyncadd.tile.s32 @!p0 $0x1;
	_ =	shalt  }
.Lfunc_end2:
_tile_overlayer_lowered:
.L_overlay_start_2:
0x1a7: {  	(tag) =	ssettag $0x2  }
0x1a8: {  	s0 =	rddreg [dreg:$0x0];
	s2 =	stileid.u32  }
0x1a9: {  	s1 =	rddreg [dreg:$0x1];
	p0 =	sne.s32 s2, $0x0  }
0x1aa: {  	s3 =	rddreg [dreg:$0x2];
	[bflag:$0x3] =	sbarrier.arrive $0xFFFF;
	s2 =	simm.s32 @!p0 $0x1C03  }
0x1ab: {  	[timem:s3], [sflag:s2] =	dma.local @!p0 [hbm:s0], s1  }
0x1ac: {  	s0 =	simm.s32 @!p0 $0x3  }
0x1ad: {  	_ =	swait.ge @!p0 [sflag:s0], s1  }
0x1ae: {  	s1 =	ssub.s32 @!p0 $0x0, s1;
	[sflag:s0] =	ssyncset.done @!p0 $0x0  }
0x1af: {  	[sflag:s0] =	ssyncadd.s32 @!p0 s1  }
0x1b0: {  	[bflag:$0x3] =	sbarrier.arrive $0xFFFF  }
0x1b1: {  	_ =	shalt  }

</sc_bundles>
